<compile_context>
chip_gen: v7x
topology: tpu7x:2x2x1
jax: 0.10.2.dev20260603
libtpu: 0.0.44.dev20260713+nightly
codegen_flags: <defaults>
</compile_context>

<pallas_src>
import functools

import jax
import jax.numpy as jnp
from jax import lax
from jax.experimental import pallas as pl
from jax.experimental.pallas import tpu as pltpu
from jax.experimental.pallas import tpu_sc as plsc

_CHUNK = 104
_CHUNKS_PER_ROW = 2
_SPAD = _CHUNK * _CHUNKS_PER_ROW
_NBUF = 2
_UNROLL = 16
_LANES = 16


@functools.cache
def _make_row_kernel(B, E):
    info = plsc.get_sparse_core_info()
    NC, NS = info.num_cores, info.num_subcores
    NW = NC * NS
    rows_w = B // NW
    nch = rows_w * _CHUNKS_PER_ROW
    nvec = E // _LANES
    mesh = plsc.VectorSubcoreMesh(core_axis_name="c", subcore_axis_name="s")

    @functools.partial(
        pl.kernel,
        out_type=jax.ShapeDtypeStruct((B, E), jnp.float32),
        mesh=mesh,
        compiler_params=pltpu.CompilerParams(use_tc_tiling_on_sc=False),
        scratch_types=[
            pltpu.VMEM((nch, _CHUNK), jnp.int32),
            pltpu.VMEM((4, _CHUNK, E), jnp.float32),
            pltpu.VMEM((rows_w, E), jnp.float32),
            pltpu.SemaphoreType.DMA,
            pltpu.SemaphoreType.DMA,
            pltpu.SemaphoreType.DMA,
            pltpu.SemaphoreType.DMA,
        ],
    )
    def bow(idx_hbm, table_hbm, out_hbm, idx_v, buf_v, out_v, s0, s1, s2, s3):
        sems = (s0, s1, s2, s3)
        wid = lax.axis_index("s") * NC + lax.axis_index("c")
        base = wid * nch
        pltpu.sync_copy(idx_hbm.at[pl.ds(base, nch)], idx_v)

        def gather(c, slot):
            return pltpu.make_async_copy(
                table_hbm.at[idx_v.at[c]], buf_v.at[slot], sems[slot])

        def reduce_into(slot, acc):
            def body(jj, a):
                a = list(a)
                for u in range(8):
                    j = jj * 8 + u
                    for k in range(nvec):
                        a[k] = jnp.maximum(
                            a[k], buf_v[slot, j, pl.ds(k * _LANES, _LANES)])
                return tuple(a)
            return lax.fori_loop(0, _CHUNK // 8, body, acc)

        neg_inf = jnp.full((_LANES,), -jnp.inf, dtype=jnp.float32)

        def finalize(row, acc):
            for k in range(nvec):
                x = acc[k]
                out_v[row, pl.ds(k * _LANES, _LANES)] = (
                    1.0 - 2.0 / (jnp.exp(2.0 * x) + 1.0))

        for i in range(4):
            gather(i, i).start()

        def step(c0, last):
            acc = (neg_inf,) * nvec
            for i in range(4):
                c = c0 + i
                gather(c, i).wait()
                acc = reduce_into(i, acc)
                if i % _CHUNKS_PER_ROW == _CHUNKS_PER_ROW - 1:
                    finalize(c // _CHUNKS_PER_ROW, acc)
                    acc = (neg_inf,) * nvec
                if not last:
                    gather(c + 4, i).start()

        @pl.loop(0, nch - 4, step=4)
        def _(c0):
            step(c0, False)

        step(nch - 4, True)
        pltpu.sync_copy(out_v, out_hbm.at[pl.ds(wid * rows_w, rows_w)])

    return bow


def kernel(input, emb_table):
    B, S = input.shape
    V, E = emb_table.shape
    idx = input.astype(jnp.int32)
    idx = jnp.concatenate(
        [idx, jnp.broadcast_to(idx[:, :1], (B, _SPAD - S))], axis=1)
    idx2 = idx.reshape(B * _CHUNKS_PER_ROW, _CHUNK)
    return _make_row_kernel(B, E)(idx2, emb_table)

# --- scband reference (transcript-rebuilt; emitter-appended) ---
"""Pipeline reference for scband-bowencoder-25211458027926 (READ-ONLY COPY).

The authoritative reference and input builder live on the scoring server;
editing this copy changes nothing except your own understanding.
"""

import jax, jax.numpy as jnp
import numpy as np

VOCAB = 1000000
EMB = 64
B = 4096
S = 200

def setup_inputs(seed: int = 0) -> dict:
    key = jax.random.key(seed)
    k1, k2 = jax.random.split(key)
    inp = jax.random.randint(k1, (B, S), 0, VOCAB, dtype=jnp.int64 if jax.config.jax_enable_x64 else jnp.int32)
    emb_table = jax.random.normal(k2, (VOCAB, EMB), dtype=jnp.float32) * 0.02
    return {"input": inp, "emb_table": emb_table}

def reference(input, emb_table):
    # nn.Embedding lookup -> gather
    embedded = jnp.take(emb_table, input, axis=0)  # [B, S, E]
    # F.dropout(p=0.25, training=False) is identity in eval mode
    # max_pool1d over full seq_len == max over sequence dimension
    pooled = jnp.max(embedded, axis=1)  # [B, E]
    encoding = jnp.tanh(pooled)
    return encoding

if __name__ == "__main__":
    import jax
    _d = setup_inputs()
    print(jax.jit(kernel)(*tuple(_d.values())))

</pallas_src>

<mosaic_0001>
#map = affine_map<(d0, d1) -> (0, 0)>
module attributes {stable_mosaic.version = 14 : i64} {
  func.func @bow(%arg0: i32, %arg1: i32, %arg2: memref<8192x104xi32, #tpu.memory_space<hbm>>, %arg3: memref<1000000x64xf32, #tpu.memory_space<hbm>>, %arg4: memref<4096x64xf32, #tpu.memory_space<hbm>>, %arg5: memref<256x104xi32, #tpu.memory_space<vmem>>, %arg6: memref<4x104x64xf32, #tpu.memory_space<vmem>>, %arg7: memref<128x64xf32, #tpu.memory_space<vmem>>, %arg8: memref<!tpu.dma_semaphore, #tpu.memory_space<semaphore_mem>>, %arg9: memref<!tpu.dma_semaphore, #tpu.memory_space<semaphore_mem>>, %arg10: memref<!tpu.dma_semaphore, #tpu.memory_space<semaphore_mem>>, %arg11: memref<!tpu.dma_semaphore, #tpu.memory_space<semaphore_mem>>) attributes {dimension_semantics = [#tpu.dimension_semantics<core_parallel>, #tpu.dimension_semantics<subcore_parallel>], iteration_bounds = array<i64: 2, 16>, scalar_prefetch = 0 : i64, scratch_operands = 7 : i64, tpu.core_type = #tpu.core_type<sc_vector_subcore>, window_params = [{transform_indices = #map}, {transform_indices = #map}, {transform_indices = #map}]} {
    %mul3A = arith.constant 2 : i32
    %mul3A_0 = arith.muli %arg1, %mul3A : i32
    %add3A = arith.addi %mul3A_0, %arg0 : i32
    %mul3A_1 = arith.constant 256 : i32
    %mul3A_2 = arith.muli %add3A, %mul3A_1 : i32
    "tpu.region"() ({
      %run_scoped3A = tpu.sem_alloc : memref<!tpu.dma_semaphore, #tpu.memory_space<semaphore_mem>>
      %dma_start3A_276 = arith.constant 0 : i32
      %dma_start3A_277 = tpu.memref_slice %arg2[%mul3A_2, %dma_start3A_276] : memref<8192x104xi32, #tpu.memory_space<hbm>> -> memref<256x104xi32, #tpu.memory_space<hbm>>
      %dma_start3A_278 = arith.constant 0 : i32
      %dma_start3A_279 = tpu.memref_slice %arg2[%mul3A_2, %dma_start3A_278] : memref<8192x104xi32, #tpu.memory_space<hbm>> -> memref<256x104xi32, #tpu.memory_space<hbm>>
      tpu.enqueue_dma source(%dma_start3A_279 : memref<256x104xi32, #tpu.memory_space<hbm>>) target(%arg5 : memref<256x104xi32, #tpu.memory_space<vmem>>) target_semaphore(%run_scoped3A : memref<!tpu.dma_semaphore, #tpu.memory_space<semaphore_mem>>)
      %dma_wait3A_280 = arith.constant 0 : i32
      %dma_wait3A_281 = tpu.memref_slice %arg2[%mul3A_2, %dma_wait3A_280] : memref<8192x104xi32, #tpu.memory_space<hbm>> -> memref<256x104xi32, #tpu.memory_space<hbm>>
      %dma_wait3A_282 = arith.constant 0 : i32
      %dma_wait3A_283 = tpu.memref_slice %arg2[%mul3A_2, %dma_wait3A_282] : memref<8192x104xi32, #tpu.memory_space<hbm>> -> memref<256x104xi32, #tpu.memory_space<hbm>>
      tpu.wait_dma2 semaphore(%run_scoped3A : memref<!tpu.dma_semaphore, #tpu.memory_space<semaphore_mem>>) src(%dma_wait3A_283 : memref<256x104xi32, #tpu.memory_space<hbm>>) dst(%arg5 : memref<256x104xi32, #tpu.memory_space<vmem>>)
      tpu.yield
    }) : () -> ()
    %broadcast_in_dim3A = arith.constant 0xFF800000 : f32
    %broadcast_in_dim3A_3 = vector.broadcast %broadcast_in_dim3A : f32 to vector<16xf32>
    %dma_start3A = arith.constant 0 : i32
    %dma_start3A_4 = arith.constant 0 : i32
    %dma_start3A_5 = arith.constant 0 : i32
    %dma_start3A_6 = arith.constant 0 : i32
    %dma_start3A_7 = tpu.memref_slice %arg6[%dma_start3A_4, %dma_start3A_5, %dma_start3A_6] : memref<4x104x64xf32, #tpu.memory_space<vmem>> -> memref<1x104x64xf32, #tpu.memory_space<vmem>>
    %dma_start3A_8 = tpu.memref_squeeze %dma_start3A_7 : memref<1x104x64xf32, #tpu.memory_space<vmem>> -> memref<104x64xf32, #tpu.memory_space<vmem>>
    %dma_start3A_9 = arith.constant 0 : i32
    %dma_start3A_10 = tpu.memref_slice %arg5[%dma_start3A, %dma_start3A_9] : memref<256x104xi32, #tpu.memory_space<vmem>> -> memref<1x104xi32, #tpu.memory_space<vmem>>
    %dma_start3A_11 = tpu.memref_squeeze %dma_start3A_10 : memref<1x104xi32, #tpu.memory_space<vmem>> -> memref<104xi32, #tpu.memory_space<vmem>>
    %dma_start3A_12 = arith.constant 0 : i32
    %dma_start3A_13 = arith.constant 0 : i32
    %dma_start3A_14 = tpu.memref_slice %arg3[%dma_start3A_12, %dma_start3A_13] : memref<1000000x64xf32, #tpu.memory_space<hbm>> -> memref<1000000x64xf32, #tpu.memory_space<hbm>>
    tpu.enqueue_indirect_dma source(%dma_start3A_14 : memref<1000000x64xf32, #tpu.memory_space<hbm>>) target(%dma_start3A_8 : memref<104x64xf32, #tpu.memory_space<vmem>>) offsets(%dma_start3A_11 : memref<104xi32, #tpu.memory_space<vmem>>) semaphore(%arg8 : memref<!tpu.dma_semaphore, #tpu.memory_space<semaphore_mem>>)
    %dma_start3A_15 = arith.constant 1 : i32
    %dma_start3A_16 = arith.constant 1 : i32
    %dma_start3A_17 = arith.constant 0 : i32
    %dma_start3A_18 = arith.constant 0 : i32
    %dma_start3A_19 = tpu.memref_slice %arg6[%dma_start3A_16, %dma_start3A_17, %dma_start3A_18] : memref<4x104x64xf32, #tpu.memory_space<vmem>> -> memref<1x104x64xf32, #tpu.memory_space<vmem>>
    %dma_start3A_20 = tpu.memref_squeeze %dma_start3A_19 : memref<1x104x64xf32, #tpu.memory_space<vmem>> -> memref<104x64xf32, #tpu.memory_space<vmem>>
    %dma_start3A_21 = arith.constant 0 : i32
    %dma_start3A_22 = tpu.memref_slice %arg5[%dma_start3A_15, %dma_start3A_21] : memref<256x104xi32, #tpu.memory_space<vmem>> -> memref<1x104xi32, #tpu.memory_space<vmem>>
    %dma_start3A_23 = tpu.memref_squeeze %dma_start3A_22 : memref<1x104xi32, #tpu.memory_space<vmem>> -> memref<104xi32, #tpu.memory_space<vmem>>
    %dma_start3A_24 = arith.constant 0 : i32
    %dma_start3A_25 = arith.constant 0 : i32
    %dma_start3A_26 = tpu.memref_slice %arg3[%dma_start3A_24, %dma_start3A_25] : memref<1000000x64xf32, #tpu.memory_space<hbm>> -> memref<1000000x64xf32, #tpu.memory_space<hbm>>
    tpu.enqueue_indirect_dma source(%dma_start3A_26 : memref<1000000x64xf32, #tpu.memory_space<hbm>>) target(%dma_start3A_20 : memref<104x64xf32, #tpu.memory_space<vmem>>) offsets(%dma_start3A_23 : memref<104xi32, #tpu.memory_space<vmem>>) semaphore(%arg9 : memref<!tpu.dma_semaphore, #tpu.memory_space<semaphore_mem>>)
    %dma_start3A_27 = arith.constant 2 : i32
    %dma_start3A_28 = arith.constant 2 : i32
    %dma_start3A_29 = arith.constant 0 : i32
    %dma_start3A_30 = arith.constant 0 : i32
    %dma_start3A_31 = tpu.memref_slice %arg6[%dma_start3A_28, %dma_start3A_29, %dma_start3A_30] : memref<4x104x64xf32, #tpu.memory_space<vmem>> -> memref<1x104x64xf32, #tpu.memory_space<vmem>>
    %dma_start3A_32 = tpu.memref_squeeze %dma_start3A_31 : memref<1x104x64xf32, #tpu.memory_space<vmem>> -> memref<104x64xf32, #tpu.memory_space<vmem>>
    %dma_start3A_33 = arith.constant 0 : i32
    %dma_start3A_34 = tpu.memref_slice %arg5[%dma_start3A_27, %dma_start3A_33] : memref<256x104xi32, #tpu.memory_space<vmem>> -> memref<1x104xi32, #tpu.memory_space<vmem>>
    %dma_start3A_35 = tpu.memref_squeeze %dma_start3A_34 : memref<1x104xi32, #tpu.memory_space<vmem>> -> memref<104xi32, #tpu.memory_space<vmem>>
    %dma_start3A_36 = arith.constant 0 : i32
    %dma_start3A_37 = arith.constant 0 : i32
    %dma_start3A_38 = tpu.memref_slice %arg3[%dma_start3A_36, %dma_start3A_37] : memref<1000000x64xf32, #tpu.memory_space<hbm>> -> memref<1000000x64xf32, #tpu.memory_space<hbm>>
    tpu.enqueue_indirect_dma source(%dma_start3A_38 : memref<1000000x64xf32, #tpu.memory_space<hbm>>) target(%dma_start3A_32 : memref<104x64xf32, #tpu.memory_space<vmem>>) offsets(%dma_start3A_35 : memref<104xi32, #tpu.memory_space<vmem>>) semaphore(%arg10 : memref<!tpu.dma_semaphore, #tpu.memory_space<semaphore_mem>>)
    %dma_start3A_39 = arith.constant 3 : i32
    %dma_start3A_40 = arith.constant 3 : i32
    %dma_start3A_41 = arith.constant 0 : i32
    %dma_start3A_42 = arith.constant 0 : i32
    %dma_start3A_43 = tpu.memref_slice %arg6[%dma_start3A_40, %dma_start3A_41, %dma_start3A_42] : memref<4x104x64xf32, #tpu.memory_space<vmem>> -> memref<1x104x64xf32, #tpu.memory_space<vmem>>
    %dma_start3A_44 = tpu.memref_squeeze %dma_start3A_43 : memref<1x104x64xf32, #tpu.memory_space<vmem>> -> memref<104x64xf32, #tpu.memory_space<vmem>>
    %dma_start3A_45 = arith.constant 0 : i32
    %dma_start3A_46 = tpu.memref_slice %arg5[%dma_start3A_39, %dma_start3A_45] : memref<256x104xi32, #tpu.memory_space<vmem>> -> memref<1x104xi32, #tpu.memory_space<vmem>>
    %dma_start3A_47 = tpu.memref_squeeze %dma_start3A_46 : memref<1x104xi32, #tpu.memory_space<vmem>> -> memref<104xi32, #tpu.memory_space<vmem>>
    %dma_start3A_48 = arith.constant 0 : i32
    %dma_start3A_49 = arith.constant 0 : i32
    %dma_start3A_50 = tpu.memref_slice %arg3[%dma_start3A_48, %dma_start3A_49] : memref<1000000x64xf32, #tpu.memory_space<hbm>> -> memref<1000000x64xf32, #tpu.memory_space<hbm>>
    tpu.enqueue_indirect_dma source(%dma_start3A_50 : memref<1000000x64xf32, #tpu.memory_space<hbm>>) target(%dma_start3A_44 : memref<104x64xf32, #tpu.memory_space<vmem>>) offsets(%dma_start3A_47 : memref<104xi32, #tpu.memory_space<vmem>>) semaphore(%arg11 : memref<!tpu.dma_semaphore, #tpu.memory_space<semaphore_mem>>)
    %scan3A = arith.constant 0 : i32
    %scan3A_51 = arith.constant 63 : i32
    %scan3A_52 = arith.addi %scan3A, %scan3A_51 : i32
    %scan3A_53 = arith.constant 1 : i32
    scf.for %scan3A_276 = %scan3A to %scan3A_52 step %scan3A_53  : i32 {
      %mul3A_277 = arith.constant 4 : i32
      %mul3A_278 = arith.muli %scan3A_276, %mul3A_277 : i32
      %add3A_279 = arith.constant 0 : i32
      %add3A_280 = arith.addi %add3A_279, %mul3A_278 : i32
      %add3A_281 = arith.constant 0 : i32
      %add3A_282 = arith.addi %add3A_280, %add3A_281 : i32
      %dma_wait3A_283 = arith.constant 0 : i32
      %dma_wait3A_284 = arith.constant 0 : i32
      %dma_wait3A_285 = arith.constant 0 : i32
      %dma_wait3A_286 = tpu.memref_slice %arg6[%dma_wait3A_283, %dma_wait3A_284, %dma_wait3A_285] : memref<4x104x64xf32, #tpu.memory_space<vmem>> -> memref<1x104x64xf32, #tpu.memory_space<vmem>>
      %dma_wait3A_287 = tpu.memref_squeeze %dma_wait3A_286 : memref<1x104x64xf32, #tpu.memory_space<vmem>> -> memref<104x64xf32, #tpu.memory_space<vmem>>
      %dma_wait3A_288 = arith.constant 0 : i32
      %dma_wait3A_289 = tpu.memref_slice %arg5[%add3A_282, %dma_wait3A_288] : memref<256x104xi32, #tpu.memory_space<vmem>> -> memref<1x104xi32, #tpu.memory_space<vmem>>
      %dma_wait3A_290 = tpu.memref_squeeze %dma_wait3A_289 : memref<1x104xi32, #tpu.memory_space<vmem>> -> memref<104xi32, #tpu.memory_space<vmem>>
      %dma_wait3A_291 = arith.constant 0 : i32
      %dma_wait3A_292 = arith.constant 0 : i32
      %dma_wait3A_293 = tpu.memref_slice %arg3[%dma_wait3A_291, %dma_wait3A_292] : memref<1000000x64xf32, #tpu.memory_space<hbm>> -> memref<1000000x64xf32, #tpu.memory_space<hbm>>
      tpu.wait_indirect_dma semaphore(%arg8 : memref<!tpu.dma_semaphore, #tpu.memory_space<semaphore_mem>>) src(%dma_wait3A_293 : memref<1000000x64xf32, #tpu.memory_space<hbm>>) dst(%dma_wait3A_287 : memref<104x64xf32, #tpu.memory_space<vmem>>)
      %scan3A_294 = arith.constant 0 : i32
      %scan3A_295 = arith.constant 13 : i32
      %scan3A_296 = arith.addi %scan3A_294, %scan3A_295 : i32
      %scan3A_297 = arith.constant 1 : i32
      %scan3A_298:4 = scf.for %scan3A_595 = %scan3A_294 to %scan3A_296 step %scan3A_297 iter_args(%scan3A_596 = %broadcast_in_dim3A_3, %scan3A_597 = %broadcast_in_dim3A_3, %scan3A_598 = %broadcast_in_dim3A_3, %scan3A_599 = %broadcast_in_dim3A_3) -> (vector<16xf32>, vector<16xf32>, vector<16xf32>, vector<16xf32>)  : i32 {
        %mul3A_600 = arith.constant 8 : i32
        %mul3A_601 = arith.muli %scan3A_595, %mul3A_600 : i32
        %add3A_602 = arith.constant 0 : i32
        %add3A_603 = arith.addi %mul3A_601, %add3A_602 : i32
        %get3A = arith.constant 0 : i32
        %get3A_604 = arith.index_cast %get3A : i32 to index
        %get3A_605 = arith.index_cast %add3A_603 : i32 to index
        %get3A_606 = arith.constant 0 : index
        %get3A_607 = tpu.vector_load %arg6[%get3A_604, %get3A_605, %get3A_606] {strides = array<i32>} : memref<4x104x64xf32, #tpu.memory_space<vmem>>, vector<1x1x16xf32>,
        %get3A_608 = vector.shape_cast %get3A_607 : vector<1x1x16xf32> to vector<16xf32>
        %max3A = arith.maximumf %scan3A_596, %get3A_608 : vector<16xf32>
        %get3A_609 = arith.constant 0 : i32
        %get3A_610 = arith.index_cast %get3A_609 : i32 to index
        %get3A_611 = arith.index_cast %add3A_603 : i32 to index
        %get3A_612 = arith.constant 16 : index
        %get3A_613 = tpu.vector_load %arg6[%get3A_610, %get3A_611, %get3A_612] {strides = array<i32>} : memref<4x104x64xf32, #tpu.memory_space<vmem>>, vector<1x1x16xf32>,
        %get3A_614 = vector.shape_cast %get3A_613 : vector<1x1x16xf32> to vector<16xf32>
        %max3A_615 = arith.maximumf %scan3A_597, %get3A_614 : vector<16xf32>
        %get3A_616 = arith.constant 0 : i32
        %get3A_617 = arith.index_cast %get3A_616 : i32 to index
        %get3A_618 = arith.index_cast %add3A_603 : i32 to index
        %get3A_619 = arith.constant 32 : index
        %get3A_620 = tpu.vector_load %arg6[%get3A_617, %get3A_618, %get3A_619] {strides = array<i32>} : memref<4x104x64xf32, #tpu.memory_space<vmem>>, vector<1x1x16xf32>,
        %get3A_621 = vector.shape_cast %get3A_620 : vector<1x1x16xf32> to vector<16xf32>
        %max3A_622 = arith.maximumf %scan3A_598, %get3A_621 : vector<16xf32>
        %get3A_623 = arith.constant 0 : i32
        %get3A_624 = arith.index_cast %get3A_623 : i32 to index
        %get3A_625 = arith.index_cast %add3A_603 : i32 to index
        %get3A_626 = arith.constant 48 : index
        %get3A_627 = tpu.vector_load %arg6[%get3A_624, %get3A_625, %get3A_626] {strides = array<i32>} : memref<4x104x64xf32, #tpu.memory_space<vmem>>, vector<1x1x16xf32>,
        %get3A_628 = vector.shape_cast %get3A_627 : vector<1x1x16xf32> to vector<16xf32>
        %max3A_629 = arith.maximumf %scan3A_599, %get3A_628 : vector<16xf32>
        %mul3A_630 = arith.constant 8 : i32
        %mul3A_631 = arith.muli %scan3A_595, %mul3A_630 : i32
        %add3A_632 = arith.constant 1 : i32
        %add3A_633 = arith.addi %mul3A_631, %add3A_632 : i32
        %get3A_634 = arith.constant 0 : i32
        %get3A_635 = arith.index_cast %get3A_634 : i32 to index
        %get3A_636 = arith.index_cast %add3A_633 : i32 to index
        %get3A_637 = arith.constant 0 : index
        %get3A_638 = tpu.vector_load %arg6[%get3A_635, %get3A_636, %get3A_637] {strides = array<i32>} : memref<4x104x64xf32, #tpu.memory_space<vmem>>, vector<1x1x16xf32>,
        %get3A_639 = vector.shape_cast %get3A_638 : vector<1x1x16xf32> to vector<16xf32>
        %max3A_640 = arith.maximumf %max3A, %get3A_639 : vector<16xf32>
        %get3A_641 = arith.constant 0 : i32
        %get3A_642 = arith.index_cast %get3A_641 : i32 to index
        %get3A_643 = arith.index_cast %add3A_633 : i32 to index
        %get3A_644 = arith.constant 16 : index
        %get3A_645 = tpu.vector_load %arg6[%get3A_642, %get3A_643, %get3A_644] {strides = array<i32>} : memref<4x104x64xf32, #tpu.memory_space<vmem>>, vector<1x1x16xf32>,
        %get3A_646 = vector.shape_cast %get3A_645 : vector<1x1x16xf32> to vector<16xf32>
        %max3A_647 = arith.maximumf %max3A_615, %get3A_646 : vector<16xf32>
        %get3A_648 = arith.constant 0 : i32
        %get3A_649 = arith.index_cast %get3A_648 : i32 to index
        %get3A_650 = arith.index_cast %add3A_633 : i32 to index
        %get3A_651 = arith.constant 32 : index
        %get3A_652 = tpu.vector_load %arg6[%get3A_649, %get3A_650, %get3A_651] {strides = array<i32>} : memref<4x104x64xf32, #tpu.memory_space<vmem>>, vector<1x1x16xf32>,
        %get3A_653 = vector.shape_cast %get3A_652 : vector<1x1x16xf32> to vector<16xf32>
        %max3A_654 = arith.maximumf %max3A_622, %get3A_653 : vector<16xf32>
        %get3A_655 = arith.constant 0 : i32
        %get3A_656 = arith.index_cast %get3A_655 : i32 to index
        %get3A_657 = arith.index_cast %add3A_633 : i32 to index
        %get3A_658 = arith.constant 48 : index
        %get3A_659 = tpu.vector_load %arg6[%get3A_656, %get3A_657, %get3A_658] {strides = array<i32>} : memref<4x104x64xf32, #tpu.memory_space<vmem>>, vector<1x1x16xf32>,
        %get3A_660 = vector.shape_cast %get3A_659 : vector<1x1x16xf32> to vector<16xf32>
        %max3A_661 = arith.maximumf %max3A_629, %get3A_660 : vector<16xf32>
        %mul3A_662 = arith.constant 8 : i32
        %mul3A_663 = arith.muli %scan3A_595, %mul3A_662 : i32
        %add3A_664 = arith.constant 2 : i32
        %add3A_665 = arith.addi %mul3A_663, %add3A_664 : i32
        %get3A_666 = arith.constant 0 : i32
        %get3A_667 = arith.index_cast %get3A_666 : i32 to index
        %get3A_668 = arith.index_cast %add3A_665 : i32 to index
        %get3A_669 = arith.constant 0 : index
        %get3A_670 = tpu.vector_load %arg6[%get3A_667, %get3A_668, %get3A_669] {strides = array<i32>} : memref<4x104x64xf32, #tpu.memory_space<vmem>>, vector<1x1x16xf32>,
        %get3A_671 = vector.shape_cast %get3A_670 : vector<1x1x16xf32> to vector<16xf32>
        %max3A_672 = arith.maximumf %max3A_640, %get3A_671 : vector<16xf32>
        %get3A_673 = arith.constant 0 : i32
        %get3A_674 = arith.index_cast %get3A_673 : i32 to index
        %get3A_675 = arith.index_cast %add3A_665 : i32 to index
        %get3A_676 = arith.constant 16 : index
        %get3A_677 = tpu.vector_load %arg6[%get3A_674, %get3A_675, %get3A_676] {strides = array<i32>} : memref<4x104x64xf32, #tpu.memory_space<vmem>>, vector<1x1x16xf32>,
        %get3A_678 = vector.shape_cast %get3A_677 : vector<1x1x16xf32> to vector<16xf32>
        %max3A_679 = arith.maximumf %max3A_647, %get3A_678 : vector<16xf32>
        %get3A_680 = arith.constant 0 : i32
        %get3A_681 = arith.index_cast %get3A_680 : i32 to index
        %get3A_682 = arith.index_cast %add3A_665 : i32 to index
        %get3A_683 = arith.constant 32 : index
        %get3A_684 = tpu.vector_load %arg6[%get3A_681, %get3A_682, %get3A_683] {strides = array<i32>} : memref<4x104x64xf32, #tpu.memory_space<vmem>>, vector<1x1x16xf32>,
        %get3A_685 = vector.shape_cast %get3A_684 : vector<1x1x16xf32> to vector<16xf32>
        %max3A_686 = arith.maximumf %max3A_654, %get3A_685 : vector<16xf32>
        %get3A_687 = arith.constant 0 : i32
        %get3A_688 = arith.index_cast %get3A_687 : i32 to index
        %get3A_689 = arith.index_cast %add3A_665 : i32 to index
        %get3A_690 = arith.constant 48 : index
        %get3A_691 = tpu.vector_load %arg6[%get3A_688, %get3A_689, %get3A_690] {strides = array<i32>} : memref<4x104x64xf32, #tpu.memory_space<vmem>>, vector<1x1x16xf32>,
        %get3A_692 = vector.shape_cast %get3A_691 : vector<1x1x16xf32> to vector<16xf32>
        %max3A_693 = arith.maximumf %max3A_661, %get3A_692 : vector<16xf32>
        %mul3A_694 = arith.constant 8 : i32
        %mul3A_695 = arith.muli %scan3A_595, %mul3A_694 : i32
        %add3A_696 = arith.constant 3 : i32
        %add3A_697 = arith.addi %mul3A_695, %add3A_696 : i32
        %get3A_698 = arith.constant 0 : i32
        %get3A_699 = arith.index_cast %get3A_698 : i32 to index
        %get3A_700 = arith.index_cast %add3A_697 : i32 to index
        %get3A_701 = arith.constant 0 : index
        %get3A_702 = tpu.vector_load %arg6[%get3A_699, %get3A_700, %get3A_701] {strides = array<i32>} : memref<4x104x64xf32, #tpu.memory_space<vmem>>, vector<1x1x16xf32>,
        %get3A_703 = vector.shape_cast %get3A_702 : vector<1x1x16xf32> to vector<16xf32>
        %max3A_704 = arith.maximumf %max3A_672, %get3A_703 : vector<16xf32>
        %get3A_705 = arith.constant 0 : i32
        %get3A_706 = arith.index_cast %get3A_705 : i32 to index
        %get3A_707 = arith.index_cast %add3A_697 : i32 to index
        %get3A_708 = arith.constant 16 : index
        %get3A_709 = tpu.vector_load %arg6[%get3A_706, %get3A_707, %get3A_708] {strides = array<i32>} : memref<4x104x64xf32, #tpu.memory_space<vmem>>, vector<1x1x16xf32>,
        %get3A_710 = vector.shape_cast %get3A_709 : vector<1x1x16xf32> to vector<16xf32>
        %max3A_711 = arith.maximumf %max3A_679, %get3A_710 : vector<16xf32>
        %get3A_712 = arith.constant 0 : i32
        %get3A_713 = arith.index_cast %get3A_712 : i32 to index
        %get3A_714 = arith.index_cast %add3A_697 : i32 to index
        %get3A_715 = arith.constant 32 : index
        %get3A_716 = tpu.vector_load %arg6[%get3A_713, %get3A_714, %get3A_715] {strides = array<i32>} : memref<4x104x64xf32, #tpu.memory_space<vmem>>, vector<1x1x16xf32>,
        %get3A_717 = vector.shape_cast %get3A_716 : vector<1x1x16xf32> to vector<16xf32>
        %max3A_718 = arith.maximumf %max3A_686, %get3A_717 : vector<16xf32>
        %get3A_719 = arith.constant 0 : i32
        %get3A_720 = arith.index_cast %get3A_719 : i32 to index
        %get3A_721 = arith.index_cast %add3A_697 : i32 to index
        %get3A_722 = arith.constant 48 : index
        %get3A_723 = tpu.vector_load %arg6[%get3A_720, %get3A_721, %get3A_722] {strides = array<i32>} : memref<4x104x64xf32, #tpu.memory_space<vmem>>, vector<1x1x16xf32>,
        %get3A_724 = vector.shape_cast %get3A_723 : vector<1x1x16xf32> to vector<16xf32>
        %max3A_725 = arith.maximumf %max3A_693, %get3A_724 : vector<16xf32>
        %mul3A_726 = arith.constant 8 : i32
        %mul3A_727 = arith.muli %scan3A_595, %mul3A_726 : i32
        %add3A_728 = arith.constant 4 : i32
        %add3A_729 = arith.addi %mul3A_727, %add3A_728 : i32
        %get3A_730 = arith.constant 0 : i32
        %get3A_731 = arith.index_cast %get3A_730 : i32 to index
        %get3A_732 = arith.index_cast %add3A_729 : i32 to index
        %get3A_733 = arith.constant 0 : index
        %get3A_734 = tpu.vector_load %arg6[%get3A_731, %get3A_732, %get3A_733] {strides = array<i32>} : memref<4x104x64xf32, #tpu.memory_space<vmem>>, vector<1x1x16xf32>,
        %get3A_735 = vector.shape_cast %get3A_734 : vector<1x1x16xf32> to vector<16xf32>
        %max3A_736 = arith.maximumf %max3A_704, %get3A_735 : vector<16xf32>
        %get3A_737 = arith.constant 0 : i32
        %get3A_738 = arith.index_cast %get3A_737 : i32 to index
        %get3A_739 = arith.index_cast %add3A_729 : i32 to index
        %get3A_740 = arith.constant 16 : index
        %get3A_741 = tpu.vector_load %arg6[%get3A_738, %get3A_739, %get3A_740] {strides = array<i32>} : memref<4x104x64xf32, #tpu.memory_space<vmem>>, vector<1x1x16xf32>,
        %get3A_742 = vector.shape_cast %get3A_741 : vector<1x1x16xf32> to vector<16xf32>
        %max3A_743 = arith.maximumf %max3A_711, %get3A_742 : vector<16xf32>
        %get3A_744 = arith.constant 0 : i32
        %get3A_745 = arith.index_cast %get3A_744 : i32 to index
        %get3A_746 = arith.index_cast %add3A_729 : i32 to index
        %get3A_747 = arith.constant 32 : index
        %get3A_748 = tpu.vector_load %arg6[%get3A_745, %get3A_746, %get3A_747] {strides = array<i32>} : memref<4x104x64xf32, #tpu.memory_space<vmem>>, vector<1x1x16xf32>,
        %get3A_749 = vector.shape_cast %get3A_748 : vector<1x1x16xf32> to vector<16xf32>
        %max3A_750 = arith.maximumf %max3A_718, %get3A_749 : vector<16xf32>
        %get3A_751 = arith.constant 0 : i32
        %get3A_752 = arith.index_cast %get3A_751 : i32 to index
        %get3A_753 = arith.index_cast %add3A_729 : i32 to index
        %get3A_754 = arith.constant 48 : index
        %get3A_755 = tpu.vector_load %arg6[%get3A_752, %get3A_753, %get3A_754] {strides = array<i32>} : memref<4x104x64xf32, #tpu.memory_space<vmem>>, vector<1x1x16xf32>,
        %get3A_756 = vector.shape_cast %get3A_755 : vector<1x1x16xf32> to vector<16xf32>
        %max3A_757 = arith.maximumf %max3A_725, %get3A_756 : vector<16xf32>
        %mul3A_758 = arith.constant 8 : i32
        %mul3A_759 = arith.muli %scan3A_595, %mul3A_758 : i32
        %add3A_760 = arith.constant 5 : i32
        %add3A_761 = arith.addi %mul3A_759, %add3A_760 : i32
        %get3A_762 = arith.constant 0 : i32
        %get3A_763 = arith.index_cast %get3A_762 : i32 to index
        %get3A_764 = arith.index_cast %add3A_761 : i32 to index
        %get3A_765 = arith.constant 0 : index
        %get3A_766 = tpu.vector_load %arg6[%get3A_763, %get3A_764, %get3A_765] {strides = array<i32>} : memref<4x104x64xf32, #tpu.memory_space<vmem>>, vector<1x1x16xf32>,
        %get3A_767 = vector.shape_cast %get3A_766 : vector<1x1x16xf32> to vector<16xf32>
        %max3A_768 = arith.maximumf %max3A_736, %get3A_767 : vector<16xf32>
        %get3A_769 = arith.constant 0 : i32
        %get3A_770 = arith.index_cast %get3A_769 : i32 to index
        %get3A_771 = arith.index_cast %add3A_761 : i32 to index
        %get3A_772 = arith.constant 16 : index
        %get3A_773 = tpu.vector_load %arg6[%get3A_770, %get3A_771, %get3A_772] {strides = array<i32>} : memref<4x104x64xf32, #tpu.memory_space<vmem>>, vector<1x1x16xf32>,
        %get3A_774 = vector.shape_cast %get3A_773 : vector<1x1x16xf32> to vector<16xf32>
        %max3A_775 = arith.maximumf %max3A_743, %get3A_774 : vector<16xf32>
        %get3A_776 = arith.constant 0 : i32
        %get3A_777 = arith.index_cast %get3A_776 : i32 to index
        %get3A_778 = arith.index_cast %add3A_761 : i32 to index
        %get3A_779 = arith.constant 32 : index
        %get3A_780 = tpu.vector_load %arg6[%get3A_777, %get3A_778, %get3A_779] {strides = array<i32>} : memref<4x104x64xf32, #tpu.memory_space<vmem>>, vector<1x1x16xf32>,
        %get3A_781 = vector.shape_cast %get3A_780 : vector<1x1x16xf32> to vector<16xf32>
        %max3A_782 = arith.maximumf %max3A_750, %get3A_781 : vector<16xf32>
        %get3A_783 = arith.constant 0 : i32
        %get3A_784 = arith.index_cast %get3A_783 : i32 to index
        %get3A_785 = arith.index_cast %add3A_761 : i32 to index
        %get3A_786 = arith.constant 48 : index
        %get3A_787 = tpu.vector_load %arg6[%get3A_784, %get3A_785, %get3A_786] {strides = array<i32>} : memref<4x104x64xf32, #tpu.memory_space<vmem>>, vector<1x1x16xf32>,
        %get3A_788 = vector.shape_cast %get3A_787 : vector<1x1x16xf32> to vector<16xf32>
        %max3A_789 = arith.maximumf %max3A_757, %get3A_788 : vector<16xf32>
        %mul3A_790 = arith.constant 8 : i32
        %mul3A_791 = arith.muli %scan3A_595, %mul3A_790 : i32
        %add3A_792 = arith.constant 6 : i32
        %add3A_793 = arith.addi %mul3A_791, %add3A_792 : i32
        %get3A_794 = arith.constant 0 : i32
        %get3A_795 = arith.index_cast %get3A_794 : i32 to index
        %get3A_796 = arith.index_cast %add3A_793 : i32 to index
        %get3A_797 = arith.constant 0 : index
        %get3A_798 = tpu.vector_load %arg6[%get3A_795, %get3A_796, %get3A_797] {strides = array<i32>} : memref<4x104x64xf32, #tpu.memory_space<vmem>>, vector<1x1x16xf32>,
        %get3A_799 = vector.shape_cast %get3A_798 : vector<1x1x16xf32> to vector<16xf32>
        %max3A_800 = arith.maximumf %max3A_768, %get3A_799 : vector<16xf32>
        %get3A_801 = arith.constant 0 : i32
        %get3A_802 = arith.index_cast %get3A_801 : i32 to index
        %get3A_803 = arith.index_cast %add3A_793 : i32 to index
        %get3A_804 = arith.constant 16 : index
        %get3A_805 = tpu.vector_load %arg6[%get3A_802, %get3A_803, %get3A_804] {strides = array<i32>} : memref<4x104x64xf32, #tpu.memory_space<vmem>>, vector<1x1x16xf32>,
        %get3A_806 = vector.shape_cast %get3A_805 : vector<1x1x16xf32> to vector<16xf32>
        %max3A_807 = arith.maximumf %max3A_775, %get3A_806 : vector<16xf32>
        %get3A_808 = arith.constant 0 : i32
        %get3A_809 = arith.index_cast %get3A_808 : i32 to index
        %get3A_810 = arith.index_cast %add3A_793 : i32 to index
        %get3A_811 = arith.constant 32 : index
        %get3A_812 = tpu.vector_load %arg6[%get3A_809, %get3A_810, %get3A_811] {strides = array<i32>} : memref<4x104x64xf32, #tpu.memory_space<vmem>>, vector<1x1x16xf32>,
        %get3A_813 = vector.shape_cast %get3A_812 : vector<1x1x16xf32> to vector<16xf32>
        %max3A_814 = arith.maximumf %max3A_782, %get3A_813 : vector<16xf32>
        %get3A_815 = arith.constant 0 : i32
        %get3A_816 = arith.index_cast %get3A_815 : i32 to index
        %get3A_817 = arith.index_cast %add3A_793 : i32 to index
        %get3A_818 = arith.constant 48 : index
        %get3A_819 = tpu.vector_load %arg6[%get3A_816, %get3A_817, %get3A_818] {strides = array<i32>} : memref<4x104x64xf32, #tpu.memory_space<vmem>>, vector<1x1x16xf32>,
        %get3A_820 = vector.shape_cast %get3A_819 : vector<1x1x16xf32> to vector<16xf32>
        %max3A_821 = arith.maximumf %max3A_789, %get3A_820 : vector<16xf32>
        %mul3A_822 = arith.constant 8 : i32
        %mul3A_823 = arith.muli %scan3A_595, %mul3A_822 : i32
        %add3A_824 = arith.constant 7 : i32
        %add3A_825 = arith.addi %mul3A_823, %add3A_824 : i32
        %get3A_826 = arith.constant 0 : i32
        %get3A_827 = arith.index_cast %get3A_826 : i32 to index
        %get3A_828 = arith.index_cast %add3A_825 : i32 to index
        %get3A_829 = arith.constant 0 : index
        %get3A_830 = tpu.vector_load %arg6[%get3A_827, %get3A_828, %get3A_829] {strides = array<i32>} : memref<4x104x64xf32, #tpu.memory_space<vmem>>, vector<1x1x16xf32>,
        %get3A_831 = vector.shape_cast %get3A_830 : vector<1x1x16xf32> to vector<16xf32>
        %max3A_832 = arith.maximumf %max3A_800, %get3A_831 : vector<16xf32>
        %get3A_833 = arith.constant 0 : i32
        %get3A_834 = arith.index_cast %get3A_833 : i32 to index
        %get3A_835 = arith.index_cast %add3A_825 : i32 to index
        %get3A_836 = arith.constant 16 : index
        %get3A_837 = tpu.vector_load %arg6[%get3A_834, %get3A_835, %get3A_836] {strides = array<i32>} : memref<4x104x64xf32, #tpu.memory_space<vmem>>, vector<1x1x16xf32>,
        %get3A_838 = vector.shape_cast %get3A_837 : vector<1x1x16xf32> to vector<16xf32>
        %max3A_839 = arith.maximumf %max3A_807, %get3A_838 : vector<16xf32>
        %get3A_840 = arith.constant 0 : i32
        %get3A_841 = arith.index_cast %get3A_840 : i32 to index
        %get3A_842 = arith.index_cast %add3A_825 : i32 to index
        %get3A_843 = arith.constant 32 : index
        %get3A_844 = tpu.vector_load %arg6[%get3A_841, %get3A_842, %get3A_843] {strides = array<i32>} : memref<4x104x64xf32, #tpu.memory_space<vmem>>, vector<1x1x16xf32>,
        %get3A_845 = vector.shape_cast %get3A_844 : vector<1x1x16xf32> to vector<16xf32>
        %max3A_846 = arith.maximumf %max3A_814, %get3A_845 : vector<16xf32>
        %get3A_847 = arith.constant 0 : i32
        %get3A_848 = arith.index_cast %get3A_847 : i32 to index
        %get3A_849 = arith.index_cast %add3A_825 : i32 to index
        %get3A_850 = arith.constant 48 : index
        %get3A_851 = tpu.vector_load %arg6[%get3A_848, %get3A_849, %get3A_850] {strides = array<i32>} : memref<4x104x64xf32, #tpu.memory_space<vmem>>, vector<1x1x16xf32>,
        %get3A_852 = vector.shape_cast %get3A_851 : vector<1x1x16xf32> to vector<16xf32>
        %max3A_853 = arith.maximumf %max3A_821, %get3A_852 : vector<16xf32>
        scf.yield %max3A_832, %max3A_839, %max3A_846, %max3A_853 : vector<16xf32>, vector<16xf32>, vector<16xf32>, vector<16xf32>
      }
      %scan3A_299 = arith.constant 13 : i32
      %add3A_300 = arith.constant 4 : i32
      %add3A_301 = arith.addi %add3A_282, %add3A_300 : i32
      %dma_start3A_302 = arith.constant 0 : i32
      %dma_start3A_303 = arith.constant 0 : i32
      %dma_start3A_304 = arith.constant 0 : i32
      %dma_start3A_305 = tpu.memref_slice %arg6[%dma_start3A_302, %dma_start3A_303, %dma_start3A_304] : memref<4x104x64xf32, #tpu.memory_space<vmem>> -> memref<1x104x64xf32, #tpu.memory_space<vmem>>
      %dma_start3A_306 = tpu.memref_squeeze %dma_start3A_305 : memref<1x104x64xf32, #tpu.memory_space<vmem>> -> memref<104x64xf32, #tpu.memory_space<vmem>>
      %dma_start3A_307 = arith.constant 0 : i32
      %dma_start3A_308 = tpu.memref_slice %arg5[%add3A_301, %dma_start3A_307] : memref<256x104xi32, #tpu.memory_space<vmem>> -> memref<1x104xi32, #tpu.memory_space<vmem>>
      %dma_start3A_309 = tpu.memref_squeeze %dma_start3A_308 : memref<1x104xi32, #tpu.memory_space<vmem>> -> memref<104xi32, #tpu.memory_space<vmem>>
      %dma_start3A_310 = arith.constant 0 : i32
      %dma_start3A_311 = arith.constant 0 : i32
      %dma_start3A_312 = tpu.memref_slice %arg3[%dma_start3A_310, %dma_start3A_311] : memref<1000000x64xf32, #tpu.memory_space<hbm>> -> memref<1000000x64xf32, #tpu.memory_space<hbm>>
      tpu.enqueue_indirect_dma source(%dma_start3A_312 : memref<1000000x64xf32, #tpu.memory_space<hbm>>) target(%dma_start3A_306 : memref<104x64xf32, #tpu.memory_space<vmem>>) offsets(%dma_start3A_309 : memref<104xi32, #tpu.memory_space<vmem>>) semaphore(%arg8 : memref<!tpu.dma_semaphore, #tpu.memory_space<semaphore_mem>>)
      %add3A_313 = arith.constant 1 : i32
      %add3A_314 = arith.addi %add3A_280, %add3A_313 : i32
      %dma_wait3A_315 = arith.constant 1 : i32
      %dma_wait3A_316 = arith.constant 0 : i32
      %dma_wait3A_317 = arith.constant 0 : i32
      %dma_wait3A_318 = tpu.memref_slice %arg6[%dma_wait3A_315, %dma_wait3A_316, %dma_wait3A_317] : memref<4x104x64xf32, #tpu.memory_space<vmem>> -> memref<1x104x64xf32, #tpu.memory_space<vmem>>
      %dma_wait3A_319 = tpu.memref_squeeze %dma_wait3A_318 : memref<1x104x64xf32, #tpu.memory_space<vmem>> -> memref<104x64xf32, #tpu.memory_space<vmem>>
      %dma_wait3A_320 = arith.constant 0 : i32
      %dma_wait3A_321 = tpu.memref_slice %arg5[%add3A_314, %dma_wait3A_320] : memref<256x104xi32, #tpu.memory_space<vmem>> -> memref<1x104xi32, #tpu.memory_space<vmem>>
      %dma_wait3A_322 = tpu.memref_squeeze %dma_wait3A_321 : memref<1x104xi32, #tpu.memory_space<vmem>> -> memref<104xi32, #tpu.memory_space<vmem>>
      %dma_wait3A_323 = arith.constant 0 : i32
      %dma_wait3A_324 = arith.constant 0 : i32
      %dma_wait3A_325 = tpu.memref_slice %arg3[%dma_wait3A_323, %dma_wait3A_324] : memref<1000000x64xf32, #tpu.memory_space<hbm>> -> memref<1000000x64xf32, #tpu.memory_space<hbm>>
      tpu.wait_indirect_dma semaphore(%arg9 : memref<!tpu.dma_semaphore, #tpu.memory_space<semaphore_mem>>) src(%dma_wait3A_325 : memref<1000000x64xf32, #tpu.memory_space<hbm>>) dst(%dma_wait3A_319 : memref<104x64xf32, #tpu.memory_space<vmem>>)
      %scan3A_326 = arith.constant 0 : i32
      %scan3A_327 = arith.constant 13 : i32
      %scan3A_328 = arith.addi %scan3A_326, %scan3A_327 : i32
      %scan3A_329 = arith.constant 1 : i32
      %scan3A_330:4 = scf.for %scan3A_595 = %scan3A_326 to %scan3A_328 step %scan3A_329 iter_args(%scan3A_596 = %scan3A_298#0, %scan3A_597 = %scan3A_298#1, %scan3A_598 = %scan3A_298#2, %scan3A_599 = %scan3A_298#3) -> (vector<16xf32>, vector<16xf32>, vector<16xf32>, vector<16xf32>)  : i32 {
        %mul3A_600 = arith.constant 8 : i32
        %mul3A_601 = arith.muli %scan3A_595, %mul3A_600 : i32
        %add3A_602 = arith.constant 0 : i32
        %add3A_603 = arith.addi %mul3A_601, %add3A_602 : i32
        %get3A = arith.constant 1 : i32
        %get3A_604 = arith.index_cast %get3A : i32 to index
        %get3A_605 = arith.index_cast %add3A_603 : i32 to index
        %get3A_606 = arith.constant 0 : index
        %get3A_607 = tpu.vector_load %arg6[%get3A_604, %get3A_605, %get3A_606] {strides = array<i32>} : memref<4x104x64xf32, #tpu.memory_space<vmem>>, vector<1x1x16xf32>,
        %get3A_608 = vector.shape_cast %get3A_607 : vector<1x1x16xf32> to vector<16xf32>
        %max3A = arith.maximumf %scan3A_596, %get3A_608 : vector<16xf32>
        %get3A_609 = arith.constant 1 : i32
        %get3A_610 = arith.index_cast %get3A_609 : i32 to index
        %get3A_611 = arith.index_cast %add3A_603 : i32 to index
        %get3A_612 = arith.constant 16 : index
        %get3A_613 = tpu.vector_load %arg6[%get3A_610, %get3A_611, %get3A_612] {strides = array<i32>} : memref<4x104x64xf32, #tpu.memory_space<vmem>>, vector<1x1x16xf32>,
        %get3A_614 = vector.shape_cast %get3A_613 : vector<1x1x16xf32> to vector<16xf32>
        %max3A_615 = arith.maximumf %scan3A_597, %get3A_614 : vector<16xf32>
        %get3A_616 = arith.constant 1 : i32
        %get3A_617 = arith.index_cast %get3A_616 : i32 to index
        %get3A_618 = arith.index_cast %add3A_603 : i32 to index
        %get3A_619 = arith.constant 32 : index
        %get3A_620 = tpu.vector_load %arg6[%get3A_617, %get3A_618, %get3A_619] {strides = array<i32>} : memref<4x104x64xf32, #tpu.memory_space<vmem>>, vector<1x1x16xf32>,
        %get3A_621 = vector.shape_cast %get3A_620 : vector<1x1x16xf32> to vector<16xf32>
        %max3A_622 = arith.maximumf %scan3A_598, %get3A_621 : vector<16xf32>
        %get3A_623 = arith.constant 1 : i32
        %get3A_624 = arith.index_cast %get3A_623 : i32 to index
        %get3A_625 = arith.index_cast %add3A_603 : i32 to index
        %get3A_626 = arith.constant 48 : index
        %get3A_627 = tpu.vector_load %arg6[%get3A_624, %get3A_625, %get3A_626] {strides = array<i32>} : memref<4x104x64xf32, #tpu.memory_space<vmem>>, vector<1x1x16xf32>,
        %get3A_628 = vector.shape_cast %get3A_627 : vector<1x1x16xf32> to vector<16xf32>
        %max3A_629 = arith.maximumf %scan3A_599, %get3A_628 : vector<16xf32>
        %mul3A_630 = arith.constant 8 : i32
        %mul3A_631 = arith.muli %scan3A_595, %mul3A_630 : i32
        %add3A_632 = arith.constant 1 : i32
        %add3A_633 = arith.addi %mul3A_631, %add3A_632 : i32
        %get3A_634 = arith.constant 1 : i32
        %get3A_635 = arith.index_cast %get3A_634 : i32 to index
        %get3A_636 = arith.index_cast %add3A_633 : i32 to index
        %get3A_637 = arith.constant 0 : index
        %get3A_638 = tpu.vector_load %arg6[%get3A_635, %get3A_636, %get3A_637] {strides = array<i32>} : memref<4x104x64xf32, #tpu.memory_space<vmem>>, vector<1x1x16xf32>,
        %get3A_639 = vector.shape_cast %get3A_638 : vector<1x1x16xf32> to vector<16xf32>
        %max3A_640 = arith.maximumf %max3A, %get3A_639 : vector<16xf32>
        %get3A_641 = arith.constant 1 : i32
        %get3A_642 = arith.index_cast %get3A_641 : i32 to index
        %get3A_643 = arith.index_cast %add3A_633 : i32 to index
        %get3A_644 = arith.constant 16 : index
        %get3A_645 = tpu.vector_load %arg6[%get3A_642, %get3A_643, %get3A_644] {strides = array<i32>} : memref<4x104x64xf32, #tpu.memory_space<vmem>>, vector<1x1x16xf32>,
        %get3A_646 = vector.shape_cast %get3A_645 : vector<1x1x16xf32> to vector<16xf32>
        %max3A_647 = arith.maximumf %max3A_615, %get3A_646 : vector<16xf32>
        %get3A_648 = arith.constant 1 : i32
        %get3A_649 = arith.index_cast %get3A_648 : i32 to index
        %get3A_650 = arith.index_cast %add3A_633 : i32 to index
        %get3A_651 = arith.constant 32 : index
        %get3A_652 = tpu.vector_load %arg6[%get3A_649, %get3A_650, %get3A_651] {strides = array<i32>} : memref<4x104x64xf32, #tpu.memory_space<vmem>>, vector<1x1x16xf32>,
        %get3A_653 = vector.shape_cast %get3A_652 : vector<1x1x16xf32> to vector<16xf32>
        %max3A_654 = arith.maximumf %max3A_622, %get3A_653 : vector<16xf32>
        %get3A_655 = arith.constant 1 : i32
        %get3A_656 = arith.index_cast %get3A_655 : i32 to index
        %get3A_657 = arith.index_cast %add3A_633 : i32 to index
        %get3A_658 = arith.constant 48 : index
        %get3A_659 = tpu.vector_load %arg6[%get3A_656, %get3A_657, %get3A_658] {strides = array<i32>} : memref<4x104x64xf32, #tpu.memory_space<vmem>>, vector<1x1x16xf32>,
        %get3A_660 = vector.shape_cast %get3A_659 : vector<1x1x16xf32> to vector<16xf32>
        %max3A_661 = arith.maximumf %max3A_629, %get3A_660 : vector<16xf32>
        %mul3A_662 = arith.constant 8 : i32
        %mul3A_663 = arith.muli %scan3A_595, %mul3A_662 : i32
        %add3A_664 = arith.constant 2 : i32
        %add3A_665 = arith.addi %mul3A_663, %add3A_664 : i32
        %get3A_666 = arith.constant 1 : i32
        %get3A_667 = arith.index_cast %get3A_666 : i32 to index
        %get3A_668 = arith.index_cast %add3A_665 : i32 to index
        %get3A_669 = arith.constant 0 : index
        %get3A_670 = tpu.vector_load %arg6[%get3A_667, %get3A_668, %get3A_669] {strides = array<i32>} : memref<4x104x64xf32, #tpu.memory_space<vmem>>, vector<1x1x16xf32>,
        %get3A_671 = vector.shape_cast %get3A_670 : vector<1x1x16xf32> to vector<16xf32>
        %max3A_672 = arith.maximumf %max3A_640, %get3A_671 : vector<16xf32>
        %get3A_673 = arith.constant 1 : i32
        %get3A_674 = arith.index_cast %get3A_673 : i32 to index
        %get3A_675 = arith.index_cast %add3A_665 : i32 to index
        %get3A_676 = arith.constant 16 : index
        %get3A_677 = tpu.vector_load %arg6[%get3A_674, %get3A_675, %get3A_676] {strides = array<i32>} : memref<4x104x64xf32, #tpu.memory_space<vmem>>, vector<1x1x16xf32>,
        %get3A_678 = vector.shape_cast %get3A_677 : vector<1x1x16xf32> to vector<16xf32>
        %max3A_679 = arith.maximumf %max3A_647, %get3A_678 : vector<16xf32>
        %get3A_680 = arith.constant 1 : i32
        %get3A_681 = arith.index_cast %get3A_680 : i32 to index
        %get3A_682 = arith.index_cast %add3A_665 : i32 to index
        %get3A_683 = arith.constant 32 : index
        %get3A_684 = tpu.vector_load %arg6[%get3A_681, %get3A_682, %get3A_683] {strides = array<i32>} : memref<4x104x64xf32, #tpu.memory_space<vmem>>, vector<1x1x16xf32>,
        %get3A_685 = vector.shape_cast %get3A_684 : vector<1x1x16xf32> to vector<16xf32>
        %max3A_686 = arith.maximumf %max3A_654, %get3A_685 : vector<16xf32>
        %get3A_687 = arith.constant 1 : i32
        %get3A_688 = arith.index_cast %get3A_687 : i32 to index
        %get3A_689 = arith.index_cast %add3A_665 : i32 to index
        %get3A_690 = arith.constant 48 : index
        %get3A_691 = tpu.vector_load %arg6[%get3A_688, %get3A_689, %get3A_690] {strides = array<i32>} : memref<4x104x64xf32, #tpu.memory_space<vmem>>, vector<1x1x16xf32>,
        %get3A_692 = vector.shape_cast %get3A_691 : vector<1x1x16xf32> to vector<16xf32>
        %max3A_693 = arith.maximumf %max3A_661, %get3A_692 : vector<16xf32>
        %mul3A_694 = arith.constant 8 : i32
        %mul3A_695 = arith.muli %scan3A_595, %mul3A_694 : i32
        %add3A_696 = arith.constant 3 : i32
        %add3A_697 = arith.addi %mul3A_695, %add3A_696 : i32
        %get3A_698 = arith.constant 1 : i32
        %get3A_699 = arith.index_cast %get3A_698 : i32 to index
        %get3A_700 = arith.index_cast %add3A_697 : i32 to index
        %get3A_701 = arith.constant 0 : index
        %get3A_702 = tpu.vector_load %arg6[%get3A_699, %get3A_700, %get3A_701] {strides = array<i32>} : memref<4x104x64xf32, #tpu.memory_space<vmem>>, vector<1x1x16xf32>,
        %get3A_703 = vector.shape_cast %get3A_702 : vector<1x1x16xf32> to vector<16xf32>
        %max3A_704 = arith.maximumf %max3A_672, %get3A_703 : vector<16xf32>
        %get3A_705 = arith.constant 1 : i32
        %get3A_706 = arith.index_cast %get3A_705 : i32 to index
        %get3A_707 = arith.index_cast %add3A_697 : i32 to index
        %get3A_708 = arith.constant 16 : index
        %get3A_709 = tpu.vector_load %arg6[%get3A_706, %get3A_707, %get3A_708] {strides = array<i32>} : memref<4x104x64xf32, #tpu.memory_space<vmem>>, vector<1x1x16xf32>,
        %get3A_710 = vector.shape_cast %get3A_709 : vector<1x1x16xf32> to vector<16xf32>
        %max3A_711 = arith.maximumf %max3A_679, %get3A_710 : vector<16xf32>
        %get3A_712 = arith.constant 1 : i32
        %get3A_713 = arith.index_cast %get3A_712 : i32 to index
        %get3A_714 = arith.index_cast %add3A_697 : i32 to index
        %get3A_715 = arith.constant 32 : index
        %get3A_716 = tpu.vector_load %arg6[%get3A_713, %get3A_714, %get3A_715] {strides = array<i32>} : memref<4x104x64xf32, #tpu.memory_space<vmem>>, vector<1x1x16xf32>,
        %get3A_717 = vector.shape_cast %get3A_716 : vector<1x1x16xf32> to vector<16xf32>
        %max3A_718 = arith.maximumf %max3A_686, %get3A_717 : vector<16xf32>
        %get3A_719 = arith.constant 1 : i32
        %get3A_720 = arith.index_cast %get3A_719 : i32 to index
        %get3A_721 = arith.index_cast %add3A_697 : i32 to index
        %get3A_722 = arith.constant 48 : index
        %get3A_723 = tpu.vector_load %arg6[%get3A_720, %get3A_721, %get3A_722] {strides = array<i32>} : memref<4x104x64xf32, #tpu.memory_space<vmem>>, vector<1x1x16xf32>,
        %get3A_724 = vector.shape_cast %get3A_723 : vector<1x1x16xf32> to vector<16xf32>
        %max3A_725 = arith.maximumf %max3A_693, %get3A_724 : vector<16xf32>
        %mul3A_726 = arith.constant 8 : i32
        %mul3A_727 = arith.muli %scan3A_595, %mul3A_726 : i32
        %add3A_728 = arith.constant 4 : i32
        %add3A_729 = arith.addi %mul3A_727, %add3A_728 : i32
        %get3A_730 = arith.constant 1 : i32
        %get3A_731 = arith.index_cast %get3A_730 : i32 to index
        %get3A_732 = arith.index_cast %add3A_729 : i32 to index
        %get3A_733 = arith.constant 0 : index
        %get3A_734 = tpu.vector_load %arg6[%get3A_731, %get3A_732, %get3A_733] {strides = array<i32>} : memref<4x104x64xf32, #tpu.memory_space<vmem>>, vector<1x1x16xf32>,
        %get3A_735 = vector.shape_cast %get3A_734 : vector<1x1x16xf32> to vector<16xf32>
        %max3A_736 = arith.maximumf %max3A_704, %get3A_735 : vector<16xf32>
        %get3A_737 = arith.constant 1 : i32
        %get3A_738 = arith.index_cast %get3A_737 : i32 to index
        %get3A_739 = arith.index_cast %add3A_729 : i32 to index
        %get3A_740 = arith.constant 16 : index
        %get3A_741 = tpu.vector_load %arg6[%get3A_738, %get3A_739, %get3A_740] {strides = array<i32>} : memref<4x104x64xf32, #tpu.memory_space<vmem>>, vector<1x1x16xf32>,
        %get3A_742 = vector.shape_cast %get3A_741 : vector<1x1x16xf32> to vector<16xf32>
        %max3A_743 = arith.maximumf %max3A_711, %get3A_742 : vector<16xf32>
        %get3A_744 = arith.constant 1 : i32
        %get3A_745 = arith.index_cast %get3A_744 : i32 to index
        %get3A_746 = arith.index_cast %add3A_729 : i32 to index
        %get3A_747 = arith.constant 32 : index
        %get3A_748 = tpu.vector_load %arg6[%get3A_745, %get3A_746, %get3A_747] {strides = array<i32>} : memref<4x104x64xf32, #tpu.memory_space<vmem>>, vector<1x1x16xf32>,
        %get3A_749 = vector.shape_cast %get3A_748 : vector<1x1x16xf32> to vector<16xf32>
        %max3A_750 = arith.maximumf %max3A_718, %get3A_749 : vector<16xf32>
        %get3A_751 = arith.constant 1 : i32
        %get3A_752 = arith.index_cast %get3A_751 : i32 to index
        %get3A_753 = arith.index_cast %add3A_729 : i32 to index
        %get3A_754 = arith.constant 48 : index
        %get3A_755 = tpu.vector_load %arg6[%get3A_752, %get3A_753, %get3A_754] {strides = array<i32>} : memref<4x104x64xf32, #tpu.memory_space<vmem>>, vector<1x1x16xf32>,
        %get3A_756 = vector.shape_cast %get3A_755 : vector<1x1x16xf32> to vector<16xf32>
        %max3A_757 = arith.maximumf %max3A_725, %get3A_756 : vector<16xf32>
        %mul3A_758 = arith.constant 8 : i32
        %mul3A_759 = arith.muli %scan3A_595, %mul3A_758 : i32
        %add3A_760 = arith.constant 5 : i32
        %add3A_761 = arith.addi %mul3A_759, %add3A_760 : i32
        %get3A_762 = arith.constant 1 : i32
        %get3A_763 = arith.index_cast %get3A_762 : i32 to index
        %get3A_764 = arith.index_cast %add3A_761 : i32 to index
        %get3A_765 = arith.constant 0 : index
        %get3A_766 = tpu.vector_load %arg6[%get3A_763, %get3A_764, %get3A_765] {strides = array<i32>} : memref<4x104x64xf32, #tpu.memory_space<vmem>>, vector<1x1x16xf32>,
        %get3A_767 = vector.shape_cast %get3A_766 : vector<1x1x16xf32> to vector<16xf32>
        %max3A_768 = arith.maximumf %max3A_736, %get3A_767 : vector<16xf32>
        %get3A_769 = arith.constant 1 : i32
        %get3A_770 = arith.index_cast %get3A_769 : i32 to index
        %get3A_771 = arith.index_cast %add3A_761 : i32 to index
        %get3A_772 = arith.constant 16 : index
        %get3A_773 = tpu.vector_load %arg6[%get3A_770, %get3A_771, %get3A_772] {strides = array<i32>} : memref<4x104x64xf32, #tpu.memory_space<vmem>>, vector<1x1x16xf32>,
        %get3A_774 = vector.shape_cast %get3A_773 : vector<1x1x16xf32> to vector<16xf32>
        %max3A_775 = arith.maximumf %max3A_743, %get3A_774 : vector<16xf32>
        %get3A_776 = arith.constant 1 : i32
        %get3A_777 = arith.index_cast %get3A_776 : i32 to index
        %get3A_778 = arith.index_cast %add3A_761 : i32 to index
        %get3A_779 = arith.constant 32 : index
        %get3A_780 = tpu.vector_load %arg6[%get3A_777, %get3A_778, %get3A_779] {strides = array<i32>} : memref<4x104x64xf32, #tpu.memory_space<vmem>>, vector<1x1x16xf32>,
        %get3A_781 = vector.shape_cast %get3A_780 : vector<1x1x16xf32> to vector<16xf32>
        %max3A_782 = arith.maximumf %max3A_750, %get3A_781 : vector<16xf32>
        %get3A_783 = arith.constant 1 : i32
        %get3A_784 = arith.index_cast %get3A_783 : i32 to index
        %get3A_785 = arith.index_cast %add3A_761 : i32 to index
        %get3A_786 = arith.constant 48 : index
        %get3A_787 = tpu.vector_load %arg6[%get3A_784, %get3A_785, %get3A_786] {strides = array<i32>} : memref<4x104x64xf32, #tpu.memory_space<vmem>>, vector<1x1x16xf32>,
        %get3A_788 = vector.shape_cast %get3A_787 : vector<1x1x16xf32> to vector<16xf32>
        %max3A_789 = arith.maximumf %max3A_757, %get3A_788 : vector<16xf32>
        %mul3A_790 = arith.constant 8 : i32
        %mul3A_791 = arith.muli %scan3A_595, %mul3A_790 : i32
        %add3A_792 = arith.constant 6 : i32
        %add3A_793 = arith.addi %mul3A_791, %add3A_792 : i32
        %get3A_794 = arith.constant 1 : i32
        %get3A_795 = arith.index_cast %get3A_794 : i32 to index
        %get3A_796 = arith.index_cast %add3A_793 : i32 to index
        %get3A_797 = arith.constant 0 : index
        %get3A_798 = tpu.vector_load %arg6[%get3A_795, %get3A_796, %get3A_797] {strides = array<i32>} : memref<4x104x64xf32, #tpu.memory_space<vmem>>, vector<1x1x16xf32>,
        %get3A_799 = vector.shape_cast %get3A_798 : vector<1x1x16xf32> to vector<16xf32>
        %max3A_800 = arith.maximumf %max3A_768, %get3A_799 : vector<16xf32>
        %get3A_801 = arith.constant 1 : i32
        %get3A_802 = arith.index_cast %get3A_801 : i32 to index
        %get3A_803 = arith.index_cast %add3A_793 : i32 to index
        %get3A_804 = arith.constant 16 : index
        %get3A_805 = tpu.vector_load %arg6[%get3A_802, %get3A_803, %get3A_804] {strides = array<i32>} : memref<4x104x64xf32, #tpu.memory_space<vmem>>, vector<1x1x16xf32>,
        %get3A_806 = vector.shape_cast %get3A_805 : vector<1x1x16xf32> to vector<16xf32>
        %max3A_807 = arith.maximumf %max3A_775, %get3A_806 : vector<16xf32>
        %get3A_808 = arith.constant 1 : i32
        %get3A_809 = arith.index_cast %get3A_808 : i32 to index
        %get3A_810 = arith.index_cast %add3A_793 : i32 to index
        %get3A_811 = arith.constant 32 : index
        %get3A_812 = tpu.vector_load %arg6[%get3A_809, %get3A_810, %get3A_811] {strides = array<i32>} : memref<4x104x64xf32, #tpu.memory_space<vmem>>, vector<1x1x16xf32>,
        %get3A_813 = vector.shape_cast %get3A_812 : vector<1x1x16xf32> to vector<16xf32>
        %max3A_814 = arith.maximumf %max3A_782, %get3A_813 : vector<16xf32>
        %get3A_815 = arith.constant 1 : i32
        %get3A_816 = arith.index_cast %get3A_815 : i32 to index
        %get3A_817 = arith.index_cast %add3A_793 : i32 to index
        %get3A_818 = arith.constant 48 : index
        %get3A_819 = tpu.vector_load %arg6[%get3A_816, %get3A_817, %get3A_818] {strides = array<i32>} : memref<4x104x64xf32, #tpu.memory_space<vmem>>, vector<1x1x16xf32>,
        %get3A_820 = vector.shape_cast %get3A_819 : vector<1x1x16xf32> to vector<16xf32>
        %max3A_821 = arith.maximumf %max3A_789, %get3A_820 : vector<16xf32>
        %mul3A_822 = arith.constant 8 : i32
        %mul3A_823 = arith.muli %scan3A_595, %mul3A_822 : i32
        %add3A_824 = arith.constant 7 : i32
        %add3A_825 = arith.addi %mul3A_823, %add3A_824 : i32
        %get3A_826 = arith.constant 1 : i32
        %get3A_827 = arith.index_cast %get3A_826 : i32 to index
        %get3A_828 = arith.index_cast %add3A_825 : i32 to index
        %get3A_829 = arith.constant 0 : index
        %get3A_830 = tpu.vector_load %arg6[%get3A_827, %get3A_828, %get3A_829] {strides = array<i32>} : memref<4x104x64xf32, #tpu.memory_space<vmem>>, vector<1x1x16xf32>,
        %get3A_831 = vector.shape_cast %get3A_830 : vector<1x1x16xf32> to vector<16xf32>
        %max3A_832 = arith.maximumf %max3A_800, %get3A_831 : vector<16xf32>
        %get3A_833 = arith.constant 1 : i32
        %get3A_834 = arith.index_cast %get3A_833 : i32 to index
        %get3A_835 = arith.index_cast %add3A_825 : i32 to index
        %get3A_836 = arith.constant 16 : index
        %get3A_837 = tpu.vector_load %arg6[%get3A_834, %get3A_835, %get3A_836] {strides = array<i32>} : memref<4x104x64xf32, #tpu.memory_space<vmem>>, vector<1x1x16xf32>,
        %get3A_838 = vector.shape_cast %get3A_837 : vector<1x1x16xf32> to vector<16xf32>
        %max3A_839 = arith.maximumf %max3A_807, %get3A_838 : vector<16xf32>
        %get3A_840 = arith.constant 1 : i32
        %get3A_841 = arith.index_cast %get3A_840 : i32 to index
        %get3A_842 = arith.index_cast %add3A_825 : i32 to index
        %get3A_843 = arith.constant 32 : index
        %get3A_844 = tpu.vector_load %arg6[%get3A_841, %get3A_842, %get3A_843] {strides = array<i32>} : memref<4x104x64xf32, #tpu.memory_space<vmem>>, vector<1x1x16xf32>,
        %get3A_845 = vector.shape_cast %get3A_844 : vector<1x1x16xf32> to vector<16xf32>
        %max3A_846 = arith.maximumf %max3A_814, %get3A_845 : vector<16xf32>
        %get3A_847 = arith.constant 1 : i32
        %get3A_848 = arith.index_cast %get3A_847 : i32 to index
        %get3A_849 = arith.index_cast %add3A_825 : i32 to index
        %get3A_850 = arith.constant 48 : index
        %get3A_851 = tpu.vector_load %arg6[%get3A_848, %get3A_849, %get3A_850] {strides = array<i32>} : memref<4x104x64xf32, #tpu.memory_space<vmem>>, vector<1x1x16xf32>,
        %get3A_852 = vector.shape_cast %get3A_851 : vector<1x1x16xf32> to vector<16xf32>
        %max3A_853 = arith.maximumf %max3A_821, %get3A_852 : vector<16xf32>
        scf.yield %max3A_832, %max3A_839, %max3A_846, %max3A_853 : vector<16xf32>, vector<16xf32>, vector<16xf32>, vector<16xf32>
      }
      %scan3A_331 = arith.constant 13 : i32
      %jit3A = arith.constant 2 : i32
      %div3A_332 = arith.divsi %add3A_314, %jit3A : i32
      %sign3A = arith.constant 0 : i32
      %sign3A_333 = arith.cmpi sgt, %add3A_314, %sign3A : i32
      %sign3A_334 = arith.extui %sign3A_333 : i1 to i32
      %sign3A_335 = arith.constant 0 : i32
      %sign3A_336 = arith.cmpi slt, %add3A_314, %sign3A_335 : i32
      %sign3A_337 = arith.extui %sign3A_336 : i1 to i32
      %sign3A_338 = arith.subi %sign3A_334, %sign3A_337 : i32
      %sign3A_339 = arith.constant 0 : i32
      %sign3A_340 = arith.cmpi sgt, %jit3A, %sign3A_339 : i32
      %sign3A_341 = arith.extui %sign3A_340 : i1 to i32
      %sign3A_342 = arith.constant 0 : i32
      %sign3A_343 = arith.cmpi slt, %jit3A, %sign3A_342 : i32
      %sign3A_344 = arith.extui %sign3A_343 : i1 to i32
      %sign3A_345 = arith.subi %sign3A_341, %sign3A_344 : i32
      %ne3A = arith.cmpi ne, %sign3A_338, %sign3A_345 : i32
      %rem3A = arith.remsi %add3A_314, %jit3A : i32
      %ne3A_346 = arith.constant 0 : i32
      %ne3A_347 = arith.cmpi ne, %rem3A, %ne3A_346 : i32
      %and3A = arith.andi %ne3A, %ne3A_347 : i1
      %sub3A_348 = arith.constant 1 : i32
      %sub3A_349 = arith.subi %div3A_332, %sub3A_348 : i32
      %select_n3A = arith.select %and3A, %sub3A_349, %div3A_332 : i32
      %mul3A_350 = arith.constant 2.000000e+00 : f32
      %mul3A_351 = vector.broadcast %mul3A_350 : f32 to vector<16xf32>
      %mul3A_352 = arith.mulf %mul3A_351, %scan3A_330#0 : vector<16xf32>
      %exp3A_353 = math.exp %mul3A_352 : vector<16xf32>
      %add3A_354 = arith.constant 1.000000e+00 : f32
      %add3A_355 = vector.broadcast %add3A_354 : f32 to vector<16xf32>
      %add3A_356 = arith.addf %exp3A_353, %add3A_355 : vector<16xf32>
      %div3A_357 = arith.constant 2.000000e+00 : f32
      %div3A_358 = vector.broadcast %div3A_357 : f32 to vector<16xf32>
      %div3A_359 = arith.divf %div3A_358, %add3A_356 : vector<16xf32>
      %sub3A_360 = arith.constant 1.000000e+00 : f32
      %sub3A_361 = vector.broadcast %sub3A_360 : f32 to vector<16xf32>
      %sub3A_362 = arith.subf %sub3A_361, %div3A_359 : vector<16xf32>
      %swap3A_363 = arith.index_cast %select_n3A : i32 to index
      %swap3A_364 = arith.constant 0 : index
      %swap3A_365 = tpu.vector_load %arg7[%swap3A_363, %swap3A_364] {strides = array<i32>} : memref<128x64xf32, #tpu.memory_space<vmem>>, vector<1x16xf32>,
      %swap3A_366 = vector.shape_cast %swap3A_365 : vector<1x16xf32> to vector<16xf32>
      %swap3A_367 = vector.shape_cast %sub3A_362 : vector<16xf32> to vector<1x16xf32>
      tpu.vector_store %arg7[%swap3A_363, %swap3A_364], %swap3A_367 {strides = array<i32>} : memref<128x64xf32, #tpu.memory_space<vmem>>, vector<1x16xf32>,
      %mul3A_368 = arith.constant 2.000000e+00 : f32
      %mul3A_369 = vector.broadcast %mul3A_368 : f32 to vector<16xf32>
      %mul3A_370 = arith.mulf %mul3A_369, %scan3A_330#1 : vector<16xf32>
      %exp3A_371 = math.exp %mul3A_370 : vector<16xf32>
      %add3A_372 = arith.constant 1.000000e+00 : f32
      %add3A_373 = vector.broadcast %add3A_372 : f32 to vector<16xf32>
      %add3A_374 = arith.addf %exp3A_371, %add3A_373 : vector<16xf32>
      %div3A_375 = arith.constant 2.000000e+00 : f32
      %div3A_376 = vector.broadcast %div3A_375 : f32 to vector<16xf32>
      %div3A_377 = arith.divf %div3A_376, %add3A_374 : vector<16xf32>
      %sub3A_378 = arith.constant 1.000000e+00 : f32
      %sub3A_379 = vector.broadcast %sub3A_378 : f32 to vector<16xf32>
      %sub3A_380 = arith.subf %sub3A_379, %div3A_377 : vector<16xf32>
      %swap3A_381 = arith.index_cast %select_n3A : i32 to index
      %swap3A_382 = arith.constant 16 : index
      %swap3A_383 = tpu.vector_load %arg7[%swap3A_381, %swap3A_382] {strides = array<i32>} : memref<128x64xf32, #tpu.memory_space<vmem>>, vector<1x16xf32>,
      %swap3A_384 = vector.shape_cast %swap3A_383 : vector<1x16xf32> to vector<16xf32>
      %swap3A_385 = vector.shape_cast %sub3A_380 : vector<16xf32> to vector<1x16xf32>
      tpu.vector_store %arg7[%swap3A_381, %swap3A_382], %swap3A_385 {strides = array<i32>} : memref<128x64xf32, #tpu.memory_space<vmem>>, vector<1x16xf32>,
      %mul3A_386 = arith.constant 2.000000e+00 : f32
      %mul3A_387 = vector.broadcast %mul3A_386 : f32 to vector<16xf32>
      %mul3A_388 = arith.mulf %mul3A_387, %scan3A_330#2 : vector<16xf32>
      %exp3A_389 = math.exp %mul3A_388 : vector<16xf32>
      %add3A_390 = arith.constant 1.000000e+00 : f32
      %add3A_391 = vector.broadcast %add3A_390 : f32 to vector<16xf32>
      %add3A_392 = arith.addf %exp3A_389, %add3A_391 : vector<16xf32>
      %div3A_393 = arith.constant 2.000000e+00 : f32
      %div3A_394 = vector.broadcast %div3A_393 : f32 to vector<16xf32>
      %div3A_395 = arith.divf %div3A_394, %add3A_392 : vector<16xf32>
      %sub3A_396 = arith.constant 1.000000e+00 : f32
      %sub3A_397 = vector.broadcast %sub3A_396 : f32 to vector<16xf32>
      %sub3A_398 = arith.subf %sub3A_397, %div3A_395 : vector<16xf32>
      %swap3A_399 = arith.index_cast %select_n3A : i32 to index
      %swap3A_400 = arith.constant 32 : index
      %swap3A_401 = tpu.vector_load %arg7[%swap3A_399, %swap3A_400] {strides = array<i32>} : memref<128x64xf32, #tpu.memory_space<vmem>>, vector<1x16xf32>,
      %swap3A_402 = vector.shape_cast %swap3A_401 : vector<1x16xf32> to vector<16xf32>
      %swap3A_403 = vector.shape_cast %sub3A_398 : vector<16xf32> to vector<1x16xf32>
      tpu.vector_store %arg7[%swap3A_399, %swap3A_400], %swap3A_403 {strides = array<i32>} : memref<128x64xf32, #tpu.memory_space<vmem>>, vector<1x16xf32>,
      %mul3A_404 = arith.constant 2.000000e+00 : f32
      %mul3A_405 = vector.broadcast %mul3A_404 : f32 to vector<16xf32>
      %mul3A_406 = arith.mulf %mul3A_405, %scan3A_330#3 : vector<16xf32>
      %exp3A_407 = math.exp %mul3A_406 : vector<16xf32>
      %add3A_408 = arith.constant 1.000000e+00 : f32
      %add3A_409 = vector.broadcast %add3A_408 : f32 to vector<16xf32>
      %add3A_410 = arith.addf %exp3A_407, %add3A_409 : vector<16xf32>
      %div3A_411 = arith.constant 2.000000e+00 : f32
      %div3A_412 = vector.broadcast %div3A_411 : f32 to vector<16xf32>
      %div3A_413 = arith.divf %div3A_412, %add3A_410 : vector<16xf32>
      %sub3A_414 = arith.constant 1.000000e+00 : f32
      %sub3A_415 = vector.broadcast %sub3A_414 : f32 to vector<16xf32>
      %sub3A_416 = arith.subf %sub3A_415, %div3A_413 : vector<16xf32>
      %swap3A_417 = arith.index_cast %select_n3A : i32 to index
      %swap3A_418 = arith.constant 48 : index
      %swap3A_419 = tpu.vector_load %arg7[%swap3A_417, %swap3A_418] {strides = array<i32>} : memref<128x64xf32, #tpu.memory_space<vmem>>, vector<1x16xf32>,
      %swap3A_420 = vector.shape_cast %swap3A_419 : vector<1x16xf32> to vector<16xf32>
      %swap3A_421 = vector.shape_cast %sub3A_416 : vector<16xf32> to vector<1x16xf32>
      tpu.vector_store %arg7[%swap3A_417, %swap3A_418], %swap3A_421 {strides = array<i32>} : memref<128x64xf32, #tpu.memory_space<vmem>>, vector<1x16xf32>,
      %add3A_422 = arith.constant 4 : i32
      %add3A_423 = arith.addi %add3A_314, %add3A_422 : i32
      %dma_start3A_424 = arith.constant 1 : i32
      %dma_start3A_425 = arith.constant 0 : i32
      %dma_start3A_426 = arith.constant 0 : i32
      %dma_start3A_427 = tpu.memref_slice %arg6[%dma_start3A_424, %dma_start3A_425, %dma_start3A_426] : memref<4x104x64xf32, #tpu.memory_space<vmem>> -> memref<1x104x64xf32, #tpu.memory_space<vmem>>
      %dma_start3A_428 = tpu.memref_squeeze %dma_start3A_427 : memref<1x104x64xf32, #tpu.memory_space<vmem>> -> memref<104x64xf32, #tpu.memory_space<vmem>>
      %dma_start3A_429 = arith.constant 0 : i32
      %dma_start3A_430 = tpu.memref_slice %arg5[%add3A_423, %dma_start3A_429] : memref<256x104xi32, #tpu.memory_space<vmem>> -> memref<1x104xi32, #tpu.memory_space<vmem>>
      %dma_start3A_431 = tpu.memref_squeeze %dma_start3A_430 : memref<1x104xi32, #tpu.memory_space<vmem>> -> memref<104xi32, #tpu.memory_space<vmem>>
      %dma_start3A_432 = arith.constant 0 : i32
      %dma_start3A_433 = arith.constant 0 : i32
      %dma_start3A_434 = tpu.memref_slice %arg3[%dma_start3A_432, %dma_start3A_433] : memref<1000000x64xf32, #tpu.memory_space<hbm>> -> memref<1000000x64xf32, #tpu.memory_space<hbm>>
      tpu.enqueue_indirect_dma source(%dma_start3A_434 : memref<1000000x64xf32, #tpu.memory_space<hbm>>) target(%dma_start3A_428 : memref<104x64xf32, #tpu.memory_space<vmem>>) offsets(%dma_start3A_431 : memref<104xi32, #tpu.memory_space<vmem>>) semaphore(%arg9 : memref<!tpu.dma_semaphore, #tpu.memory_space<semaphore_mem>>)
      %add3A_435 = arith.constant 2 : i32
      %add3A_436 = arith.addi %add3A_280, %add3A_435 : i32
      %dma_wait3A_437 = arith.constant 2 : i32
      %dma_wait3A_438 = arith.constant 0 : i32
      %dma_wait3A_439 = arith.constant 0 : i32
      %dma_wait3A_440 = tpu.memref_slice %arg6[%dma_wait3A_437, %dma_wait3A_438, %dma_wait3A_439] : memref<4x104x64xf32, #tpu.memory_space<vmem>> -> memref<1x104x64xf32, #tpu.memory_space<vmem>>
      %dma_wait3A_441 = tpu.memref_squeeze %dma_wait3A_440 : memref<1x104x64xf32, #tpu.memory_space<vmem>> -> memref<104x64xf32, #tpu.memory_space<vmem>>
      %dma_wait3A_442 = arith.constant 0 : i32
      %dma_wait3A_443 = tpu.memref_slice %arg5[%add3A_436, %dma_wait3A_442] : memref<256x104xi32, #tpu.memory_space<vmem>> -> memref<1x104xi32, #tpu.memory_space<vmem>>
      %dma_wait3A_444 = tpu.memref_squeeze %dma_wait3A_443 : memref<1x104xi32, #tpu.memory_space<vmem>> -> memref<104xi32, #tpu.memory_space<vmem>>
      %dma_wait3A_445 = arith.constant 0 : i32
      %dma_wait3A_446 = arith.constant 0 : i32
      %dma_wait3A_447 = tpu.memref_slice %arg3[%dma_wait3A_445, %dma_wait3A_446] : memref<1000000x64xf32, #tpu.memory_space<hbm>> -> memref<1000000x64xf32, #tpu.memory_space<hbm>>
      tpu.wait_indirect_dma semaphore(%arg10 : memref<!tpu.dma_semaphore, #tpu.memory_space<semaphore_mem>>) src(%dma_wait3A_447 : memref<1000000x64xf32, #tpu.memory_space<hbm>>) dst(%dma_wait3A_441 : memref<104x64xf32, #tpu.memory_space<vmem>>)
      %scan3A_448 = arith.constant 0 : i32
      %scan3A_449 = arith.constant 13 : i32
      %scan3A_450 = arith.addi %scan3A_448, %scan3A_449 : i32
      %scan3A_451 = arith.constant 1 : i32
      %scan3A_452:4 = scf.for %scan3A_595 = %scan3A_448 to %scan3A_450 step %scan3A_451 iter_args(%scan3A_596 = %broadcast_in_dim3A_3, %scan3A_597 = %broadcast_in_dim3A_3, %scan3A_598 = %broadcast_in_dim3A_3, %scan3A_599 = %broadcast_in_dim3A_3) -> (vector<16xf32>, vector<16xf32>, vector<16xf32>, vector<16xf32>)  : i32 {
        %mul3A_600 = arith.constant 8 : i32
        %mul3A_601 = arith.muli %scan3A_595, %mul3A_600 : i32
        %add3A_602 = arith.constant 0 : i32
        %add3A_603 = arith.addi %mul3A_601, %add3A_602 : i32
        %get3A = arith.constant 2 : i32
        %get3A_604 = arith.index_cast %get3A : i32 to index
        %get3A_605 = arith.index_cast %add3A_603 : i32 to index
        %get3A_606 = arith.constant 0 : index
        %get3A_607 = tpu.vector_load %arg6[%get3A_604, %get3A_605, %get3A_606] {strides = array<i32>} : memref<4x104x64xf32, #tpu.memory_space<vmem>>, vector<1x1x16xf32>,
        %get3A_608 = vector.shape_cast %get3A_607 : vector<1x1x16xf32> to vector<16xf32>
        %max3A = arith.maximumf %scan3A_596, %get3A_608 : vector<16xf32>
        %get3A_609 = arith.constant 2 : i32
        %get3A_610 = arith.index_cast %get3A_609 : i32 to index
        %get3A_611 = arith.index_cast %add3A_603 : i32 to index
        %get3A_612 = arith.constant 16 : index
        %get3A_613 = tpu.vector_load %arg6[%get3A_610, %get3A_611, %get3A_612] {strides = array<i32>} : memref<4x104x64xf32, #tpu.memory_space<vmem>>, vector<1x1x16xf32>,
        %get3A_614 = vector.shape_cast %get3A_613 : vector<1x1x16xf32> to vector<16xf32>
        %max3A_615 = arith.maximumf %scan3A_597, %get3A_614 : vector<16xf32>
        %get3A_616 = arith.constant 2 : i32
        %get3A_617 = arith.index_cast %get3A_616 : i32 to index
        %get3A_618 = arith.index_cast %add3A_603 : i32 to index
        %get3A_619 = arith.constant 32 : index
        %get3A_620 = tpu.vector_load %arg6[%get3A_617, %get3A_618, %get3A_619] {strides = array<i32>} : memref<4x104x64xf32, #tpu.memory_space<vmem>>, vector<1x1x16xf32>,
        %get3A_621 = vector.shape_cast %get3A_620 : vector<1x1x16xf32> to vector<16xf32>
        %max3A_622 = arith.maximumf %scan3A_598, %get3A_621 : vector<16xf32>
        %get3A_623 = arith.constant 2 : i32
        %get3A_624 = arith.index_cast %get3A_623 : i32 to index
        %get3A_625 = arith.index_cast %add3A_603 : i32 to index
        %get3A_626 = arith.constant 48 : index
        %get3A_627 = tpu.vector_load %arg6[%get3A_624, %get3A_625, %get3A_626] {strides = array<i32>} : memref<4x104x64xf32, #tpu.memory_space<vmem>>, vector<1x1x16xf32>,
        %get3A_628 = vector.shape_cast %get3A_627 : vector<1x1x16xf32> to vector<16xf32>
        %max3A_629 = arith.maximumf %scan3A_599, %get3A_628 : vector<16xf32>
        %mul3A_630 = arith.constant 8 : i32
        %mul3A_631 = arith.muli %scan3A_595, %mul3A_630 : i32
        %add3A_632 = arith.constant 1 : i32
        %add3A_633 = arith.addi %mul3A_631, %add3A_632 : i32
        %get3A_634 = arith.constant 2 : i32
        %get3A_635 = arith.index_cast %get3A_634 : i32 to index
        %get3A_636 = arith.index_cast %add3A_633 : i32 to index
        %get3A_637 = arith.constant 0 : index
        %get3A_638 = tpu.vector_load %arg6[%get3A_635, %get3A_636, %get3A_637] {strides = array<i32>} : memref<4x104x64xf32, #tpu.memory_space<vmem>>, vector<1x1x16xf32>,
        %get3A_639 = vector.shape_cast %get3A_638 : vector<1x1x16xf32> to vector<16xf32>
        %max3A_640 = arith.maximumf %max3A, %get3A_639 : vector<16xf32>
        %get3A_641 = arith.constant 2 : i32
        %get3A_642 = arith.index_cast %get3A_641 : i32 to index
        %get3A_643 = arith.index_cast %add3A_633 : i32 to index
        %get3A_644 = arith.constant 16 : index
        %get3A_645 = tpu.vector_load %arg6[%get3A_642, %get3A_643, %get3A_644] {strides = array<i32>} : memref<4x104x64xf32, #tpu.memory_space<vmem>>, vector<1x1x16xf32>,
        %get3A_646 = vector.shape_cast %get3A_645 : vector<1x1x16xf32> to vector<16xf32>
        %max3A_647 = arith.maximumf %max3A_615, %get3A_646 : vector<16xf32>
        %get3A_648 = arith.constant 2 : i32
        %get3A_649 = arith.index_cast %get3A_648 : i32 to index
        %get3A_650 = arith.index_cast %add3A_633 : i32 to index
        %get3A_651 = arith.constant 32 : index
        %get3A_652 = tpu.vector_load %arg6[%get3A_649, %get3A_650, %get3A_651] {strides = array<i32>} : memref<4x104x64xf32, #tpu.memory_space<vmem>>, vector<1x1x16xf32>,
        %get3A_653 = vector.shape_cast %get3A_652 : vector<1x1x16xf32> to vector<16xf32>
        %max3A_654 = arith.maximumf %max3A_622, %get3A_653 : vector<16xf32>
        %get3A_655 = arith.constant 2 : i32
        %get3A_656 = arith.index_cast %get3A_655 : i32 to index
        %get3A_657 = arith.index_cast %add3A_633 : i32 to index
        %get3A_658 = arith.constant 48 : index
        %get3A_659 = tpu.vector_load %arg6[%get3A_656, %get3A_657, %get3A_658] {strides = array<i32>} : memref<4x104x64xf32, #tpu.memory_space<vmem>>, vector<1x1x16xf32>,
        %get3A_660 = vector.shape_cast %get3A_659 : vector<1x1x16xf32> to vector<16xf32>
        %max3A_661 = arith.maximumf %max3A_629, %get3A_660 : vector<16xf32>
        %mul3A_662 = arith.constant 8 : i32
        %mul3A_663 = arith.muli %scan3A_595, %mul3A_662 : i32
        %add3A_664 = arith.constant 2 : i32
        %add3A_665 = arith.addi %mul3A_663, %add3A_664 : i32
        %get3A_666 = arith.constant 2 : i32
        %get3A_667 = arith.index_cast %get3A_666 : i32 to index
        %get3A_668 = arith.index_cast %add3A_665 : i32 to index
        %get3A_669 = arith.constant 0 : index
        %get3A_670 = tpu.vector_load %arg6[%get3A_667, %get3A_668, %get3A_669] {strides = array<i32>} : memref<4x104x64xf32, #tpu.memory_space<vmem>>, vector<1x1x16xf32>,
        %get3A_671 = vector.shape_cast %get3A_670 : vector<1x1x16xf32> to vector<16xf32>
        %max3A_672 = arith.maximumf %max3A_640, %get3A_671 : vector<16xf32>
        %get3A_673 = arith.constant 2 : i32
        %get3A_674 = arith.index_cast %get3A_673 : i32 to index
        %get3A_675 = arith.index_cast %add3A_665 : i32 to index
        %get3A_676 = arith.constant 16 : index
        %get3A_677 = tpu.vector_load %arg6[%get3A_674, %get3A_675, %get3A_676] {strides = array<i32>} : memref<4x104x64xf32, #tpu.memory_space<vmem>>, vector<1x1x16xf32>,
        %get3A_678 = vector.shape_cast %get3A_677 : vector<1x1x16xf32> to vector<16xf32>
        %max3A_679 = arith.maximumf %max3A_647, %get3A_678 : vector<16xf32>
        %get3A_680 = arith.constant 2 : i32
        %get3A_681 = arith.index_cast %get3A_680 : i32 to index
        %get3A_682 = arith.index_cast %add3A_665 : i32 to index
        %get3A_683 = arith.constant 32 : index
        %get3A_684 = tpu.vector_load %arg6[%get3A_681, %get3A_682, %get3A_683] {strides = array<i32>} : memref<4x104x64xf32, #tpu.memory_space<vmem>>, vector<1x1x16xf32>,
        %get3A_685 = vector.shape_cast %get3A_684 : vector<1x1x16xf32> to vector<16xf32>
        %max3A_686 = arith.maximumf %max3A_654, %get3A_685 : vector<16xf32>
        %get3A_687 = arith.constant 2 : i32
        %get3A_688 = arith.index_cast %get3A_687 : i32 to index
        %get3A_689 = arith.index_cast %add3A_665 : i32 to index
        %get3A_690 = arith.constant 48 : index
        %get3A_691 = tpu.vector_load %arg6[%get3A_688, %get3A_689, %get3A_690] {strides = array<i32>} : memref<4x104x64xf32, #tpu.memory_space<vmem>>, vector<1x1x16xf32>,
        %get3A_692 = vector.shape_cast %get3A_691 : vector<1x1x16xf32> to vector<16xf32>
        %max3A_693 = arith.maximumf %max3A_661, %get3A_692 : vector<16xf32>
        %mul3A_694 = arith.constant 8 : i32
        %mul3A_695 = arith.muli %scan3A_595, %mul3A_694 : i32
        %add3A_696 = arith.constant 3 : i32
        %add3A_697 = arith.addi %mul3A_695, %add3A_696 : i32
        %get3A_698 = arith.constant 2 : i32
        %get3A_699 = arith.index_cast %get3A_698 : i32 to index
        %get3A_700 = arith.index_cast %add3A_697 : i32 to index
        %get3A_701 = arith.constant 0 : index
        %get3A_702 = tpu.vector_load %arg6[%get3A_699, %get3A_700, %get3A_701] {strides = array<i32>} : memref<4x104x64xf32, #tpu.memory_space<vmem>>, vector<1x1x16xf32>,
        %get3A_703 = vector.shape_cast %get3A_702 : vector<1x1x16xf32> to vector<16xf32>
        %max3A_704 = arith.maximumf %max3A_672, %get3A_703 : vector<16xf32>
        %get3A_705 = arith.constant 2 : i32
        %get3A_706 = arith.index_cast %get3A_705 : i32 to index
        %get3A_707 = arith.index_cast %add3A_697 : i32 to index
        %get3A_708 = arith.constant 16 : index
        %get3A_709 = tpu.vector_load %arg6[%get3A_706, %get3A_707, %get3A_708] {strides = array<i32>} : memref<4x104x64xf32, #tpu.memory_space<vmem>>, vector<1x1x16xf32>,
        %get3A_710 = vector.shape_cast %get3A_709 : vector<1x1x16xf32> to vector<16xf32>
        %max3A_711 = arith.maximumf %max3A_679, %get3A_710 : vector<16xf32>
        %get3A_712 = arith.constant 2 : i32
        %get3A_713 = arith.index_cast %get3A_712 : i32 to index
        %get3A_714 = arith.index_cast %add3A_697 : i32 to index
        %get3A_715 = arith.constant 32 : index
        %get3A_716 = tpu.vector_load %arg6[%get3A_713, %get3A_714, %get3A_715] {strides = array<i32>} : memref<4x104x64xf32, #tpu.memory_space<vmem>>, vector<1x1x16xf32>,
        %get3A_717 = vector.shape_cast %get3A_716 : vector<1x1x16xf32> to vector<16xf32>
        %max3A_718 = arith.maximumf %max3A_686, %get3A_717 : vector<16xf32>
        %get3A_719 = arith.constant 2 : i32
        %get3A_720 = arith.index_cast %get3A_719 : i32 to index
        %get3A_721 = arith.index_cast %add3A_697 : i32 to index
        %get3A_722 = arith.constant 48 : index
        %get3A_723 = tpu.vector_load %arg6[%get3A_720, %get3A_721, %get3A_722] {strides = array<i32>} : memref<4x104x64xf32, #tpu.memory_space<vmem>>, vector<1x1x16xf32>,
        %get3A_724 = vector.shape_cast %get3A_723 : vector<1x1x16xf32> to vector<16xf32>
        %max3A_725 = arith.maximumf %max3A_693, %get3A_724 : vector<16xf32>
        %mul3A_726 = arith.constant 8 : i32
        %mul3A_727 = arith.muli %scan3A_595, %mul3A_726 : i32
        %add3A_728 = arith.constant 4 : i32
        %add3A_729 = arith.addi %mul3A_727, %add3A_728 : i32
        %get3A_730 = arith.constant 2 : i32
        %get3A_731 = arith.index_cast %get3A_730 : i32 to index
        %get3A_732 = arith.index_cast %add3A_729 : i32 to index
        %get3A_733 = arith.constant 0 : index
        %get3A_734 = tpu.vector_load %arg6[%get3A_731, %get3A_732, %get3A_733] {strides = array<i32>} : memref<4x104x64xf32, #tpu.memory_space<vmem>>, vector<1x1x16xf32>,
        %get3A_735 = vector.shape_cast %get3A_734 : vector<1x1x16xf32> to vector<16xf32>
        %max3A_736 = arith.maximumf %max3A_704, %get3A_735 : vector<16xf32>
        %get3A_737 = arith.constant 2 : i32
        %get3A_738 = arith.index_cast %get3A_737 : i32 to index
        %get3A_739 = arith.index_cast %add3A_729 : i32 to index
        %get3A_740 = arith.constant 16 : index
        %get3A_741 = tpu.vector_load %arg6[%get3A_738, %get3A_739, %get3A_740] {strides = array<i32>} : memref<4x104x64xf32, #tpu.memory_space<vmem>>, vector<1x1x16xf32>,
        %get3A_742 = vector.shape_cast %get3A_741 : vector<1x1x16xf32> to vector<16xf32>
        %max3A_743 = arith.maximumf %max3A_711, %get3A_742 : vector<16xf32>
        %get3A_744 = arith.constant 2 : i32
        %get3A_745 = arith.index_cast %get3A_744 : i32 to index
        %get3A_746 = arith.index_cast %add3A_729 : i32 to index
        %get3A_747 = arith.constant 32 : index
        %get3A_748 = tpu.vector_load %arg6[%get3A_745, %get3A_746, %get3A_747] {strides = array<i32>} : memref<4x104x64xf32, #tpu.memory_space<vmem>>, vector<1x1x16xf32>,
        %get3A_749 = vector.shape_cast %get3A_748 : vector<1x1x16xf32> to vector<16xf32>
        %max3A_750 = arith.maximumf %max3A_718, %get3A_749 : vector<16xf32>
        %get3A_751 = arith.constant 2 : i32
        %get3A_752 = arith.index_cast %get3A_751 : i32 to index
        %get3A_753 = arith.index_cast %add3A_729 : i32 to index
        %get3A_754 = arith.constant 48 : index
        %get3A_755 = tpu.vector_load %arg6[%get3A_752, %get3A_753, %get3A_754] {strides = array<i32>} : memref<4x104x64xf32, #tpu.memory_space<vmem>>, vector<1x1x16xf32>,
        %get3A_756 = vector.shape_cast %get3A_755 : vector<1x1x16xf32> to vector<16xf32>
        %max3A_757 = arith.maximumf %max3A_725, %get3A_756 : vector<16xf32>
        %mul3A_758 = arith.constant 8 : i32
        %mul3A_759 = arith.muli %scan3A_595, %mul3A_758 : i32
        %add3A_760 = arith.constant 5 : i32
        %add3A_761 = arith.addi %mul3A_759, %add3A_760 : i32
        %get3A_762 = arith.constant 2 : i32
        %get3A_763 = arith.index_cast %get3A_762 : i32 to index
        %get3A_764 = arith.index_cast %add3A_761 : i32 to index
        %get3A_765 = arith.constant 0 : index
        %get3A_766 = tpu.vector_load %arg6[%get3A_763, %get3A_764, %get3A_765] {strides = array<i32>} : memref<4x104x64xf32, #tpu.memory_space<vmem>>, vector<1x1x16xf32>,
        %get3A_767 = vector.shape_cast %get3A_766 : vector<1x1x16xf32> to vector<16xf32>
        %max3A_768 = arith.maximumf %max3A_736, %get3A_767 : vector<16xf32>
        %get3A_769 = arith.constant 2 : i32
        %get3A_770 = arith.index_cast %get3A_769 : i32 to index
        %get3A_771 = arith.index_cast %add3A_761 : i32 to index
        %get3A_772 = arith.constant 16 : index
        %get3A_773 = tpu.vector_load %arg6[%get3A_770, %get3A_771, %get3A_772] {strides = array<i32>} : memref<4x104x64xf32, #tpu.memory_space<vmem>>, vector<1x1x16xf32>,
        %get3A_774 = vector.shape_cast %get3A_773 : vector<1x1x16xf32> to vector<16xf32>
        %max3A_775 = arith.maximumf %max3A_743, %get3A_774 : vector<16xf32>
        %get3A_776 = arith.constant 2 : i32
        %get3A_777 = arith.index_cast %get3A_776 : i32 to index
        %get3A_778 = arith.index_cast %add3A_761 : i32 to index
        %get3A_779 = arith.constant 32 : index
        %get3A_780 = tpu.vector_load %arg6[%get3A_777, %get3A_778, %get3A_779] {strides = array<i32>} : memref<4x104x64xf32, #tpu.memory_space<vmem>>, vector<1x1x16xf32>,
        %get3A_781 = vector.shape_cast %get3A_780 : vector<1x1x16xf32> to vector<16xf32>
        %max3A_782 = arith.maximumf %max3A_750, %get3A_781 : vector<16xf32>
        %get3A_783 = arith.constant 2 : i32
        %get3A_784 = arith.index_cast %get3A_783 : i32 to index
        %get3A_785 = arith.index_cast %add3A_761 : i32 to index
        %get3A_786 = arith.constant 48 : index
        %get3A_787 = tpu.vector_load %arg6[%get3A_784, %get3A_785, %get3A_786] {strides = array<i32>} : memref<4x104x64xf32, #tpu.memory_space<vmem>>, vector<1x1x16xf32>,
        %get3A_788 = vector.shape_cast %get3A_787 : vector<1x1x16xf32> to vector<16xf32>
        %max3A_789 = arith.maximumf %max3A_757, %get3A_788 : vector<16xf32>
        %mul3A_790 = arith.constant 8 : i32
        %mul3A_791 = arith.muli %scan3A_595, %mul3A_790 : i32
        %add3A_792 = arith.constant 6 : i32
        %add3A_793 = arith.addi %mul3A_791, %add3A_792 : i32
        %get3A_794 = arith.constant 2 : i32
        %get3A_795 = arith.index_cast %get3A_794 : i32 to index
        %get3A_796 = arith.index_cast %add3A_793 : i32 to index
        %get3A_797 = arith.constant 0 : index
        %get3A_798 = tpu.vector_load %arg6[%get3A_795, %get3A_796, %get3A_797] {strides = array<i32>} : memref<4x104x64xf32, #tpu.memory_space<vmem>>, vector<1x1x16xf32>,
        %get3A_799 = vector.shape_cast %get3A_798 : vector<1x1x16xf32> to vector<16xf32>
        %max3A_800 = arith.maximumf %max3A_768, %get3A_799 : vector<16xf32>
        %get3A_801 = arith.constant 2 : i32
        %get3A_802 = arith.index_cast %get3A_801 : i32 to index
        %get3A_803 = arith.index_cast %add3A_793 : i32 to index
        %get3A_804 = arith.constant 16 : index
        %get3A_805 = tpu.vector_load %arg6[%get3A_802, %get3A_803, %get3A_804] {strides = array<i32>} : memref<4x104x64xf32, #tpu.memory_space<vmem>>, vector<1x1x16xf32>,
        %get3A_806 = vector.shape_cast %get3A_805 : vector<1x1x16xf32> to vector<16xf32>
        %max3A_807 = arith.maximumf %max3A_775, %get3A_806 : vector<16xf32>
        %get3A_808 = arith.constant 2 : i32
        %get3A_809 = arith.index_cast %get3A_808 : i32 to index
        %get3A_810 = arith.index_cast %add3A_793 : i32 to index
        %get3A_811 = arith.constant 32 : index
        %get3A_812 = tpu.vector_load %arg6[%get3A_809, %get3A_810, %get3A_811] {strides = array<i32>} : memref<4x104x64xf32, #tpu.memory_space<vmem>>, vector<1x1x16xf32>,
        %get3A_813 = vector.shape_cast %get3A_812 : vector<1x1x16xf32> to vector<16xf32>
        %max3A_814 = arith.maximumf %max3A_782, %get3A_813 : vector<16xf32>
        %get3A_815 = arith.constant 2 : i32
        %get3A_816 = arith.index_cast %get3A_815 : i32 to index
        %get3A_817 = arith.index_cast %add3A_793 : i32 to index
        %get3A_818 = arith.constant 48 : index
        %get3A_819 = tpu.vector_load %arg6[%get3A_816, %get3A_817, %get3A_818] {strides = array<i32>} : memref<4x104x64xf32, #tpu.memory_space<vmem>>, vector<1x1x16xf32>,
        %get3A_820 = vector.shape_cast %get3A_819 : vector<1x1x16xf32> to vector<16xf32>
        %max3A_821 = arith.maximumf %max3A_789, %get3A_820 : vector<16xf32>
        %mul3A_822 = arith.constant 8 : i32
        %mul3A_823 = arith.muli %scan3A_595, %mul3A_822 : i32
        %add3A_824 = arith.constant 7 : i32
        %add3A_825 = arith.addi %mul3A_823, %add3A_824 : i32
        %get3A_826 = arith.constant 2 : i32
        %get3A_827 = arith.index_cast %get3A_826 : i32 to index
        %get3A_828 = arith.index_cast %add3A_825 : i32 to index
        %get3A_829 = arith.constant 0 : index
        %get3A_830 = tpu.vector_load %arg6[%get3A_827, %get3A_828, %get3A_829] {strides = array<i32>} : memref<4x104x64xf32, #tpu.memory_space<vmem>>, vector<1x1x16xf32>,
        %get3A_831 = vector.shape_cast %get3A_830 : vector<1x1x16xf32> to vector<16xf32>
        %max3A_832 = arith.maximumf %max3A_800, %get3A_831 : vector<16xf32>
        %get3A_833 = arith.constant 2 : i32
        %get3A_834 = arith.index_cast %get3A_833 : i32 to index
        %get3A_835 = arith.index_cast %add3A_825 : i32 to index
        %get3A_836 = arith.constant 16 : index
        %get3A_837 = tpu.vector_load %arg6[%get3A_834, %get3A_835, %get3A_836] {strides = array<i32>} : memref<4x104x64xf32, #tpu.memory_space<vmem>>, vector<1x1x16xf32>,
        %get3A_838 = vector.shape_cast %get3A_837 : vector<1x1x16xf32> to vector<16xf32>
        %max3A_839 = arith.maximumf %max3A_807, %get3A_838 : vector<16xf32>
        %get3A_840 = arith.constant 2 : i32
        %get3A_841 = arith.index_cast %get3A_840 : i32 to index
        %get3A_842 = arith.index_cast %add3A_825 : i32 to index
        %get3A_843 = arith.constant 32 : index
        %get3A_844 = tpu.vector_load %arg6[%get3A_841, %get3A_842, %get3A_843] {strides = array<i32>} : memref<4x104x64xf32, #tpu.memory_space<vmem>>, vector<1x1x16xf32>,
        %get3A_845 = vector.shape_cast %get3A_844 : vector<1x1x16xf32> to vector<16xf32>
        %max3A_846 = arith.maximumf %max3A_814, %get3A_845 : vector<16xf32>
        %get3A_847 = arith.constant 2 : i32
        %get3A_848 = arith.index_cast %get3A_847 : i32 to index
        %get3A_849 = arith.index_cast %add3A_825 : i32 to index
        %get3A_850 = arith.constant 48 : index
        %get3A_851 = tpu.vector_load %arg6[%get3A_848, %get3A_849, %get3A_850] {strides = array<i32>} : memref<4x104x64xf32, #tpu.memory_space<vmem>>, vector<1x1x16xf32>,
        %get3A_852 = vector.shape_cast %get3A_851 : vector<1x1x16xf32> to vector<16xf32>
        %max3A_853 = arith.maximumf %max3A_821, %get3A_852 : vector<16xf32>
        scf.yield %max3A_832, %max3A_839, %max3A_846, %max3A_853 : vector<16xf32>, vector<16xf32>, vector<16xf32>, vector<16xf32>
      }
      %scan3A_453 = arith.constant 13 : i32
      %add3A_454 = arith.constant 4 : i32
      %add3A_455 = arith.addi %add3A_436, %add3A_454 : i32
      %dma_start3A_456 = arith.constant 2 : i32
      %dma_start3A_457 = arith.constant 0 : i32
      %dma_start3A_458 = arith.constant 0 : i32
      %dma_start3A_459 = tpu.memref_slice %arg6[%dma_start3A_456, %dma_start3A_457, %dma_start3A_458] : memref<4x104x64xf32, #tpu.memory_space<vmem>> -> memref<1x104x64xf32, #tpu.memory_space<vmem>>
      %dma_start3A_460 = tpu.memref_squeeze %dma_start3A_459 : memref<1x104x64xf32, #tpu.memory_space<vmem>> -> memref<104x64xf32, #tpu.memory_space<vmem>>
      %dma_start3A_461 = arith.constant 0 : i32
      %dma_start3A_462 = tpu.memref_slice %arg5[%add3A_455, %dma_start3A_461] : memref<256x104xi32, #tpu.memory_space<vmem>> -> memref<1x104xi32, #tpu.memory_space<vmem>>
      %dma_start3A_463 = tpu.memref_squeeze %dma_start3A_462 : memref<1x104xi32, #tpu.memory_space<vmem>> -> memref<104xi32, #tpu.memory_space<vmem>>
      %dma_start3A_464 = arith.constant 0 : i32
      %dma_start3A_465 = arith.constant 0 : i32
      %dma_start3A_466 = tpu.memref_slice %arg3[%dma_start3A_464, %dma_start3A_465] : memref<1000000x64xf32, #tpu.memory_space<hbm>> -> memref<1000000x64xf32, #tpu.memory_space<hbm>>
      tpu.enqueue_indirect_dma source(%dma_start3A_466 : memref<1000000x64xf32, #tpu.memory_space<hbm>>) target(%dma_start3A_460 : memref<104x64xf32, #tpu.memory_space<vmem>>) offsets(%dma_start3A_463 : memref<104xi32, #tpu.memory_space<vmem>>) semaphore(%arg10 : memref<!tpu.dma_semaphore, #tpu.memory_space<semaphore_mem>>)
      %add3A_467 = arith.constant 3 : i32
      %add3A_468 = arith.addi %add3A_280, %add3A_467 : i32
      %dma_wait3A_469 = arith.constant 3 : i32
      %dma_wait3A_470 = arith.constant 0 : i32
      %dma_wait3A_471 = arith.constant 0 : i32
      %dma_wait3A_472 = tpu.memref_slice %arg6[%dma_wait3A_469, %dma_wait3A_470, %dma_wait3A_471] : memref<4x104x64xf32, #tpu.memory_space<vmem>> -> memref<1x104x64xf32, #tpu.memory_space<vmem>>
      %dma_wait3A_473 = tpu.memref_squeeze %dma_wait3A_472 : memref<1x104x64xf32, #tpu.memory_space<vmem>> -> memref<104x64xf32, #tpu.memory_space<vmem>>
      %dma_wait3A_474 = arith.constant 0 : i32
      %dma_wait3A_475 = tpu.memref_slice %arg5[%add3A_468, %dma_wait3A_474] : memref<256x104xi32, #tpu.memory_space<vmem>> -> memref<1x104xi32, #tpu.memory_space<vmem>>
      %dma_wait3A_476 = tpu.memref_squeeze %dma_wait3A_475 : memref<1x104xi32, #tpu.memory_space<vmem>> -> memref<104xi32, #tpu.memory_space<vmem>>
      %dma_wait3A_477 = arith.constant 0 : i32
      %dma_wait3A_478 = arith.constant 0 : i32
      %dma_wait3A_479 = tpu.memref_slice %arg3[%dma_wait3A_477, %dma_wait3A_478] : memref<1000000x64xf32, #tpu.memory_space<hbm>> -> memref<1000000x64xf32, #tpu.memory_space<hbm>>
      tpu.wait_indirect_dma semaphore(%arg11 : memref<!tpu.dma_semaphore, #tpu.memory_space<semaphore_mem>>) src(%dma_wait3A_479 : memref<1000000x64xf32, #tpu.memory_space<hbm>>) dst(%dma_wait3A_473 : memref<104x64xf32, #tpu.memory_space<vmem>>)
      %scan3A_480 = arith.constant 0 : i32
      %scan3A_481 = arith.constant 13 : i32
      %scan3A_482 = arith.addi %scan3A_480, %scan3A_481 : i32
      %scan3A_483 = arith.constant 1 : i32
      %scan3A_484:4 = scf.for %scan3A_595 = %scan3A_480 to %scan3A_482 step %scan3A_483 iter_args(%scan3A_596 = %scan3A_452#0, %scan3A_597 = %scan3A_452#1, %scan3A_598 = %scan3A_452#2, %scan3A_599 = %scan3A_452#3) -> (vector<16xf32>, vector<16xf32>, vector<16xf32>, vector<16xf32>)  : i32 {
        %mul3A_600 = arith.constant 8 : i32
        %mul3A_601 = arith.muli %scan3A_595, %mul3A_600 : i32
        %add3A_602 = arith.constant 0 : i32
        %add3A_603 = arith.addi %mul3A_601, %add3A_602 : i32
        %get3A = arith.constant 3 : i32
        %get3A_604 = arith.index_cast %get3A : i32 to index
        %get3A_605 = arith.index_cast %add3A_603 : i32 to index
        %get3A_606 = arith.constant 0 : index
        %get3A_607 = tpu.vector_load %arg6[%get3A_604, %get3A_605, %get3A_606] {strides = array<i32>} : memref<4x104x64xf32, #tpu.memory_space<vmem>>, vector<1x1x16xf32>,
        %get3A_608 = vector.shape_cast %get3A_607 : vector<1x1x16xf32> to vector<16xf32>
        %max3A = arith.maximumf %scan3A_596, %get3A_608 : vector<16xf32>
        %get3A_609 = arith.constant 3 : i32
        %get3A_610 = arith.index_cast %get3A_609 : i32 to index
        %get3A_611 = arith.index_cast %add3A_603 : i32 to index
        %get3A_612 = arith.constant 16 : index
        %get3A_613 = tpu.vector_load %arg6[%get3A_610, %get3A_611, %get3A_612] {strides = array<i32>} : memref<4x104x64xf32, #tpu.memory_space<vmem>>, vector<1x1x16xf32>,
        %get3A_614 = vector.shape_cast %get3A_613 : vector<1x1x16xf32> to vector<16xf32>
        %max3A_615 = arith.maximumf %scan3A_597, %get3A_614 : vector<16xf32>
        %get3A_616 = arith.constant 3 : i32
        %get3A_617 = arith.index_cast %get3A_616 : i32 to index
        %get3A_618 = arith.index_cast %add3A_603 : i32 to index
        %get3A_619 = arith.constant 32 : index
        %get3A_620 = tpu.vector_load %arg6[%get3A_617, %get3A_618, %get3A_619] {strides = array<i32>} : memref<4x104x64xf32, #tpu.memory_space<vmem>>, vector<1x1x16xf32>,
        %get3A_621 = vector.shape_cast %get3A_620 : vector<1x1x16xf32> to vector<16xf32>
        %max3A_622 = arith.maximumf %scan3A_598, %get3A_621 : vector<16xf32>
        %get3A_623 = arith.constant 3 : i32
        %get3A_624 = arith.index_cast %get3A_623 : i32 to index
        %get3A_625 = arith.index_cast %add3A_603 : i32 to index
        %get3A_626 = arith.constant 48 : index
        %get3A_627 = tpu.vector_load %arg6[%get3A_624, %get3A_625, %get3A_626] {strides = array<i32>} : memref<4x104x64xf32, #tpu.memory_space<vmem>>, vector<1x1x16xf32>,
        %get3A_628 = vector.shape_cast %get3A_627 : vector<1x1x16xf32> to vector<16xf32>
        %max3A_629 = arith.maximumf %scan3A_599, %get3A_628 : vector<16xf32>
        %mul3A_630 = arith.constant 8 : i32
        %mul3A_631 = arith.muli %scan3A_595, %mul3A_630 : i32
        %add3A_632 = arith.constant 1 : i32
        %add3A_633 = arith.addi %mul3A_631, %add3A_632 : i32
        %get3A_634 = arith.constant 3 : i32
        %get3A_635 = arith.index_cast %get3A_634 : i32 to index
        %get3A_636 = arith.index_cast %add3A_633 : i32 to index
        %get3A_637 = arith.constant 0 : index
        %get3A_638 = tpu.vector_load %arg6[%get3A_635, %get3A_636, %get3A_637] {strides = array<i32>} : memref<4x104x64xf32, #tpu.memory_space<vmem>>, vector<1x1x16xf32>,
        %get3A_639 = vector.shape_cast %get3A_638 : vector<1x1x16xf32> to vector<16xf32>
        %max3A_640 = arith.maximumf %max3A, %get3A_639 : vector<16xf32>
        %get3A_641 = arith.constant 3 : i32
        %get3A_642 = arith.index_cast %get3A_641 : i32 to index
        %get3A_643 = arith.index_cast %add3A_633 : i32 to index
        %get3A_644 = arith.constant 16 : index
        %get3A_645 = tpu.vector_load %arg6[%get3A_642, %get3A_643, %get3A_644] {strides = array<i32>} : memref<4x104x64xf32, #tpu.memory_space<vmem>>, vector<1x1x16xf32>,
        %get3A_646 = vector.shape_cast %get3A_645 : vector<1x1x16xf32> to vector<16xf32>
        %max3A_647 = arith.maximumf %max3A_615, %get3A_646 : vector<16xf32>
        %get3A_648 = arith.constant 3 : i32
        %get3A_649 = arith.index_cast %get3A_648 : i32 to index
        %get3A_650 = arith.index_cast %add3A_633 : i32 to index
        %get3A_651 = arith.constant 32 : index
        %get3A_652 = tpu.vector_load %arg6[%get3A_649, %get3A_650, %get3A_651] {strides = array<i32>} : memref<4x104x64xf32, #tpu.memory_space<vmem>>, vector<1x1x16xf32>,
        %get3A_653 = vector.shape_cast %get3A_652 : vector<1x1x16xf32> to vector<16xf32>
        %max3A_654 = arith.maximumf %max3A_622, %get3A_653 : vector<16xf32>
        %get3A_655 = arith.constant 3 : i32
        %get3A_656 = arith.index_cast %get3A_655 : i32 to index
        %get3A_657 = arith.index_cast %add3A_633 : i32 to index
        %get3A_658 = arith.constant 48 : index
        %get3A_659 = tpu.vector_load %arg6[%get3A_656, %get3A_657, %get3A_658] {strides = array<i32>} : memref<4x104x64xf32, #tpu.memory_space<vmem>>, vector<1x1x16xf32>,
        %get3A_660 = vector.shape_cast %get3A_659 : vector<1x1x16xf32> to vector<16xf32>
        %max3A_661 = arith.maximumf %max3A_629, %get3A_660 : vector<16xf32>
        %mul3A_662 = arith.constant 8 : i32
        %mul3A_663 = arith.muli %scan3A_595, %mul3A_662 : i32
        %add3A_664 = arith.constant 2 : i32
        %add3A_665 = arith.addi %mul3A_663, %add3A_664 : i32
        %get3A_666 = arith.constant 3 : i32
        %get3A_667 = arith.index_cast %get3A_666 : i32 to index
        %get3A_668 = arith.index_cast %add3A_665 : i32 to index
        %get3A_669 = arith.constant 0 : index
        %get3A_670 = tpu.vector_load %arg6[%get3A_667, %get3A_668, %get3A_669] {strides = array<i32>} : memref<4x104x64xf32, #tpu.memory_space<vmem>>, vector<1x1x16xf32>,
        %get3A_671 = vector.shape_cast %get3A_670 : vector<1x1x16xf32> to vector<16xf32>
        %max3A_672 = arith.maximumf %max3A_640, %get3A_671 : vector<16xf32>
        %get3A_673 = arith.constant 3 : i32
        %get3A_674 = arith.index_cast %get3A_673 : i32 to index
        %get3A_675 = arith.index_cast %add3A_665 : i32 to index
        %get3A_676 = arith.constant 16 : index
        %get3A_677 = tpu.vector_load %arg6[%get3A_674, %get3A_675, %get3A_676] {strides = array<i32>} : memref<4x104x64xf32, #tpu.memory_space<vmem>>, vector<1x1x16xf32>,
        %get3A_678 = vector.shape_cast %get3A_677 : vector<1x1x16xf32> to vector<16xf32>
        %max3A_679 = arith.maximumf %max3A_647, %get3A_678 : vector<16xf32>
        %get3A_680 = arith.constant 3 : i32
        %get3A_681 = arith.index_cast %get3A_680 : i32 to index
        %get3A_682 = arith.index_cast %add3A_665 : i32 to index
        %get3A_683 = arith.constant 32 : index
        %get3A_684 = tpu.vector_load %arg6[%get3A_681, %get3A_682, %get3A_683] {strides = array<i32>} : memref<4x104x64xf32, #tpu.memory_space<vmem>>, vector<1x1x16xf32>,
        %get3A_685 = vector.shape_cast %get3A_684 : vector<1x1x16xf32> to vector<16xf32>
        %max3A_686 = arith.maximumf %max3A_654, %get3A_685 : vector<16xf32>
        %get3A_687 = arith.constant 3 : i32
        %get3A_688 = arith.index_cast %get3A_687 : i32 to index
        %get3A_689 = arith.index_cast %add3A_665 : i32 to index
        %get3A_690 = arith.constant 48 : index
        %get3A_691 = tpu.vector_load %arg6[%get3A_688, %get3A_689, %get3A_690] {strides = array<i32>} : memref<4x104x64xf32, #tpu.memory_space<vmem>>, vector<1x1x16xf32>,
        %get3A_692 = vector.shape_cast %get3A_691 : vector<1x1x16xf32> to vector<16xf32>
        %max3A_693 = arith.maximumf %max3A_661, %get3A_692 : vector<16xf32>
        %mul3A_694 = arith.constant 8 : i32
        %mul3A_695 = arith.muli %scan3A_595, %mul3A_694 : i32
        %add3A_696 = arith.constant 3 : i32
        %add3A_697 = arith.addi %mul3A_695, %add3A_696 : i32
        %get3A_698 = arith.constant 3 : i32
        %get3A_699 = arith.index_cast %get3A_698 : i32 to index
        %get3A_700 = arith.index_cast %add3A_697 : i32 to index
        %get3A_701 = arith.constant 0 : index
        %get3A_702 = tpu.vector_load %arg6[%get3A_699, %get3A_700, %get3A_701] {strides = array<i32>} : memref<4x104x64xf32, #tpu.memory_space<vmem>>, vector<1x1x16xf32>,
        %get3A_703 = vector.shape_cast %get3A_702 : vector<1x1x16xf32> to vector<16xf32>
        %max3A_704 = arith.maximumf %max3A_672, %get3A_703 : vector<16xf32>
        %get3A_705 = arith.constant 3 : i32
        %get3A_706 = arith.index_cast %get3A_705 : i32 to index
        %get3A_707 = arith.index_cast %add3A_697 : i32 to index
        %get3A_708 = arith.constant 16 : index
        %get3A_709 = tpu.vector_load %arg6[%get3A_706, %get3A_707, %get3A_708] {strides = array<i32>} : memref<4x104x64xf32, #tpu.memory_space<vmem>>, vector<1x1x16xf32>,
        %get3A_710 = vector.shape_cast %get3A_709 : vector<1x1x16xf32> to vector<16xf32>
        %max3A_711 = arith.maximumf %max3A_679, %get3A_710 : vector<16xf32>
        %get3A_712 = arith.constant 3 : i32
        %get3A_713 = arith.index_cast %get3A_712 : i32 to index
        %get3A_714 = arith.index_cast %add3A_697 : i32 to index
        %get3A_715 = arith.constant 32 : index
        %get3A_716 = tpu.vector_load %arg6[%get3A_713, %get3A_714, %get3A_715] {strides = array<i32>} : memref<4x104x64xf32, #tpu.memory_space<vmem>>, vector<1x1x16xf32>,
        %get3A_717 = vector.shape_cast %get3A_716 : vector<1x1x16xf32> to vector<16xf32>
        %max3A_718 = arith.maximumf %max3A_686, %get3A_717 : vector<16xf32>
        %get3A_719 = arith.constant 3 : i32
        %get3A_720 = arith.index_cast %get3A_719 : i32 to index
        %get3A_721 = arith.index_cast %add3A_697 : i32 to index
        %get3A_722 = arith.constant 48 : index
        %get3A_723 = tpu.vector_load %arg6[%get3A_720, %get3A_721, %get3A_722] {strides = array<i32>} : memref<4x104x64xf32, #tpu.memory_space<vmem>>, vector<1x1x16xf32>,
        %get3A_724 = vector.shape_cast %get3A_723 : vector<1x1x16xf32> to vector<16xf32>
        %max3A_725 = arith.maximumf %max3A_693, %get3A_724 : vector<16xf32>
        %mul3A_726 = arith.constant 8 : i32
        %mul3A_727 = arith.muli %scan3A_595, %mul3A_726 : i32
        %add3A_728 = arith.constant 4 : i32
        %add3A_729 = arith.addi %mul3A_727, %add3A_728 : i32
        %get3A_730 = arith.constant 3 : i32
        %get3A_731 = arith.index_cast %get3A_730 : i32 to index
        %get3A_732 = arith.index_cast %add3A_729 : i32 to index
        %get3A_733 = arith.constant 0 : index
        %get3A_734 = tpu.vector_load %arg6[%get3A_731, %get3A_732, %get3A_733] {strides = array<i32>} : memref<4x104x64xf32, #tpu.memory_space<vmem>>, vector<1x1x16xf32>,
        %get3A_735 = vector.shape_cast %get3A_734 : vector<1x1x16xf32> to vector<16xf32>
        %max3A_736 = arith.maximumf %max3A_704, %get3A_735 : vector<16xf32>
        %get3A_737 = arith.constant 3 : i32
        %get3A_738 = arith.index_cast %get3A_737 : i32 to index
        %get3A_739 = arith.index_cast %add3A_729 : i32 to index
        %get3A_740 = arith.constant 16 : index
        %get3A_741 = tpu.vector_load %arg6[%get3A_738, %get3A_739, %get3A_740] {strides = array<i32>} : memref<4x104x64xf32, #tpu.memory_space<vmem>>, vector<1x1x16xf32>,
        %get3A_742 = vector.shape_cast %get3A_741 : vector<1x1x16xf32> to vector<16xf32>
        %max3A_743 = arith.maximumf %max3A_711, %get3A_742 : vector<16xf32>
        %get3A_744 = arith.constant 3 : i32
        %get3A_745 = arith.index_cast %get3A_744 : i32 to index
        %get3A_746 = arith.index_cast %add3A_729 : i32 to index
        %get3A_747 = arith.constant 32 : index
        %get3A_748 = tpu.vector_load %arg6[%get3A_745, %get3A_746, %get3A_747] {strides = array<i32>} : memref<4x104x64xf32, #tpu.memory_space<vmem>>, vector<1x1x16xf32>,
        %get3A_749 = vector.shape_cast %get3A_748 : vector<1x1x16xf32> to vector<16xf32>
        %max3A_750 = arith.maximumf %max3A_718, %get3A_749 : vector<16xf32>
        %get3A_751 = arith.constant 3 : i32
        %get3A_752 = arith.index_cast %get3A_751 : i32 to index
        %get3A_753 = arith.index_cast %add3A_729 : i32 to index
        %get3A_754 = arith.constant 48 : index
        %get3A_755 = tpu.vector_load %arg6[%get3A_752, %get3A_753, %get3A_754] {strides = array<i32>} : memref<4x104x64xf32, #tpu.memory_space<vmem>>, vector<1x1x16xf32>,
        %get3A_756 = vector.shape_cast %get3A_755 : vector<1x1x16xf32> to vector<16xf32>
        %max3A_757 = arith.maximumf %max3A_725, %get3A_756 : vector<16xf32>
        %mul3A_758 = arith.constant 8 : i32
        %mul3A_759 = arith.muli %scan3A_595, %mul3A_758 : i32
        %add3A_760 = arith.constant 5 : i32
        %add3A_761 = arith.addi %mul3A_759, %add3A_760 : i32
        %get3A_762 = arith.constant 3 : i32
        %get3A_763 = arith.index_cast %get3A_762 : i32 to index
        %get3A_764 = arith.index_cast %add3A_761 : i32 to index
        %get3A_765 = arith.constant 0 : index
        %get3A_766 = tpu.vector_load %arg6[%get3A_763, %get3A_764, %get3A_765] {strides = array<i32>} : memref<4x104x64xf32, #tpu.memory_space<vmem>>, vector<1x1x16xf32>,
        %get3A_767 = vector.shape_cast %get3A_766 : vector<1x1x16xf32> to vector<16xf32>
        %max3A_768 = arith.maximumf %max3A_736, %get3A_767 : vector<16xf32>
        %get3A_769 = arith.constant 3 : i32
        %get3A_770 = arith.index_cast %get3A_769 : i32 to index
        %get3A_771 = arith.index_cast %add3A_761 : i32 to index
        %get3A_772 = arith.constant 16 : index
        %get3A_773 = tpu.vector_load %arg6[%get3A_770, %get3A_771, %get3A_772] {strides = array<i32>} : memref<4x104x64xf32, #tpu.memory_space<vmem>>, vector<1x1x16xf32>,
        %get3A_774 = vector.shape_cast %get3A_773 : vector<1x1x16xf32> to vector<16xf32>
        %max3A_775 = arith.maximumf %max3A_743, %get3A_774 : vector<16xf32>
        %get3A_776 = arith.constant 3 : i32
        %get3A_777 = arith.index_cast %get3A_776 : i32 to index
        %get3A_778 = arith.index_cast %add3A_761 : i32 to index
        %get3A_779 = arith.constant 32 : index
        %get3A_780 = tpu.vector_load %arg6[%get3A_777, %get3A_778, %get3A_779] {strides = array<i32>} : memref<4x104x64xf32, #tpu.memory_space<vmem>>, vector<1x1x16xf32>,
        %get3A_781 = vector.shape_cast %get3A_780 : vector<1x1x16xf32> to vector<16xf32>
        %max3A_782 = arith.maximumf %max3A_750, %get3A_781 : vector<16xf32>
        %get3A_783 = arith.constant 3 : i32
        %get3A_784 = arith.index_cast %get3A_783 : i32 to index
        %get3A_785 = arith.index_cast %add3A_761 : i32 to index
        %get3A_786 = arith.constant 48 : index
        %get3A_787 = tpu.vector_load %arg6[%get3A_784, %get3A_785, %get3A_786] {strides = array<i32>} : memref<4x104x64xf32, #tpu.memory_space<vmem>>, vector<1x1x16xf32>,
        %get3A_788 = vector.shape_cast %get3A_787 : vector<1x1x16xf32> to vector<16xf32>
        %max3A_789 = arith.maximumf %max3A_757, %get3A_788 : vector<16xf32>
        %mul3A_790 = arith.constant 8 : i32
        %mul3A_791 = arith.muli %scan3A_595, %mul3A_790 : i32
        %add3A_792 = arith.constant 6 : i32
        %add3A_793 = arith.addi %mul3A_791, %add3A_792 : i32
        %get3A_794 = arith.constant 3 : i32
        %get3A_795 = arith.index_cast %get3A_794 : i32 to index
        %get3A_796 = arith.index_cast %add3A_793 : i32 to index
        %get3A_797 = arith.constant 0 : index
        %get3A_798 = tpu.vector_load %arg6[%get3A_795, %get3A_796, %get3A_797] {strides = array<i32>} : memref<4x104x64xf32, #tpu.memory_space<vmem>>, vector<1x1x16xf32>,
        %get3A_799 = vector.shape_cast %get3A_798 : vector<1x1x16xf32> to vector<16xf32>
        %max3A_800 = arith.maximumf %max3A_768, %get3A_799 : vector<16xf32>
        %get3A_801 = arith.constant 3 : i32
        %get3A_802 = arith.index_cast %get3A_801 : i32 to index
        %get3A_803 = arith.index_cast %add3A_793 : i32 to index
        %get3A_804 = arith.constant 16 : index
        %get3A_805 = tpu.vector_load %arg6[%get3A_802, %get3A_803, %get3A_804] {strides = array<i32>} : memref<4x104x64xf32, #tpu.memory_space<vmem>>, vector<1x1x16xf32>,
        %get3A_806 = vector.shape_cast %get3A_805 : vector<1x1x16xf32> to vector<16xf32>
        %max3A_807 = arith.maximumf %max3A_775, %get3A_806 : vector<16xf32>
        %get3A_808 = arith.constant 3 : i32
        %get3A_809 = arith.index_cast %get3A_808 : i32 to index
        %get3A_810 = arith.index_cast %add3A_793 : i32 to index
        %get3A_811 = arith.constant 32 : index
        %get3A_812 = tpu.vector_load %arg6[%get3A_809, %get3A_810, %get3A_811] {strides = array<i32>} : memref<4x104x64xf32, #tpu.memory_space<vmem>>, vector<1x1x16xf32>,
        %get3A_813 = vector.shape_cast %get3A_812 : vector<1x1x16xf32> to vector<16xf32>
        %max3A_814 = arith.maximumf %max3A_782, %get3A_813 : vector<16xf32>
        %get3A_815 = arith.constant 3 : i32
        %get3A_816 = arith.index_cast %get3A_815 : i32 to index
        %get3A_817 = arith.index_cast %add3A_793 : i32 to index
        %get3A_818 = arith.constant 48 : index
        %get3A_819 = tpu.vector_load %arg6[%get3A_816, %get3A_817, %get3A_818] {strides = array<i32>} : memref<4x104x64xf32, #tpu.memory_space<vmem>>, vector<1x1x16xf32>,
        %get3A_820 = vector.shape_cast %get3A_819 : vector<1x1x16xf32> to vector<16xf32>
        %max3A_821 = arith.maximumf %max3A_789, %get3A_820 : vector<16xf32>
        %mul3A_822 = arith.constant 8 : i32
        %mul3A_823 = arith.muli %scan3A_595, %mul3A_822 : i32
        %add3A_824 = arith.constant 7 : i32
        %add3A_825 = arith.addi %mul3A_823, %add3A_824 : i32
        %get3A_826 = arith.constant 3 : i32
        %get3A_827 = arith.index_cast %get3A_826 : i32 to index
        %get3A_828 = arith.index_cast %add3A_825 : i32 to index
        %get3A_829 = arith.constant 0 : index
        %get3A_830 = tpu.vector_load %arg6[%get3A_827, %get3A_828, %get3A_829] {strides = array<i32>} : memref<4x104x64xf32, #tpu.memory_space<vmem>>, vector<1x1x16xf32>,
        %get3A_831 = vector.shape_cast %get3A_830 : vector<1x1x16xf32> to vector<16xf32>
        %max3A_832 = arith.maximumf %max3A_800, %get3A_831 : vector<16xf32>
        %get3A_833 = arith.constant 3 : i32
        %get3A_834 = arith.index_cast %get3A_833 : i32 to index
        %get3A_835 = arith.index_cast %add3A_825 : i32 to index
        %get3A_836 = arith.constant 16 : index
        %get3A_837 = tpu.vector_load %arg6[%get3A_834, %get3A_835, %get3A_836] {strides = array<i32>} : memref<4x104x64xf32, #tpu.memory_space<vmem>>, vector<1x1x16xf32>,
        %get3A_838 = vector.shape_cast %get3A_837 : vector<1x1x16xf32> to vector<16xf32>
        %max3A_839 = arith.maximumf %max3A_807, %get3A_838 : vector<16xf32>
        %get3A_840 = arith.constant 3 : i32
        %get3A_841 = arith.index_cast %get3A_840 : i32 to index
        %get3A_842 = arith.index_cast %add3A_825 : i32 to index
        %get3A_843 = arith.constant 32 : index
        %get3A_844 = tpu.vector_load %arg6[%get3A_841, %get3A_842, %get3A_843] {strides = array<i32>} : memref<4x104x64xf32, #tpu.memory_space<vmem>>, vector<1x1x16xf32>,
        %get3A_845 = vector.shape_cast %get3A_844 : vector<1x1x16xf32> to vector<16xf32>
        %max3A_846 = arith.maximumf %max3A_814, %get3A_845 : vector<16xf32>
        %get3A_847 = arith.constant 3 : i32
        %get3A_848 = arith.index_cast %get3A_847 : i32 to index
        %get3A_849 = arith.index_cast %add3A_825 : i32 to index
        %get3A_850 = arith.constant 48 : index
        %get3A_851 = tpu.vector_load %arg6[%get3A_848, %get3A_849, %get3A_850] {strides = array<i32>} : memref<4x104x64xf32, #tpu.memory_space<vmem>>, vector<1x1x16xf32>,
        %get3A_852 = vector.shape_cast %get3A_851 : vector<1x1x16xf32> to vector<16xf32>
        %max3A_853 = arith.maximumf %max3A_821, %get3A_852 : vector<16xf32>
        scf.yield %max3A_832, %max3A_839, %max3A_846, %max3A_853 : vector<16xf32>, vector<16xf32>, vector<16xf32>, vector<16xf32>
      }
      %scan3A_485 = arith.constant 13 : i32
      %jit3A_486 = arith.constant 2 : i32
      %div3A_487 = arith.divsi %add3A_468, %jit3A_486 : i32
      %sign3A_488 = arith.constant 0 : i32
      %sign3A_489 = arith.cmpi sgt, %add3A_468, %sign3A_488 : i32
      %sign3A_490 = arith.extui %sign3A_489 : i1 to i32
      %sign3A_491 = arith.constant 0 : i32
      %sign3A_492 = arith.cmpi slt, %add3A_468, %sign3A_491 : i32
      %sign3A_493 = arith.extui %sign3A_492 : i1 to i32
      %sign3A_494 = arith.subi %sign3A_490, %sign3A_493 : i32
      %sign3A_495 = arith.constant 0 : i32
      %sign3A_496 = arith.cmpi sgt, %jit3A_486, %sign3A_495 : i32
      %sign3A_497 = arith.extui %sign3A_496 : i1 to i32
      %sign3A_498 = arith.constant 0 : i32
      %sign3A_499 = arith.cmpi slt, %jit3A_486, %sign3A_498 : i32
      %sign3A_500 = arith.extui %sign3A_499 : i1 to i32
      %sign3A_501 = arith.subi %sign3A_497, %sign3A_500 : i32
      %ne3A_502 = arith.cmpi ne, %sign3A_494, %sign3A_501 : i32
      %rem3A_503 = arith.remsi %add3A_468, %jit3A_486 : i32
      %ne3A_504 = arith.constant 0 : i32
      %ne3A_505 = arith.cmpi ne, %rem3A_503, %ne3A_504 : i32
      %and3A_506 = arith.andi %ne3A_502, %ne3A_505 : i1
      %sub3A_507 = arith.constant 1 : i32
      %sub3A_508 = arith.subi %div3A_487, %sub3A_507 : i32
      %select_n3A_509 = arith.select %and3A_506, %sub3A_508, %div3A_487 : i32
      %mul3A_510 = arith.constant 2.000000e+00 : f32
      %mul3A_511 = vector.broadcast %mul3A_510 : f32 to vector<16xf32>
      %mul3A_512 = arith.mulf %mul3A_511, %scan3A_484#0 : vector<16xf32>
      %exp3A_513 = math.exp %mul3A_512 : vector<16xf32>
      %add3A_514 = arith.constant 1.000000e+00 : f32
      %add3A_515 = vector.broadcast %add3A_514 : f32 to vector<16xf32>
      %add3A_516 = arith.addf %exp3A_513, %add3A_515 : vector<16xf32>
      %div3A_517 = arith.constant 2.000000e+00 : f32
      %div3A_518 = vector.broadcast %div3A_517 : f32 to vector<16xf32>
      %div3A_519 = arith.divf %div3A_518, %add3A_516 : vector<16xf32>
      %sub3A_520 = arith.constant 1.000000e+00 : f32
      %sub3A_521 = vector.broadcast %sub3A_520 : f32 to vector<16xf32>
      %sub3A_522 = arith.subf %sub3A_521, %div3A_519 : vector<16xf32>
      %swap3A_523 = arith.index_cast %select_n3A_509 : i32 to index
      %swap3A_524 = arith.constant 0 : index
      %swap3A_525 = tpu.vector_load %arg7[%swap3A_523, %swap3A_524] {strides = array<i32>} : memref<128x64xf32, #tpu.memory_space<vmem>>, vector<1x16xf32>,
      %swap3A_526 = vector.shape_cast %swap3A_525 : vector<1x16xf32> to vector<16xf32>
      %swap3A_527 = vector.shape_cast %sub3A_522 : vector<16xf32> to vector<1x16xf32>
      tpu.vector_store %arg7[%swap3A_523, %swap3A_524], %swap3A_527 {strides = array<i32>} : memref<128x64xf32, #tpu.memory_space<vmem>>, vector<1x16xf32>,
      %mul3A_528 = arith.constant 2.000000e+00 : f32
      %mul3A_529 = vector.broadcast %mul3A_528 : f32 to vector<16xf32>
      %mul3A_530 = arith.mulf %mul3A_529, %scan3A_484#1 : vector<16xf32>
      %exp3A_531 = math.exp %mul3A_530 : vector<16xf32>
      %add3A_532 = arith.constant 1.000000e+00 : f32
      %add3A_533 = vector.broadcast %add3A_532 : f32 to vector<16xf32>
      %add3A_534 = arith.addf %exp3A_531, %add3A_533 : vector<16xf32>
      %div3A_535 = arith.constant 2.000000e+00 : f32
      %div3A_536 = vector.broadcast %div3A_535 : f32 to vector<16xf32>
      %div3A_537 = arith.divf %div3A_536, %add3A_534 : vector<16xf32>
      %sub3A_538 = arith.constant 1.000000e+00 : f32
      %sub3A_539 = vector.broadcast %sub3A_538 : f32 to vector<16xf32>
      %sub3A_540 = arith.subf %sub3A_539, %div3A_537 : vector<16xf32>
      %swap3A_541 = arith.index_cast %select_n3A_509 : i32 to index
      %swap3A_542 = arith.constant 16 : index
      %swap3A_543 = tpu.vector_load %arg7[%swap3A_541, %swap3A_542] {strides = array<i32>} : memref<128x64xf32, #tpu.memory_space<vmem>>, vector<1x16xf32>,
      %swap3A_544 = vector.shape_cast %swap3A_543 : vector<1x16xf32> to vector<16xf32>
      %swap3A_545 = vector.shape_cast %sub3A_540 : vector<16xf32> to vector<1x16xf32>
      tpu.vector_store %arg7[%swap3A_541, %swap3A_542], %swap3A_545 {strides = array<i32>} : memref<128x64xf32, #tpu.memory_space<vmem>>, vector<1x16xf32>,
      %mul3A_546 = arith.constant 2.000000e+00 : f32
      %mul3A_547 = vector.broadcast %mul3A_546 : f32 to vector<16xf32>
      %mul3A_548 = arith.mulf %mul3A_547, %scan3A_484#2 : vector<16xf32>
      %exp3A_549 = math.exp %mul3A_548 : vector<16xf32>
      %add3A_550 = arith.constant 1.000000e+00 : f32
      %add3A_551 = vector.broadcast %add3A_550 : f32 to vector<16xf32>
      %add3A_552 = arith.addf %exp3A_549, %add3A_551 : vector<16xf32>
      %div3A_553 = arith.constant 2.000000e+00 : f32
      %div3A_554 = vector.broadcast %div3A_553 : f32 to vector<16xf32>
      %div3A_555 = arith.divf %div3A_554, %add3A_552 : vector<16xf32>
      %sub3A_556 = arith.constant 1.000000e+00 : f32
      %sub3A_557 = vector.broadcast %sub3A_556 : f32 to vector<16xf32>
      %sub3A_558 = arith.subf %sub3A_557, %div3A_555 : vector<16xf32>
      %swap3A_559 = arith.index_cast %select_n3A_509 : i32 to index
      %swap3A_560 = arith.constant 32 : index
      %swap3A_561 = tpu.vector_load %arg7[%swap3A_559, %swap3A_560] {strides = array<i32>} : memref<128x64xf32, #tpu.memory_space<vmem>>, vector<1x16xf32>,
      %swap3A_562 = vector.shape_cast %swap3A_561 : vector<1x16xf32> to vector<16xf32>
      %swap3A_563 = vector.shape_cast %sub3A_558 : vector<16xf32> to vector<1x16xf32>
      tpu.vector_store %arg7[%swap3A_559, %swap3A_560], %swap3A_563 {strides = array<i32>} : memref<128x64xf32, #tpu.memory_space<vmem>>, vector<1x16xf32>,
      %mul3A_564 = arith.constant 2.000000e+00 : f32
      %mul3A_565 = vector.broadcast %mul3A_564 : f32 to vector<16xf32>
      %mul3A_566 = arith.mulf %mul3A_565, %scan3A_484#3 : vector<16xf32>
      %exp3A_567 = math.exp %mul3A_566 : vector<16xf32>
      %add3A_568 = arith.constant 1.000000e+00 : f32
      %add3A_569 = vector.broadcast %add3A_568 : f32 to vector<16xf32>
      %add3A_570 = arith.addf %exp3A_567, %add3A_569 : vector<16xf32>
      %div3A_571 = arith.constant 2.000000e+00 : f32
      %div3A_572 = vector.broadcast %div3A_571 : f32 to vector<16xf32>
      %div3A_573 = arith.divf %div3A_572, %add3A_570 : vector<16xf32>
      %sub3A_574 = arith.constant 1.000000e+00 : f32
      %sub3A_575 = vector.broadcast %sub3A_574 : f32 to vector<16xf32>
      %sub3A_576 = arith.subf %sub3A_575, %div3A_573 : vector<16xf32>
      %swap3A_577 = arith.index_cast %select_n3A_509 : i32 to index
      %swap3A_578 = arith.constant 48 : index
      %swap3A_579 = tpu.vector_load %arg7[%swap3A_577, %swap3A_578] {strides = array<i32>} : memref<128x64xf32, #tpu.memory_space<vmem>>, vector<1x16xf32>,
      %swap3A_580 = vector.shape_cast %swap3A_579 : vector<1x16xf32> to vector<16xf32>
      %swap3A_581 = vector.shape_cast %sub3A_576 : vector<16xf32> to vector<1x16xf32>
      tpu.vector_store %arg7[%swap3A_577, %swap3A_578], %swap3A_581 {strides = array<i32>} : memref<128x64xf32, #tpu.memory_space<vmem>>, vector<1x16xf32>,
      %add3A_582 = arith.constant 4 : i32
      %add3A_583 = arith.addi %add3A_468, %add3A_582 : i32
      %dma_start3A_584 = arith.constant 3 : i32
      %dma_start3A_585 = arith.constant 0 : i32
      %dma_start3A_586 = arith.constant 0 : i32
      %dma_start3A_587 = tpu.memref_slice %arg6[%dma_start3A_584, %dma_start3A_585, %dma_start3A_586] : memref<4x104x64xf32, #tpu.memory_space<vmem>> -> memref<1x104x64xf32, #tpu.memory_space<vmem>>
      %dma_start3A_588 = tpu.memref_squeeze %dma_start3A_587 : memref<1x104x64xf32, #tpu.memory_space<vmem>> -> memref<104x64xf32, #tpu.memory_space<vmem>>
      %dma_start3A_589 = arith.constant 0 : i32
      %dma_start3A_590 = tpu.memref_slice %arg5[%add3A_583, %dma_start3A_589] : memref<256x104xi32, #tpu.memory_space<vmem>> -> memref<1x104xi32, #tpu.memory_space<vmem>>
      %dma_start3A_591 = tpu.memref_squeeze %dma_start3A_590 : memref<1x104xi32, #tpu.memory_space<vmem>> -> memref<104xi32, #tpu.memory_space<vmem>>
      %dma_start3A_592 = arith.constant 0 : i32
      %dma_start3A_593 = arith.constant 0 : i32
      %dma_start3A_594 = tpu.memref_slice %arg3[%dma_start3A_592, %dma_start3A_593] : memref<1000000x64xf32, #tpu.memory_space<hbm>> -> memref<1000000x64xf32, #tpu.memory_space<hbm>>
      tpu.enqueue_indirect_dma source(%dma_start3A_594 : memref<1000000x64xf32, #tpu.memory_space<hbm>>) target(%dma_start3A_588 : memref<104x64xf32, #tpu.memory_space<vmem>>) offsets(%dma_start3A_591 : memref<104xi32, #tpu.memory_space<vmem>>) semaphore(%arg11 : memref<!tpu.dma_semaphore, #tpu.memory_space<semaphore_mem>>)
    }
    %scan3A_54 = arith.constant 63 : i32
    %dma_wait3A = arith.constant 252 : i32
    %dma_wait3A_55 = arith.constant 0 : i32
    %dma_wait3A_56 = arith.constant 0 : i32
    %dma_wait3A_57 = arith.constant 0 : i32
    %dma_wait3A_58 = tpu.memref_slice %arg6[%dma_wait3A_55, %dma_wait3A_56, %dma_wait3A_57] : memref<4x104x64xf32, #tpu.memory_space<vmem>> -> memref<1x104x64xf32, #tpu.memory_space<vmem>>
    %dma_wait3A_59 = tpu.memref_squeeze %dma_wait3A_58 : memref<1x104x64xf32, #tpu.memory_space<vmem>> -> memref<104x64xf32, #tpu.memory_space<vmem>>
    %dma_wait3A_60 = arith.constant 0 : i32
    %dma_wait3A_61 = tpu.memref_slice %arg5[%dma_wait3A, %dma_wait3A_60] : memref<256x104xi32, #tpu.memory_space<vmem>> -> memref<1x104xi32, #tpu.memory_space<vmem>>
    %dma_wait3A_62 = tpu.memref_squeeze %dma_wait3A_61 : memref<1x104xi32, #tpu.memory_space<vmem>> -> memref<104xi32, #tpu.memory_space<vmem>>
    %dma_wait3A_63 = arith.constant 0 : i32
    %dma_wait3A_64 = arith.constant 0 : i32
    %dma_wait3A_65 = tpu.memref_slice %arg3[%dma_wait3A_63, %dma_wait3A_64] : memref<1000000x64xf32, #tpu.memory_space<hbm>> -> memref<1000000x64xf32, #tpu.memory_space<hbm>>
    tpu.wait_indirect_dma semaphore(%arg8 : memref<!tpu.dma_semaphore, #tpu.memory_space<semaphore_mem>>) src(%dma_wait3A_65 : memref<1000000x64xf32, #tpu.memory_space<hbm>>) dst(%dma_wait3A_59 : memref<104x64xf32, #tpu.memory_space<vmem>>)
    %scan3A_66 = arith.constant 0 : i32
    %scan3A_67 = arith.constant 13 : i32
    %scan3A_68 = arith.addi %scan3A_66, %scan3A_67 : i32
    %scan3A_69 = arith.constant 1 : i32
    %scan3A_70:4 = scf.for %scan3A_276 = %scan3A_66 to %scan3A_68 step %scan3A_69 iter_args(%scan3A_277 = %broadcast_in_dim3A_3, %scan3A_278 = %broadcast_in_dim3A_3, %scan3A_279 = %broadcast_in_dim3A_3, %scan3A_280 = %broadcast_in_dim3A_3) -> (vector<16xf32>, vector<16xf32>, vector<16xf32>, vector<16xf32>)  : i32 {
      %mul3A_281 = arith.constant 8 : i32
      %mul3A_282 = arith.muli %scan3A_276, %mul3A_281 : i32
      %add3A_283 = arith.constant 0 : i32
      %add3A_284 = arith.addi %mul3A_282, %add3A_283 : i32
      %get3A = arith.constant 0 : i32
      %get3A_285 = arith.index_cast %get3A : i32 to index
      %get3A_286 = arith.index_cast %add3A_284 : i32 to index
      %get3A_287 = arith.constant 0 : index
      %get3A_288 = tpu.vector_load %arg6[%get3A_285, %get3A_286, %get3A_287] {strides = array<i32>} : memref<4x104x64xf32, #tpu.memory_space<vmem>>, vector<1x1x16xf32>,
      %get3A_289 = vector.shape_cast %get3A_288 : vector<1x1x16xf32> to vector<16xf32>
      %max3A = arith.maximumf %scan3A_277, %get3A_289 : vector<16xf32>
      %get3A_290 = arith.constant 0 : i32
      %get3A_291 = arith.index_cast %get3A_290 : i32 to index
      %get3A_292 = arith.index_cast %add3A_284 : i32 to index
      %get3A_293 = arith.constant 16 : index
      %get3A_294 = tpu.vector_load %arg6[%get3A_291, %get3A_292, %get3A_293] {strides = array<i32>} : memref<4x104x64xf32, #tpu.memory_space<vmem>>, vector<1x1x16xf32>,
      %get3A_295 = vector.shape_cast %get3A_294 : vector<1x1x16xf32> to vector<16xf32>
      %max3A_296 = arith.maximumf %scan3A_278, %get3A_295 : vector<16xf32>
      %get3A_297 = arith.constant 0 : i32
      %get3A_298 = arith.index_cast %get3A_297 : i32 to index
      %get3A_299 = arith.index_cast %add3A_284 : i32 to index
      %get3A_300 = arith.constant 32 : index
      %get3A_301 = tpu.vector_load %arg6[%get3A_298, %get3A_299, %get3A_300] {strides = array<i32>} : memref<4x104x64xf32, #tpu.memory_space<vmem>>, vector<1x1x16xf32>,
      %get3A_302 = vector.shape_cast %get3A_301 : vector<1x1x16xf32> to vector<16xf32>
      %max3A_303 = arith.maximumf %scan3A_279, %get3A_302 : vector<16xf32>
      %get3A_304 = arith.constant 0 : i32
      %get3A_305 = arith.index_cast %get3A_304 : i32 to index
      %get3A_306 = arith.index_cast %add3A_284 : i32 to index
      %get3A_307 = arith.constant 48 : index
      %get3A_308 = tpu.vector_load %arg6[%get3A_305, %get3A_306, %get3A_307] {strides = array<i32>} : memref<4x104x64xf32, #tpu.memory_space<vmem>>, vector<1x1x16xf32>,
      %get3A_309 = vector.shape_cast %get3A_308 : vector<1x1x16xf32> to vector<16xf32>
      %max3A_310 = arith.maximumf %scan3A_280, %get3A_309 : vector<16xf32>
      %mul3A_311 = arith.constant 8 : i32
      %mul3A_312 = arith.muli %scan3A_276, %mul3A_311 : i32
      %add3A_313 = arith.constant 1 : i32
      %add3A_314 = arith.addi %mul3A_312, %add3A_313 : i32
      %get3A_315 = arith.constant 0 : i32
      %get3A_316 = arith.index_cast %get3A_315 : i32 to index
      %get3A_317 = arith.index_cast %add3A_314 : i32 to index
      %get3A_318 = arith.constant 0 : index
      %get3A_319 = tpu.vector_load %arg6[%get3A_316, %get3A_317, %get3A_318] {strides = array<i32>} : memref<4x104x64xf32, #tpu.memory_space<vmem>>, vector<1x1x16xf32>,
      %get3A_320 = vector.shape_cast %get3A_319 : vector<1x1x16xf32> to vector<16xf32>
      %max3A_321 = arith.maximumf %max3A, %get3A_320 : vector<16xf32>
      %get3A_322 = arith.constant 0 : i32
      %get3A_323 = arith.index_cast %get3A_322 : i32 to index
      %get3A_324 = arith.index_cast %add3A_314 : i32 to index
      %get3A_325 = arith.constant 16 : index
      %get3A_326 = tpu.vector_load %arg6[%get3A_323, %get3A_324, %get3A_325] {strides = array<i32>} : memref<4x104x64xf32, #tpu.memory_space<vmem>>, vector<1x1x16xf32>,
      %get3A_327 = vector.shape_cast %get3A_326 : vector<1x1x16xf32> to vector<16xf32>
      %max3A_328 = arith.maximumf %max3A_296, %get3A_327 : vector<16xf32>
      %get3A_329 = arith.constant 0 : i32
      %get3A_330 = arith.index_cast %get3A_329 : i32 to index
      %get3A_331 = arith.index_cast %add3A_314 : i32 to index
      %get3A_332 = arith.constant 32 : index
      %get3A_333 = tpu.vector_load %arg6[%get3A_330, %get3A_331, %get3A_332] {strides = array<i32>} : memref<4x104x64xf32, #tpu.memory_space<vmem>>, vector<1x1x16xf32>,
      %get3A_334 = vector.shape_cast %get3A_333 : vector<1x1x16xf32> to vector<16xf32>
      %max3A_335 = arith.maximumf %max3A_303, %get3A_334 : vector<16xf32>
      %get3A_336 = arith.constant 0 : i32
      %get3A_337 = arith.index_cast %get3A_336 : i32 to index
      %get3A_338 = arith.index_cast %add3A_314 : i32 to index
      %get3A_339 = arith.constant 48 : index
      %get3A_340 = tpu.vector_load %arg6[%get3A_337, %get3A_338, %get3A_339] {strides = array<i32>} : memref<4x104x64xf32, #tpu.memory_space<vmem>>, vector<1x1x16xf32>,
      %get3A_341 = vector.shape_cast %get3A_340 : vector<1x1x16xf32> to vector<16xf32>
      %max3A_342 = arith.maximumf %max3A_310, %get3A_341 : vector<16xf32>
      %mul3A_343 = arith.constant 8 : i32
      %mul3A_344 = arith.muli %scan3A_276, %mul3A_343 : i32
      %add3A_345 = arith.constant 2 : i32
      %add3A_346 = arith.addi %mul3A_344, %add3A_345 : i32
      %get3A_347 = arith.constant 0 : i32
      %get3A_348 = arith.index_cast %get3A_347 : i32 to index
      %get3A_349 = arith.index_cast %add3A_346 : i32 to index
      %get3A_350 = arith.constant 0 : index
      %get3A_351 = tpu.vector_load %arg6[%get3A_348, %get3A_349, %get3A_350] {strides = array<i32>} : memref<4x104x64xf32, #tpu.memory_space<vmem>>, vector<1x1x16xf32>,
      %get3A_352 = vector.shape_cast %get3A_351 : vector<1x1x16xf32> to vector<16xf32>
      %max3A_353 = arith.maximumf %max3A_321, %get3A_352 : vector<16xf32>
      %get3A_354 = arith.constant 0 : i32
      %get3A_355 = arith.index_cast %get3A_354 : i32 to index
      %get3A_356 = arith.index_cast %add3A_346 : i32 to index
      %get3A_357 = arith.constant 16 : index
      %get3A_358 = tpu.vector_load %arg6[%get3A_355, %get3A_356, %get3A_357] {strides = array<i32>} : memref<4x104x64xf32, #tpu.memory_space<vmem>>, vector<1x1x16xf32>,
      %get3A_359 = vector.shape_cast %get3A_358 : vector<1x1x16xf32> to vector<16xf32>
      %max3A_360 = arith.maximumf %max3A_328, %get3A_359 : vector<16xf32>
      %get3A_361 = arith.constant 0 : i32
      %get3A_362 = arith.index_cast %get3A_361 : i32 to index
      %get3A_363 = arith.index_cast %add3A_346 : i32 to index
      %get3A_364 = arith.constant 32 : index
      %get3A_365 = tpu.vector_load %arg6[%get3A_362, %get3A_363, %get3A_364] {strides = array<i32>} : memref<4x104x64xf32, #tpu.memory_space<vmem>>, vector<1x1x16xf32>,
      %get3A_366 = vector.shape_cast %get3A_365 : vector<1x1x16xf32> to vector<16xf32>
      %max3A_367 = arith.maximumf %max3A_335, %get3A_366 : vector<16xf32>
      %get3A_368 = arith.constant 0 : i32
      %get3A_369 = arith.index_cast %get3A_368 : i32 to index
      %get3A_370 = arith.index_cast %add3A_346 : i32 to index
      %get3A_371 = arith.constant 48 : index
      %get3A_372 = tpu.vector_load %arg6[%get3A_369, %get3A_370, %get3A_371] {strides = array<i32>} : memref<4x104x64xf32, #tpu.memory_space<vmem>>, vector<1x1x16xf32>,
      %get3A_373 = vector.shape_cast %get3A_372 : vector<1x1x16xf32> to vector<16xf32>
      %max3A_374 = arith.maximumf %max3A_342, %get3A_373 : vector<16xf32>
      %mul3A_375 = arith.constant 8 : i32
      %mul3A_376 = arith.muli %scan3A_276, %mul3A_375 : i32
      %add3A_377 = arith.constant 3 : i32
      %add3A_378 = arith.addi %mul3A_376, %add3A_377 : i32
      %get3A_379 = arith.constant 0 : i32
      %get3A_380 = arith.index_cast %get3A_379 : i32 to index
      %get3A_381 = arith.index_cast %add3A_378 : i32 to index
      %get3A_382 = arith.constant 0 : index
      %get3A_383 = tpu.vector_load %arg6[%get3A_380, %get3A_381, %get3A_382] {strides = array<i32>} : memref<4x104x64xf32, #tpu.memory_space<vmem>>, vector<1x1x16xf32>,
      %get3A_384 = vector.shape_cast %get3A_383 : vector<1x1x16xf32> to vector<16xf32>
      %max3A_385 = arith.maximumf %max3A_353, %get3A_384 : vector<16xf32>
      %get3A_386 = arith.constant 0 : i32
      %get3A_387 = arith.index_cast %get3A_386 : i32 to index
      %get3A_388 = arith.index_cast %add3A_378 : i32 to index
      %get3A_389 = arith.constant 16 : index
      %get3A_390 = tpu.vector_load %arg6[%get3A_387, %get3A_388, %get3A_389] {strides = array<i32>} : memref<4x104x64xf32, #tpu.memory_space<vmem>>, vector<1x1x16xf32>,
      %get3A_391 = vector.shape_cast %get3A_390 : vector<1x1x16xf32> to vector<16xf32>
      %max3A_392 = arith.maximumf %max3A_360, %get3A_391 : vector<16xf32>
      %get3A_393 = arith.constant 0 : i32
      %get3A_394 = arith.index_cast %get3A_393 : i32 to index
      %get3A_395 = arith.index_cast %add3A_378 : i32 to index
      %get3A_396 = arith.constant 32 : index
      %get3A_397 = tpu.vector_load %arg6[%get3A_394, %get3A_395, %get3A_396] {strides = array<i32>} : memref<4x104x64xf32, #tpu.memory_space<vmem>>, vector<1x1x16xf32>,
      %get3A_398 = vector.shape_cast %get3A_397 : vector<1x1x16xf32> to vector<16xf32>
      %max3A_399 = arith.maximumf %max3A_367, %get3A_398 : vector<16xf32>
      %get3A_400 = arith.constant 0 : i32
      %get3A_401 = arith.index_cast %get3A_400 : i32 to index
      %get3A_402 = arith.index_cast %add3A_378 : i32 to index
      %get3A_403 = arith.constant 48 : index
      %get3A_404 = tpu.vector_load %arg6[%get3A_401, %get3A_402, %get3A_403] {strides = array<i32>} : memref<4x104x64xf32, #tpu.memory_space<vmem>>, vector<1x1x16xf32>,
      %get3A_405 = vector.shape_cast %get3A_404 : vector<1x1x16xf32> to vector<16xf32>
      %max3A_406 = arith.maximumf %max3A_374, %get3A_405 : vector<16xf32>
      %mul3A_407 = arith.constant 8 : i32
      %mul3A_408 = arith.muli %scan3A_276, %mul3A_407 : i32
      %add3A_409 = arith.constant 4 : i32
      %add3A_410 = arith.addi %mul3A_408, %add3A_409 : i32
      %get3A_411 = arith.constant 0 : i32
      %get3A_412 = arith.index_cast %get3A_411 : i32 to index
      %get3A_413 = arith.index_cast %add3A_410 : i32 to index
      %get3A_414 = arith.constant 0 : index
      %get3A_415 = tpu.vector_load %arg6[%get3A_412, %get3A_413, %get3A_414] {strides = array<i32>} : memref<4x104x64xf32, #tpu.memory_space<vmem>>, vector<1x1x16xf32>,
      %get3A_416 = vector.shape_cast %get3A_415 : vector<1x1x16xf32> to vector<16xf32>
      %max3A_417 = arith.maximumf %max3A_385, %get3A_416 : vector<16xf32>
      %get3A_418 = arith.constant 0 : i32
      %get3A_419 = arith.index_cast %get3A_418 : i32 to index
      %get3A_420 = arith.index_cast %add3A_410 : i32 to index
      %get3A_421 = arith.constant 16 : index
      %get3A_422 = tpu.vector_load %arg6[%get3A_419, %get3A_420, %get3A_421] {strides = array<i32>} : memref<4x104x64xf32, #tpu.memory_space<vmem>>, vector<1x1x16xf32>,
      %get3A_423 = vector.shape_cast %get3A_422 : vector<1x1x16xf32> to vector<16xf32>
      %max3A_424 = arith.maximumf %max3A_392, %get3A_423 : vector<16xf32>
      %get3A_425 = arith.constant 0 : i32
      %get3A_426 = arith.index_cast %get3A_425 : i32 to index
      %get3A_427 = arith.index_cast %add3A_410 : i32 to index
      %get3A_428 = arith.constant 32 : index
      %get3A_429 = tpu.vector_load %arg6[%get3A_426, %get3A_427, %get3A_428] {strides = array<i32>} : memref<4x104x64xf32, #tpu.memory_space<vmem>>, vector<1x1x16xf32>,
      %get3A_430 = vector.shape_cast %get3A_429 : vector<1x1x16xf32> to vector<16xf32>
      %max3A_431 = arith.maximumf %max3A_399, %get3A_430 : vector<16xf32>
      %get3A_432 = arith.constant 0 : i32
      %get3A_433 = arith.index_cast %get3A_432 : i32 to index
      %get3A_434 = arith.index_cast %add3A_410 : i32 to index
      %get3A_435 = arith.constant 48 : index
      %get3A_436 = tpu.vector_load %arg6[%get3A_433, %get3A_434, %get3A_435] {strides = array<i32>} : memref<4x104x64xf32, #tpu.memory_space<vmem>>, vector<1x1x16xf32>,
      %get3A_437 = vector.shape_cast %get3A_436 : vector<1x1x16xf32> to vector<16xf32>
      %max3A_438 = arith.maximumf %max3A_406, %get3A_437 : vector<16xf32>
      %mul3A_439 = arith.constant 8 : i32
      %mul3A_440 = arith.muli %scan3A_276, %mul3A_439 : i32
      %add3A_441 = arith.constant 5 : i32
      %add3A_442 = arith.addi %mul3A_440, %add3A_441 : i32
      %get3A_443 = arith.constant 0 : i32
      %get3A_444 = arith.index_cast %get3A_443 : i32 to index
      %get3A_445 = arith.index_cast %add3A_442 : i32 to index
      %get3A_446 = arith.constant 0 : index
      %get3A_447 = tpu.vector_load %arg6[%get3A_444, %get3A_445, %get3A_446] {strides = array<i32>} : memref<4x104x64xf32, #tpu.memory_space<vmem>>, vector<1x1x16xf32>,
      %get3A_448 = vector.shape_cast %get3A_447 : vector<1x1x16xf32> to vector<16xf32>
      %max3A_449 = arith.maximumf %max3A_417, %get3A_448 : vector<16xf32>
      %get3A_450 = arith.constant 0 : i32
      %get3A_451 = arith.index_cast %get3A_450 : i32 to index
      %get3A_452 = arith.index_cast %add3A_442 : i32 to index
      %get3A_453 = arith.constant 16 : index
      %get3A_454 = tpu.vector_load %arg6[%get3A_451, %get3A_452, %get3A_453] {strides = array<i32>} : memref<4x104x64xf32, #tpu.memory_space<vmem>>, vector<1x1x16xf32>,
      %get3A_455 = vector.shape_cast %get3A_454 : vector<1x1x16xf32> to vector<16xf32>
      %max3A_456 = arith.maximumf %max3A_424, %get3A_455 : vector<16xf32>
      %get3A_457 = arith.constant 0 : i32
      %get3A_458 = arith.index_cast %get3A_457 : i32 to index
      %get3A_459 = arith.index_cast %add3A_442 : i32 to index
      %get3A_460 = arith.constant 32 : index
      %get3A_461 = tpu.vector_load %arg6[%get3A_458, %get3A_459, %get3A_460] {strides = array<i32>} : memref<4x104x64xf32, #tpu.memory_space<vmem>>, vector<1x1x16xf32>,
      %get3A_462 = vector.shape_cast %get3A_461 : vector<1x1x16xf32> to vector<16xf32>
      %max3A_463 = arith.maximumf %max3A_431, %get3A_462 : vector<16xf32>
      %get3A_464 = arith.constant 0 : i32
      %get3A_465 = arith.index_cast %get3A_464 : i32 to index
      %get3A_466 = arith.index_cast %add3A_442 : i32 to index
      %get3A_467 = arith.constant 48 : index
      %get3A_468 = tpu.vector_load %arg6[%get3A_465, %get3A_466, %get3A_467] {strides = array<i32>} : memref<4x104x64xf32, #tpu.memory_space<vmem>>, vector<1x1x16xf32>,
      %get3A_469 = vector.shape_cast %get3A_468 : vector<1x1x16xf32> to vector<16xf32>
      %max3A_470 = arith.maximumf %max3A_438, %get3A_469 : vector<16xf32>
      %mul3A_471 = arith.constant 8 : i32
      %mul3A_472 = arith.muli %scan3A_276, %mul3A_471 : i32
      %add3A_473 = arith.constant 6 : i32
      %add3A_474 = arith.addi %mul3A_472, %add3A_473 : i32
      %get3A_475 = arith.constant 0 : i32
      %get3A_476 = arith.index_cast %get3A_475 : i32 to index
      %get3A_477 = arith.index_cast %add3A_474 : i32 to index
      %get3A_478 = arith.constant 0 : index
      %get3A_479 = tpu.vector_load %arg6[%get3A_476, %get3A_477, %get3A_478] {strides = array<i32>} : memref<4x104x64xf32, #tpu.memory_space<vmem>>, vector<1x1x16xf32>,
      %get3A_480 = vector.shape_cast %get3A_479 : vector<1x1x16xf32> to vector<16xf32>
      %max3A_481 = arith.maximumf %max3A_449, %get3A_480 : vector<16xf32>
      %get3A_482 = arith.constant 0 : i32
      %get3A_483 = arith.index_cast %get3A_482 : i32 to index
      %get3A_484 = arith.index_cast %add3A_474 : i32 to index
      %get3A_485 = arith.constant 16 : index
      %get3A_486 = tpu.vector_load %arg6[%get3A_483, %get3A_484, %get3A_485] {strides = array<i32>} : memref<4x104x64xf32, #tpu.memory_space<vmem>>, vector<1x1x16xf32>,
      %get3A_487 = vector.shape_cast %get3A_486 : vector<1x1x16xf32> to vector<16xf32>
      %max3A_488 = arith.maximumf %max3A_456, %get3A_487 : vector<16xf32>
      %get3A_489 = arith.constant 0 : i32
      %get3A_490 = arith.index_cast %get3A_489 : i32 to index
      %get3A_491 = arith.index_cast %add3A_474 : i32 to index
      %get3A_492 = arith.constant 32 : index
      %get3A_493 = tpu.vector_load %arg6[%get3A_490, %get3A_491, %get3A_492] {strides = array<i32>} : memref<4x104x64xf32, #tpu.memory_space<vmem>>, vector<1x1x16xf32>,
      %get3A_494 = vector.shape_cast %get3A_493 : vector<1x1x16xf32> to vector<16xf32>
      %max3A_495 = arith.maximumf %max3A_463, %get3A_494 : vector<16xf32>
      %get3A_496 = arith.constant 0 : i32
      %get3A_497 = arith.index_cast %get3A_496 : i32 to index
      %get3A_498 = arith.index_cast %add3A_474 : i32 to index
      %get3A_499 = arith.constant 48 : index
      %get3A_500 = tpu.vector_load %arg6[%get3A_497, %get3A_498, %get3A_499] {strides = array<i32>} : memref<4x104x64xf32, #tpu.memory_space<vmem>>, vector<1x1x16xf32>,
      %get3A_501 = vector.shape_cast %get3A_500 : vector<1x1x16xf32> to vector<16xf32>
      %max3A_502 = arith.maximumf %max3A_470, %get3A_501 : vector<16xf32>
      %mul3A_503 = arith.constant 8 : i32
      %mul3A_504 = arith.muli %scan3A_276, %mul3A_503 : i32
      %add3A_505 = arith.constant 7 : i32
      %add3A_506 = arith.addi %mul3A_504, %add3A_505 : i32
      %get3A_507 = arith.constant 0 : i32
      %get3A_508 = arith.index_cast %get3A_507 : i32 to index
      %get3A_509 = arith.index_cast %add3A_506 : i32 to index
      %get3A_510 = arith.constant 0 : index
      %get3A_511 = tpu.vector_load %arg6[%get3A_508, %get3A_509, %get3A_510] {strides = array<i32>} : memref<4x104x64xf32, #tpu.memory_space<vmem>>, vector<1x1x16xf32>,
      %get3A_512 = vector.shape_cast %get3A_511 : vector<1x1x16xf32> to vector<16xf32>
      %max3A_513 = arith.maximumf %max3A_481, %get3A_512 : vector<16xf32>
      %get3A_514 = arith.constant 0 : i32
      %get3A_515 = arith.index_cast %get3A_514 : i32 to index
      %get3A_516 = arith.index_cast %add3A_506 : i32 to index
      %get3A_517 = arith.constant 16 : index
      %get3A_518 = tpu.vector_load %arg6[%get3A_515, %get3A_516, %get3A_517] {strides = array<i32>} : memref<4x104x64xf32, #tpu.memory_space<vmem>>, vector<1x1x16xf32>,
      %get3A_519 = vector.shape_cast %get3A_518 : vector<1x1x16xf32> to vector<16xf32>
      %max3A_520 = arith.maximumf %max3A_488, %get3A_519 : vector<16xf32>
      %get3A_521 = arith.constant 0 : i32
      %get3A_522 = arith.index_cast %get3A_521 : i32 to index
      %get3A_523 = arith.index_cast %add3A_506 : i32 to index
      %get3A_524 = arith.constant 32 : index
      %get3A_525 = tpu.vector_load %arg6[%get3A_522, %get3A_523, %get3A_524] {strides = array<i32>} : memref<4x104x64xf32, #tpu.memory_space<vmem>>, vector<1x1x16xf32>,
      %get3A_526 = vector.shape_cast %get3A_525 : vector<1x1x16xf32> to vector<16xf32>
      %max3A_527 = arith.maximumf %max3A_495, %get3A_526 : vector<16xf32>
      %get3A_528 = arith.constant 0 : i32
      %get3A_529 = arith.index_cast %get3A_528 : i32 to index
      %get3A_530 = arith.index_cast %add3A_506 : i32 to index
      %get3A_531 = arith.constant 48 : index
      %get3A_532 = tpu.vector_load %arg6[%get3A_529, %get3A_530, %get3A_531] {strides = array<i32>} : memref<4x104x64xf32, #tpu.memory_space<vmem>>, vector<1x1x16xf32>,
      %get3A_533 = vector.shape_cast %get3A_532 : vector<1x1x16xf32> to vector<16xf32>
      %max3A_534 = arith.maximumf %max3A_502, %get3A_533 : vector<16xf32>
      scf.yield %max3A_513, %max3A_520, %max3A_527, %max3A_534 : vector<16xf32>, vector<16xf32>, vector<16xf32>, vector<16xf32>
    }
    %scan3A_71 = arith.constant 13 : i32
    %dma_wait3A_72 = arith.constant 253 : i32
    %dma_wait3A_73 = arith.constant 1 : i32
    %dma_wait3A_74 = arith.constant 0 : i32
    %dma_wait3A_75 = arith.constant 0 : i32
    %dma_wait3A_76 = tpu.memref_slice %arg6[%dma_wait3A_73, %dma_wait3A_74, %dma_wait3A_75] : memref<4x104x64xf32, #tpu.memory_space<vmem>> -> memref<1x104x64xf32, #tpu.memory_space<vmem>>
    %dma_wait3A_77 = tpu.memref_squeeze %dma_wait3A_76 : memref<1x104x64xf32, #tpu.memory_space<vmem>> -> memref<104x64xf32, #tpu.memory_space<vmem>>
    %dma_wait3A_78 = arith.constant 0 : i32
    %dma_wait3A_79 = tpu.memref_slice %arg5[%dma_wait3A_72, %dma_wait3A_78] : memref<256x104xi32, #tpu.memory_space<vmem>> -> memref<1x104xi32, #tpu.memory_space<vmem>>
    %dma_wait3A_80 = tpu.memref_squeeze %dma_wait3A_79 : memref<1x104xi32, #tpu.memory_space<vmem>> -> memref<104xi32, #tpu.memory_space<vmem>>
    %dma_wait3A_81 = arith.constant 0 : i32
    %dma_wait3A_82 = arith.constant 0 : i32
    %dma_wait3A_83 = tpu.memref_slice %arg3[%dma_wait3A_81, %dma_wait3A_82] : memref<1000000x64xf32, #tpu.memory_space<hbm>> -> memref<1000000x64xf32, #tpu.memory_space<hbm>>
    tpu.wait_indirect_dma semaphore(%arg9 : memref<!tpu.dma_semaphore, #tpu.memory_space<semaphore_mem>>) src(%dma_wait3A_83 : memref<1000000x64xf32, #tpu.memory_space<hbm>>) dst(%dma_wait3A_77 : memref<104x64xf32, #tpu.memory_space<vmem>>)
    %scan3A_84 = arith.constant 0 : i32
    %scan3A_85 = arith.constant 13 : i32
    %scan3A_86 = arith.addi %scan3A_84, %scan3A_85 : i32
    %scan3A_87 = arith.constant 1 : i32
    %scan3A_88:4 = scf.for %scan3A_276 = %scan3A_84 to %scan3A_86 step %scan3A_87 iter_args(%scan3A_277 = %scan3A_70#0, %scan3A_278 = %scan3A_70#1, %scan3A_279 = %scan3A_70#2, %scan3A_280 = %scan3A_70#3) -> (vector<16xf32>, vector<16xf32>, vector<16xf32>, vector<16xf32>)  : i32 {
      %mul3A_281 = arith.constant 8 : i32
      %mul3A_282 = arith.muli %scan3A_276, %mul3A_281 : i32
      %add3A_283 = arith.constant 0 : i32
      %add3A_284 = arith.addi %mul3A_282, %add3A_283 : i32
      %get3A = arith.constant 1 : i32
      %get3A_285 = arith.index_cast %get3A : i32 to index
      %get3A_286 = arith.index_cast %add3A_284 : i32 to index
      %get3A_287 = arith.constant 0 : index
      %get3A_288 = tpu.vector_load %arg6[%get3A_285, %get3A_286, %get3A_287] {strides = array<i32>} : memref<4x104x64xf32, #tpu.memory_space<vmem>>, vector<1x1x16xf32>,
      %get3A_289 = vector.shape_cast %get3A_288 : vector<1x1x16xf32> to vector<16xf32>
      %max3A = arith.maximumf %scan3A_277, %get3A_289 : vector<16xf32>
      %get3A_290 = arith.constant 1 : i32
      %get3A_291 = arith.index_cast %get3A_290 : i32 to index
      %get3A_292 = arith.index_cast %add3A_284 : i32 to index
      %get3A_293 = arith.constant 16 : index
      %get3A_294 = tpu.vector_load %arg6[%get3A_291, %get3A_292, %get3A_293] {strides = array<i32>} : memref<4x104x64xf32, #tpu.memory_space<vmem>>, vector<1x1x16xf32>,
      %get3A_295 = vector.shape_cast %get3A_294 : vector<1x1x16xf32> to vector<16xf32>
      %max3A_296 = arith.maximumf %scan3A_278, %get3A_295 : vector<16xf32>
      %get3A_297 = arith.constant 1 : i32
      %get3A_298 = arith.index_cast %get3A_297 : i32 to index
      %get3A_299 = arith.index_cast %add3A_284 : i32 to index
      %get3A_300 = arith.constant 32 : index
      %get3A_301 = tpu.vector_load %arg6[%get3A_298, %get3A_299, %get3A_300] {strides = array<i32>} : memref<4x104x64xf32, #tpu.memory_space<vmem>>, vector<1x1x16xf32>,
      %get3A_302 = vector.shape_cast %get3A_301 : vector<1x1x16xf32> to vector<16xf32>
      %max3A_303 = arith.maximumf %scan3A_279, %get3A_302 : vector<16xf32>
      %get3A_304 = arith.constant 1 : i32
      %get3A_305 = arith.index_cast %get3A_304 : i32 to index
      %get3A_306 = arith.index_cast %add3A_284 : i32 to index
      %get3A_307 = arith.constant 48 : index
      %get3A_308 = tpu.vector_load %arg6[%get3A_305, %get3A_306, %get3A_307] {strides = array<i32>} : memref<4x104x64xf32, #tpu.memory_space<vmem>>, vector<1x1x16xf32>,
      %get3A_309 = vector.shape_cast %get3A_308 : vector<1x1x16xf32> to vector<16xf32>
      %max3A_310 = arith.maximumf %scan3A_280, %get3A_309 : vector<16xf32>
      %mul3A_311 = arith.constant 8 : i32
      %mul3A_312 = arith.muli %scan3A_276, %mul3A_311 : i32
      %add3A_313 = arith.constant 1 : i32
      %add3A_314 = arith.addi %mul3A_312, %add3A_313 : i32
      %get3A_315 = arith.constant 1 : i32
      %get3A_316 = arith.index_cast %get3A_315 : i32 to index
      %get3A_317 = arith.index_cast %add3A_314 : i32 to index
      %get3A_318 = arith.constant 0 : index
      %get3A_319 = tpu.vector_load %arg6[%get3A_316, %get3A_317, %get3A_318] {strides = array<i32>} : memref<4x104x64xf32, #tpu.memory_space<vmem>>, vector<1x1x16xf32>,
      %get3A_320 = vector.shape_cast %get3A_319 : vector<1x1x16xf32> to vector<16xf32>
      %max3A_321 = arith.maximumf %max3A, %get3A_320 : vector<16xf32>
      %get3A_322 = arith.constant 1 : i32
      %get3A_323 = arith.index_cast %get3A_322 : i32 to index
      %get3A_324 = arith.index_cast %add3A_314 : i32 to index
      %get3A_325 = arith.constant 16 : index
      %get3A_326 = tpu.vector_load %arg6[%get3A_323, %get3A_324, %get3A_325] {strides = array<i32>} : memref<4x104x64xf32, #tpu.memory_space<vmem>>, vector<1x1x16xf32>,
      %get3A_327 = vector.shape_cast %get3A_326 : vector<1x1x16xf32> to vector<16xf32>
      %max3A_328 = arith.maximumf %max3A_296, %get3A_327 : vector<16xf32>
      %get3A_329 = arith.constant 1 : i32
      %get3A_330 = arith.index_cast %get3A_329 : i32 to index
      %get3A_331 = arith.index_cast %add3A_314 : i32 to index
      %get3A_332 = arith.constant 32 : index
      %get3A_333 = tpu.vector_load %arg6[%get3A_330, %get3A_331, %get3A_332] {strides = array<i32>} : memref<4x104x64xf32, #tpu.memory_space<vmem>>, vector<1x1x16xf32>,
      %get3A_334 = vector.shape_cast %get3A_333 : vector<1x1x16xf32> to vector<16xf32>
      %max3A_335 = arith.maximumf %max3A_303, %get3A_334 : vector<16xf32>
      %get3A_336 = arith.constant 1 : i32
      %get3A_337 = arith.index_cast %get3A_336 : i32 to index
      %get3A_338 = arith.index_cast %add3A_314 : i32 to index
      %get3A_339 = arith.constant 48 : index
      %get3A_340 = tpu.vector_load %arg6[%get3A_337, %get3A_338, %get3A_339] {strides = array<i32>} : memref<4x104x64xf32, #tpu.memory_space<vmem>>, vector<1x1x16xf32>,
      %get3A_341 = vector.shape_cast %get3A_340 : vector<1x1x16xf32> to vector<16xf32>
      %max3A_342 = arith.maximumf %max3A_310, %get3A_341 : vector<16xf32>
      %mul3A_343 = arith.constant 8 : i32
      %mul3A_344 = arith.muli %scan3A_276, %mul3A_343 : i32
      %add3A_345 = arith.constant 2 : i32
      %add3A_346 = arith.addi %mul3A_344, %add3A_345 : i32
      %get3A_347 = arith.constant 1 : i32
      %get3A_348 = arith.index_cast %get3A_347 : i32 to index
      %get3A_349 = arith.index_cast %add3A_346 : i32 to index
      %get3A_350 = arith.constant 0 : index
      %get3A_351 = tpu.vector_load %arg6[%get3A_348, %get3A_349, %get3A_350] {strides = array<i32>} : memref<4x104x64xf32, #tpu.memory_space<vmem>>, vector<1x1x16xf32>,
      %get3A_352 = vector.shape_cast %get3A_351 : vector<1x1x16xf32> to vector<16xf32>
      %max3A_353 = arith.maximumf %max3A_321, %get3A_352 : vector<16xf32>
      %get3A_354 = arith.constant 1 : i32
      %get3A_355 = arith.index_cast %get3A_354 : i32 to index
      %get3A_356 = arith.index_cast %add3A_346 : i32 to index
      %get3A_357 = arith.constant 16 : index
      %get3A_358 = tpu.vector_load %arg6[%get3A_355, %get3A_356, %get3A_357] {strides = array<i32>} : memref<4x104x64xf32, #tpu.memory_space<vmem>>, vector<1x1x16xf32>,
      %get3A_359 = vector.shape_cast %get3A_358 : vector<1x1x16xf32> to vector<16xf32>
      %max3A_360 = arith.maximumf %max3A_328, %get3A_359 : vector<16xf32>
      %get3A_361 = arith.constant 1 : i32
      %get3A_362 = arith.index_cast %get3A_361 : i32 to index
      %get3A_363 = arith.index_cast %add3A_346 : i32 to index
      %get3A_364 = arith.constant 32 : index
      %get3A_365 = tpu.vector_load %arg6[%get3A_362, %get3A_363, %get3A_364] {strides = array<i32>} : memref<4x104x64xf32, #tpu.memory_space<vmem>>, vector<1x1x16xf32>,
      %get3A_366 = vector.shape_cast %get3A_365 : vector<1x1x16xf32> to vector<16xf32>
      %max3A_367 = arith.maximumf %max3A_335, %get3A_366 : vector<16xf32>
      %get3A_368 = arith.constant 1 : i32
      %get3A_369 = arith.index_cast %get3A_368 : i32 to index
      %get3A_370 = arith.index_cast %add3A_346 : i32 to index
      %get3A_371 = arith.constant 48 : index
      %get3A_372 = tpu.vector_load %arg6[%get3A_369, %get3A_370, %get3A_371] {strides = array<i32>} : memref<4x104x64xf32, #tpu.memory_space<vmem>>, vector<1x1x16xf32>,
      %get3A_373 = vector.shape_cast %get3A_372 : vector<1x1x16xf32> to vector<16xf32>
      %max3A_374 = arith.maximumf %max3A_342, %get3A_373 : vector<16xf32>
      %mul3A_375 = arith.constant 8 : i32
      %mul3A_376 = arith.muli %scan3A_276, %mul3A_375 : i32
      %add3A_377 = arith.constant 3 : i32
      %add3A_378 = arith.addi %mul3A_376, %add3A_377 : i32
      %get3A_379 = arith.constant 1 : i32
      %get3A_380 = arith.index_cast %get3A_379 : i32 to index
      %get3A_381 = arith.index_cast %add3A_378 : i32 to index
      %get3A_382 = arith.constant 0 : index
      %get3A_383 = tpu.vector_load %arg6[%get3A_380, %get3A_381, %get3A_382] {strides = array<i32>} : memref<4x104x64xf32, #tpu.memory_space<vmem>>, vector<1x1x16xf32>,
      %get3A_384 = vector.shape_cast %get3A_383 : vector<1x1x16xf32> to vector<16xf32>
      %max3A_385 = arith.maximumf %max3A_353, %get3A_384 : vector<16xf32>
      %get3A_386 = arith.constant 1 : i32
      %get3A_387 = arith.index_cast %get3A_386 : i32 to index
      %get3A_388 = arith.index_cast %add3A_378 : i32 to index
      %get3A_389 = arith.constant 16 : index
      %get3A_390 = tpu.vector_load %arg6[%get3A_387, %get3A_388, %get3A_389] {strides = array<i32>} : memref<4x104x64xf32, #tpu.memory_space<vmem>>, vector<1x1x16xf32>,
      %get3A_391 = vector.shape_cast %get3A_390 : vector<1x1x16xf32> to vector<16xf32>
      %max3A_392 = arith.maximumf %max3A_360, %get3A_391 : vector<16xf32>
      %get3A_393 = arith.constant 1 : i32
      %get3A_394 = arith.index_cast %get3A_393 : i32 to index
      %get3A_395 = arith.index_cast %add3A_378 : i32 to index
      %get3A_396 = arith.constant 32 : index
      %get3A_397 = tpu.vector_load %arg6[%get3A_394, %get3A_395, %get3A_396] {strides = array<i32>} : memref<4x104x64xf32, #tpu.memory_space<vmem>>, vector<1x1x16xf32>,
      %get3A_398 = vector.shape_cast %get3A_397 : vector<1x1x16xf32> to vector<16xf32>
      %max3A_399 = arith.maximumf %max3A_367, %get3A_398 : vector<16xf32>
      %get3A_400 = arith.constant 1 : i32
      %get3A_401 = arith.index_cast %get3A_400 : i32 to index
      %get3A_402 = arith.index_cast %add3A_378 : i32 to index
      %get3A_403 = arith.constant 48 : index
      %get3A_404 = tpu.vector_load %arg6[%get3A_401, %get3A_402, %get3A_403] {strides = array<i32>} : memref<4x104x64xf32, #tpu.memory_space<vmem>>, vector<1x1x16xf32>,
      %get3A_405 = vector.shape_cast %get3A_404 : vector<1x1x16xf32> to vector<16xf32>
      %max3A_406 = arith.maximumf %max3A_374, %get3A_405 : vector<16xf32>
      %mul3A_407 = arith.constant 8 : i32
      %mul3A_408 = arith.muli %scan3A_276, %mul3A_407 : i32
      %add3A_409 = arith.constant 4 : i32
      %add3A_410 = arith.addi %mul3A_408, %add3A_409 : i32
      %get3A_411 = arith.constant 1 : i32
      %get3A_412 = arith.index_cast %get3A_411 : i32 to index
      %get3A_413 = arith.index_cast %add3A_410 : i32 to index
      %get3A_414 = arith.constant 0 : index
      %get3A_415 = tpu.vector_load %arg6[%get3A_412, %get3A_413, %get3A_414] {strides = array<i32>} : memref<4x104x64xf32, #tpu.memory_space<vmem>>, vector<1x1x16xf32>,
      %get3A_416 = vector.shape_cast %get3A_415 : vector<1x1x16xf32> to vector<16xf32>
      %max3A_417 = arith.maximumf %max3A_385, %get3A_416 : vector<16xf32>
      %get3A_418 = arith.constant 1 : i32
      %get3A_419 = arith.index_cast %get3A_418 : i32 to index
      %get3A_420 = arith.index_cast %add3A_410 : i32 to index
      %get3A_421 = arith.constant 16 : index
      %get3A_422 = tpu.vector_load %arg6[%get3A_419, %get3A_420, %get3A_421] {strides = array<i32>} : memref<4x104x64xf32, #tpu.memory_space<vmem>>, vector<1x1x16xf32>,
      %get3A_423 = vector.shape_cast %get3A_422 : vector<1x1x16xf32> to vector<16xf32>
      %max3A_424 = arith.maximumf %max3A_392, %get3A_423 : vector<16xf32>
      %get3A_425 = arith.constant 1 : i32
      %get3A_426 = arith.index_cast %get3A_425 : i32 to index
      %get3A_427 = arith.index_cast %add3A_410 : i32 to index
      %get3A_428 = arith.constant 32 : index
      %get3A_429 = tpu.vector_load %arg6[%get3A_426, %get3A_427, %get3A_428] {strides = array<i32>} : memref<4x104x64xf32, #tpu.memory_space<vmem>>, vector<1x1x16xf32>,
      %get3A_430 = vector.shape_cast %get3A_429 : vector<1x1x16xf32> to vector<16xf32>
      %max3A_431 = arith.maximumf %max3A_399, %get3A_430 : vector<16xf32>
      %get3A_432 = arith.constant 1 : i32
      %get3A_433 = arith.index_cast %get3A_432 : i32 to index
      %get3A_434 = arith.index_cast %add3A_410 : i32 to index
      %get3A_435 = arith.constant 48 : index
      %get3A_436 = tpu.vector_load %arg6[%get3A_433, %get3A_434, %get3A_435] {strides = array<i32>} : memref<4x104x64xf32, #tpu.memory_space<vmem>>, vector<1x1x16xf32>,
      %get3A_437 = vector.shape_cast %get3A_436 : vector<1x1x16xf32> to vector<16xf32>
      %max3A_438 = arith.maximumf %max3A_406, %get3A_437 : vector<16xf32>
      %mul3A_439 = arith.constant 8 : i32
      %mul3A_440 = arith.muli %scan3A_276, %mul3A_439 : i32
      %add3A_441 = arith.constant 5 : i32
      %add3A_442 = arith.addi %mul3A_440, %add3A_441 : i32
      %get3A_443 = arith.constant 1 : i32
      %get3A_444 = arith.index_cast %get3A_443 : i32 to index
      %get3A_445 = arith.index_cast %add3A_442 : i32 to index
      %get3A_446 = arith.constant 0 : index
      %get3A_447 = tpu.vector_load %arg6[%get3A_444, %get3A_445, %get3A_446] {strides = array<i32>} : memref<4x104x64xf32, #tpu.memory_space<vmem>>, vector<1x1x16xf32>,
      %get3A_448 = vector.shape_cast %get3A_447 : vector<1x1x16xf32> to vector<16xf32>
      %max3A_449 = arith.maximumf %max3A_417, %get3A_448 : vector<16xf32>
      %get3A_450 = arith.constant 1 : i32
      %get3A_451 = arith.index_cast %get3A_450 : i32 to index
      %get3A_452 = arith.index_cast %add3A_442 : i32 to index
      %get3A_453 = arith.constant 16 : index
      %get3A_454 = tpu.vector_load %arg6[%get3A_451, %get3A_452, %get3A_453] {strides = array<i32>} : memref<4x104x64xf32, #tpu.memory_space<vmem>>, vector<1x1x16xf32>,
      %get3A_455 = vector.shape_cast %get3A_454 : vector<1x1x16xf32> to vector<16xf32>
      %max3A_456 = arith.maximumf %max3A_424, %get3A_455 : vector<16xf32>
      %get3A_457 = arith.constant 1 : i32
      %get3A_458 = arith.index_cast %get3A_457 : i32 to index
      %get3A_459 = arith.index_cast %add3A_442 : i32 to index
      %get3A_460 = arith.constant 32 : index
      %get3A_461 = tpu.vector_load %arg6[%get3A_458, %get3A_459, %get3A_460] {strides = array<i32>} : memref<4x104x64xf32, #tpu.memory_space<vmem>>, vector<1x1x16xf32>,
      %get3A_462 = vector.shape_cast %get3A_461 : vector<1x1x16xf32> to vector<16xf32>
      %max3A_463 = arith.maximumf %max3A_431, %get3A_462 : vector<16xf32>
      %get3A_464 = arith.constant 1 : i32
      %get3A_465 = arith.index_cast %get3A_464 : i32 to index
      %get3A_466 = arith.index_cast %add3A_442 : i32 to index
      %get3A_467 = arith.constant 48 : index
      %get3A_468 = tpu.vector_load %arg6[%get3A_465, %get3A_466, %get3A_467] {strides = array<i32>} : memref<4x104x64xf32, #tpu.memory_space<vmem>>, vector<1x1x16xf32>,
      %get3A_469 = vector.shape_cast %get3A_468 : vector<1x1x16xf32> to vector<16xf32>
      %max3A_470 = arith.maximumf %max3A_438, %get3A_469 : vector<16xf32>
      %mul3A_471 = arith.constant 8 : i32
      %mul3A_472 = arith.muli %scan3A_276, %mul3A_471 : i32
      %add3A_473 = arith.constant 6 : i32
      %add3A_474 = arith.addi %mul3A_472, %add3A_473 : i32
      %get3A_475 = arith.constant 1 : i32
      %get3A_476 = arith.index_cast %get3A_475 : i32 to index
      %get3A_477 = arith.index_cast %add3A_474 : i32 to index
      %get3A_478 = arith.constant 0 : index
      %get3A_479 = tpu.vector_load %arg6[%get3A_476, %get3A_477, %get3A_478] {strides = array<i32>} : memref<4x104x64xf32, #tpu.memory_space<vmem>>, vector<1x1x16xf32>,
      %get3A_480 = vector.shape_cast %get3A_479 : vector<1x1x16xf32> to vector<16xf32>
      %max3A_481 = arith.maximumf %max3A_449, %get3A_480 : vector<16xf32>
      %get3A_482 = arith.constant 1 : i32
      %get3A_483 = arith.index_cast %get3A_482 : i32 to index
      %get3A_484 = arith.index_cast %add3A_474 : i32 to index
      %get3A_485 = arith.constant 16 : index
      %get3A_486 = tpu.vector_load %arg6[%get3A_483, %get3A_484, %get3A_485] {strides = array<i32>} : memref<4x104x64xf32, #tpu.memory_space<vmem>>, vector<1x1x16xf32>,
      %get3A_487 = vector.shape_cast %get3A_486 : vector<1x1x16xf32> to vector<16xf32>
      %max3A_488 = arith.maximumf %max3A_456, %get3A_487 : vector<16xf32>
      %get3A_489 = arith.constant 1 : i32
      %get3A_490 = arith.index_cast %get3A_489 : i32 to index
      %get3A_491 = arith.index_cast %add3A_474 : i32 to index
      %get3A_492 = arith.constant 32 : index
      %get3A_493 = tpu.vector_load %arg6[%get3A_490, %get3A_491, %get3A_492] {strides = array<i32>} : memref<4x104x64xf32, #tpu.memory_space<vmem>>, vector<1x1x16xf32>,
      %get3A_494 = vector.shape_cast %get3A_493 : vector<1x1x16xf32> to vector<16xf32>
      %max3A_495 = arith.maximumf %max3A_463, %get3A_494 : vector<16xf32>
      %get3A_496 = arith.constant 1 : i32
      %get3A_497 = arith.index_cast %get3A_496 : i32 to index
      %get3A_498 = arith.index_cast %add3A_474 : i32 to index
      %get3A_499 = arith.constant 48 : index
      %get3A_500 = tpu.vector_load %arg6[%get3A_497, %get3A_498, %get3A_499] {strides = array<i32>} : memref<4x104x64xf32, #tpu.memory_space<vmem>>, vector<1x1x16xf32>,
      %get3A_501 = vector.shape_cast %get3A_500 : vector<1x1x16xf32> to vector<16xf32>
      %max3A_502 = arith.maximumf %max3A_470, %get3A_501 : vector<16xf32>
      %mul3A_503 = arith.constant 8 : i32
      %mul3A_504 = arith.muli %scan3A_276, %mul3A_503 : i32
      %add3A_505 = arith.constant 7 : i32
      %add3A_506 = arith.addi %mul3A_504, %add3A_505 : i32
      %get3A_507 = arith.constant 1 : i32
      %get3A_508 = arith.index_cast %get3A_507 : i32 to index
      %get3A_509 = arith.index_cast %add3A_506 : i32 to index
      %get3A_510 = arith.constant 0 : index
      %get3A_511 = tpu.vector_load %arg6[%get3A_508, %get3A_509, %get3A_510] {strides = array<i32>} : memref<4x104x64xf32, #tpu.memory_space<vmem>>, vector<1x1x16xf32>,
      %get3A_512 = vector.shape_cast %get3A_511 : vector<1x1x16xf32> to vector<16xf32>
      %max3A_513 = arith.maximumf %max3A_481, %get3A_512 : vector<16xf32>
      %get3A_514 = arith.constant 1 : i32
      %get3A_515 = arith.index_cast %get3A_514 : i32 to index
      %get3A_516 = arith.index_cast %add3A_506 : i32 to index
      %get3A_517 = arith.constant 16 : index
      %get3A_518 = tpu.vector_load %arg6[%get3A_515, %get3A_516, %get3A_517] {strides = array<i32>} : memref<4x104x64xf32, #tpu.memory_space<vmem>>, vector<1x1x16xf32>,
      %get3A_519 = vector.shape_cast %get3A_518 : vector<1x1x16xf32> to vector<16xf32>
      %max3A_520 = arith.maximumf %max3A_488, %get3A_519 : vector<16xf32>
      %get3A_521 = arith.constant 1 : i32
      %get3A_522 = arith.index_cast %get3A_521 : i32 to index
      %get3A_523 = arith.index_cast %add3A_506 : i32 to index
      %get3A_524 = arith.constant 32 : index
      %get3A_525 = tpu.vector_load %arg6[%get3A_522, %get3A_523, %get3A_524] {strides = array<i32>} : memref<4x104x64xf32, #tpu.memory_space<vmem>>, vector<1x1x16xf32>,
      %get3A_526 = vector.shape_cast %get3A_525 : vector<1x1x16xf32> to vector<16xf32>
      %max3A_527 = arith.maximumf %max3A_495, %get3A_526 : vector<16xf32>
      %get3A_528 = arith.constant 1 : i32
      %get3A_529 = arith.index_cast %get3A_528 : i32 to index
      %get3A_530 = arith.index_cast %add3A_506 : i32 to index
      %get3A_531 = arith.constant 48 : index
      %get3A_532 = tpu.vector_load %arg6[%get3A_529, %get3A_530, %get3A_531] {strides = array<i32>} : memref<4x104x64xf32, #tpu.memory_space<vmem>>, vector<1x1x16xf32>,
      %get3A_533 = vector.shape_cast %get3A_532 : vector<1x1x16xf32> to vector<16xf32>
      %max3A_534 = arith.maximumf %max3A_502, %get3A_533 : vector<16xf32>
      scf.yield %max3A_513, %max3A_520, %max3A_527, %max3A_534 : vector<16xf32>, vector<16xf32>, vector<16xf32>, vector<16xf32>
    }
    %scan3A_89 = arith.constant 13 : i32
    %mul3A_90 = arith.constant 2.000000e+00 : f32
    %mul3A_91 = vector.broadcast %mul3A_90 : f32 to vector<16xf32>
    %mul3A_92 = arith.mulf %mul3A_91, %scan3A_88#0 : vector<16xf32>
    %exp3A = math.exp %mul3A_92 : vector<16xf32>
    %add3A_93 = arith.constant 1.000000e+00 : f32
    %add3A_94 = vector.broadcast %add3A_93 : f32 to vector<16xf32>
    %add3A_95 = arith.addf %exp3A, %add3A_94 : vector<16xf32>
    %div3A = arith.constant 2.000000e+00 : f32
    %div3A_96 = vector.broadcast %div3A : f32 to vector<16xf32>
    %div3A_97 = arith.divf %div3A_96, %add3A_95 : vector<16xf32>
    %sub3A = arith.constant 1.000000e+00 : f32
    %sub3A_98 = vector.broadcast %sub3A : f32 to vector<16xf32>
    %sub3A_99 = arith.subf %sub3A_98, %div3A_97 : vector<16xf32>
    %swap3A = arith.constant 126 : i32
    %swap3A_100 = arith.index_cast %swap3A : i32 to index
    %swap3A_101 = arith.constant 0 : index
    %swap3A_102 = tpu.vector_load %arg7[%swap3A_100, %swap3A_101] {strides = array<i32>} : memref<128x64xf32, #tpu.memory_space<vmem>>, vector<1x16xf32>,
    %swap3A_103 = vector.shape_cast %swap3A_102 : vector<1x16xf32> to vector<16xf32>
    %swap3A_104 = vector.shape_cast %sub3A_99 : vector<16xf32> to vector<1x16xf32>
    tpu.vector_store %arg7[%swap3A_100, %swap3A_101], %swap3A_104 {strides = array<i32>} : memref<128x64xf32, #tpu.memory_space<vmem>>, vector<1x16xf32>,
    %mul3A_105 = arith.constant 2.000000e+00 : f32
    %mul3A_106 = vector.broadcast %mul3A_105 : f32 to vector<16xf32>
    %mul3A_107 = arith.mulf %mul3A_106, %scan3A_88#1 : vector<16xf32>
    %exp3A_108 = math.exp %mul3A_107 : vector<16xf32>
    %add3A_109 = arith.constant 1.000000e+00 : f32
    %add3A_110 = vector.broadcast %add3A_109 : f32 to vector<16xf32>
    %add3A_111 = arith.addf %exp3A_108, %add3A_110 : vector<16xf32>
    %div3A_112 = arith.constant 2.000000e+00 : f32
    %div3A_113 = vector.broadcast %div3A_112 : f32 to vector<16xf32>
    %div3A_114 = arith.divf %div3A_113, %add3A_111 : vector<16xf32>
    %sub3A_115 = arith.constant 1.000000e+00 : f32
    %sub3A_116 = vector.broadcast %sub3A_115 : f32 to vector<16xf32>
    %sub3A_117 = arith.subf %sub3A_116, %div3A_114 : vector<16xf32>
    %swap3A_118 = arith.constant 126 : i32
    %swap3A_119 = arith.index_cast %swap3A_118 : i32 to index
    %swap3A_120 = arith.constant 16 : index
    %swap3A_121 = tpu.vector_load %arg7[%swap3A_119, %swap3A_120] {strides = array<i32>} : memref<128x64xf32, #tpu.memory_space<vmem>>, vector<1x16xf32>,
    %swap3A_122 = vector.shape_cast %swap3A_121 : vector<1x16xf32> to vector<16xf32>
    %swap3A_123 = vector.shape_cast %sub3A_117 : vector<16xf32> to vector<1x16xf32>
    tpu.vector_store %arg7[%swap3A_119, %swap3A_120], %swap3A_123 {strides = array<i32>} : memref<128x64xf32, #tpu.memory_space<vmem>>, vector<1x16xf32>,
    %mul3A_124 = arith.constant 2.000000e+00 : f32
    %mul3A_125 = vector.broadcast %mul3A_124 : f32 to vector<16xf32>
    %mul3A_126 = arith.mulf %mul3A_125, %scan3A_88#2 : vector<16xf32>
    %exp3A_127 = math.exp %mul3A_126 : vector<16xf32>
    %add3A_128 = arith.constant 1.000000e+00 : f32
    %add3A_129 = vector.broadcast %add3A_128 : f32 to vector<16xf32>
    %add3A_130 = arith.addf %exp3A_127, %add3A_129 : vector<16xf32>
    %div3A_131 = arith.constant 2.000000e+00 : f32
    %div3A_132 = vector.broadcast %div3A_131 : f32 to vector<16xf32>
    %div3A_133 = arith.divf %div3A_132, %add3A_130 : vector<16xf32>
    %sub3A_134 = arith.constant 1.000000e+00 : f32
    %sub3A_135 = vector.broadcast %sub3A_134 : f32 to vector<16xf32>
    %sub3A_136 = arith.subf %sub3A_135, %div3A_133 : vector<16xf32>
    %swap3A_137 = arith.constant 126 : i32
    %swap3A_138 = arith.index_cast %swap3A_137 : i32 to index
    %swap3A_139 = arith.constant 32 : index
    %swap3A_140 = tpu.vector_load %arg7[%swap3A_138, %swap3A_139] {strides = array<i32>} : memref<128x64xf32, #tpu.memory_space<vmem>>, vector<1x16xf32>,
    %swap3A_141 = vector.shape_cast %swap3A_140 : vector<1x16xf32> to vector<16xf32>
    %swap3A_142 = vector.shape_cast %sub3A_136 : vector<16xf32> to vector<1x16xf32>
    tpu.vector_store %arg7[%swap3A_138, %swap3A_139], %swap3A_142 {strides = array<i32>} : memref<128x64xf32, #tpu.memory_space<vmem>>, vector<1x16xf32>,
    %mul3A_143 = arith.constant 2.000000e+00 : f32
    %mul3A_144 = vector.broadcast %mul3A_143 : f32 to vector<16xf32>
    %mul3A_145 = arith.mulf %mul3A_144, %scan3A_88#3 : vector<16xf32>
    %exp3A_146 = math.exp %mul3A_145 : vector<16xf32>
    %add3A_147 = arith.constant 1.000000e+00 : f32
    %add3A_148 = vector.broadcast %add3A_147 : f32 to vector<16xf32>
    %add3A_149 = arith.addf %exp3A_146, %add3A_148 : vector<16xf32>
    %div3A_150 = arith.constant 2.000000e+00 : f32
    %div3A_151 = vector.broadcast %div3A_150 : f32 to vector<16xf32>
    %div3A_152 = arith.divf %div3A_151, %add3A_149 : vector<16xf32>
    %sub3A_153 = arith.constant 1.000000e+00 : f32
    %sub3A_154 = vector.broadcast %sub3A_153 : f32 to vector<16xf32>
    %sub3A_155 = arith.subf %sub3A_154, %div3A_152 : vector<16xf32>
    %swap3A_156 = arith.constant 126 : i32
    %swap3A_157 = arith.index_cast %swap3A_156 : i32 to index
    %swap3A_158 = arith.constant 48 : index
    %swap3A_159 = tpu.vector_load %arg7[%swap3A_157, %swap3A_158] {strides = array<i32>} : memref<128x64xf32, #tpu.memory_space<vmem>>, vector<1x16xf32>,
    %swap3A_160 = vector.shape_cast %swap3A_159 : vector<1x16xf32> to vector<16xf32>
    %swap3A_161 = vector.shape_cast %sub3A_155 : vector<16xf32> to vector<1x16xf32>
    tpu.vector_store %arg7[%swap3A_157, %swap3A_158], %swap3A_161 {strides = array<i32>} : memref<128x64xf32, #tpu.memory_space<vmem>>, vector<1x16xf32>,
    %dma_wait3A_162 = arith.constant 254 : i32
    %dma_wait3A_163 = arith.constant 2 : i32
    %dma_wait3A_164 = arith.constant 0 : i32
    %dma_wait3A_165 = arith.constant 0 : i32
    %dma_wait3A_166 = tpu.memref_slice %arg6[%dma_wait3A_163, %dma_wait3A_164, %dma_wait3A_165] : memref<4x104x64xf32, #tpu.memory_space<vmem>> -> memref<1x104x64xf32, #tpu.memory_space<vmem>>
    %dma_wait3A_167 = tpu.memref_squeeze %dma_wait3A_166 : memref<1x104x64xf32, #tpu.memory_space<vmem>> -> memref<104x64xf32, #tpu.memory_space<vmem>>
    %dma_wait3A_168 = arith.constant 0 : i32
    %dma_wait3A_169 = tpu.memref_slice %arg5[%dma_wait3A_162, %dma_wait3A_168] : memref<256x104xi32, #tpu.memory_space<vmem>> -> memref<1x104xi32, #tpu.memory_space<vmem>>
    %dma_wait3A_170 = tpu.memref_squeeze %dma_wait3A_169 : memref<1x104xi32, #tpu.memory_space<vmem>> -> memref<104xi32, #tpu.memory_space<vmem>>
    %dma_wait3A_171 = arith.constant 0 : i32
    %dma_wait3A_172 = arith.constant 0 : i32
    %dma_wait3A_173 = tpu.memref_slice %arg3[%dma_wait3A_171, %dma_wait3A_172] : memref<1000000x64xf32, #tpu.memory_space<hbm>> -> memref<1000000x64xf32, #tpu.memory_space<hbm>>
    tpu.wait_indirect_dma semaphore(%arg10 : memref<!tpu.dma_semaphore, #tpu.memory_space<semaphore_mem>>) src(%dma_wait3A_173 : memref<1000000x64xf32, #tpu.memory_space<hbm>>) dst(%dma_wait3A_167 : memref<104x64xf32, #tpu.memory_space<vmem>>)
    %scan3A_174 = arith.constant 0 : i32
    %scan3A_175 = arith.constant 13 : i32
    %scan3A_176 = arith.addi %scan3A_174, %scan3A_175 : i32
    %scan3A_177 = arith.constant 1 : i32
    %scan3A_178:4 = scf.for %scan3A_276 = %scan3A_174 to %scan3A_176 step %scan3A_177 iter_args(%scan3A_277 = %broadcast_in_dim3A_3, %scan3A_278 = %broadcast_in_dim3A_3, %scan3A_279 = %broadcast_in_dim3A_3, %scan3A_280 = %broadcast_in_dim3A_3) -> (vector<16xf32>, vector<16xf32>, vector<16xf32>, vector<16xf32>)  : i32 {
      %mul3A_281 = arith.constant 8 : i32
      %mul3A_282 = arith.muli %scan3A_276, %mul3A_281 : i32
      %add3A_283 = arith.constant 0 : i32
      %add3A_284 = arith.addi %mul3A_282, %add3A_283 : i32
      %get3A = arith.constant 2 : i32
      %get3A_285 = arith.index_cast %get3A : i32 to index
      %get3A_286 = arith.index_cast %add3A_284 : i32 to index
      %get3A_287 = arith.constant 0 : index
      %get3A_288 = tpu.vector_load %arg6[%get3A_285, %get3A_286, %get3A_287] {strides = array<i32>} : memref<4x104x64xf32, #tpu.memory_space<vmem>>, vector<1x1x16xf32>,
      %get3A_289 = vector.shape_cast %get3A_288 : vector<1x1x16xf32> to vector<16xf32>
      %max3A = arith.maximumf %scan3A_277, %get3A_289 : vector<16xf32>
      %get3A_290 = arith.constant 2 : i32
      %get3A_291 = arith.index_cast %get3A_290 : i32 to index
      %get3A_292 = arith.index_cast %add3A_284 : i32 to index
      %get3A_293 = arith.constant 16 : index
      %get3A_294 = tpu.vector_load %arg6[%get3A_291, %get3A_292, %get3A_293] {strides = array<i32>} : memref<4x104x64xf32, #tpu.memory_space<vmem>>, vector<1x1x16xf32>,
      %get3A_295 = vector.shape_cast %get3A_294 : vector<1x1x16xf32> to vector<16xf32>
      %max3A_296 = arith.maximumf %scan3A_278, %get3A_295 : vector<16xf32>
      %get3A_297 = arith.constant 2 : i32
      %get3A_298 = arith.index_cast %get3A_297 : i32 to index
      %get3A_299 = arith.index_cast %add3A_284 : i32 to index
      %get3A_300 = arith.constant 32 : index
      %get3A_301 = tpu.vector_load %arg6[%get3A_298, %get3A_299, %get3A_300] {strides = array<i32>} : memref<4x104x64xf32, #tpu.memory_space<vmem>>, vector<1x1x16xf32>,
      %get3A_302 = vector.shape_cast %get3A_301 : vector<1x1x16xf32> to vector<16xf32>
      %max3A_303 = arith.maximumf %scan3A_279, %get3A_302 : vector<16xf32>
      %get3A_304 = arith.constant 2 : i32
      %get3A_305 = arith.index_cast %get3A_304 : i32 to index
      %get3A_306 = arith.index_cast %add3A_284 : i32 to index
      %get3A_307 = arith.constant 48 : index
      %get3A_308 = tpu.vector_load %arg6[%get3A_305, %get3A_306, %get3A_307] {strides = array<i32>} : memref<4x104x64xf32, #tpu.memory_space<vmem>>, vector<1x1x16xf32>,
      %get3A_309 = vector.shape_cast %get3A_308 : vector<1x1x16xf32> to vector<16xf32>
      %max3A_310 = arith.maximumf %scan3A_280, %get3A_309 : vector<16xf32>
      %mul3A_311 = arith.constant 8 : i32
      %mul3A_312 = arith.muli %scan3A_276, %mul3A_311 : i32
      %add3A_313 = arith.constant 1 : i32
      %add3A_314 = arith.addi %mul3A_312, %add3A_313 : i32
      %get3A_315 = arith.constant 2 : i32
      %get3A_316 = arith.index_cast %get3A_315 : i32 to index
      %get3A_317 = arith.index_cast %add3A_314 : i32 to index
      %get3A_318 = arith.constant 0 : index
      %get3A_319 = tpu.vector_load %arg6[%get3A_316, %get3A_317, %get3A_318] {strides = array<i32>} : memref<4x104x64xf32, #tpu.memory_space<vmem>>, vector<1x1x16xf32>,
      %get3A_320 = vector.shape_cast %get3A_319 : vector<1x1x16xf32> to vector<16xf32>
      %max3A_321 = arith.maximumf %max3A, %get3A_320 : vector<16xf32>
      %get3A_322 = arith.constant 2 : i32
      %get3A_323 = arith.index_cast %get3A_322 : i32 to index
      %get3A_324 = arith.index_cast %add3A_314 : i32 to index
      %get3A_325 = arith.constant 16 : index
      %get3A_326 = tpu.vector_load %arg6[%get3A_323, %get3A_324, %get3A_325] {strides = array<i32>} : memref<4x104x64xf32, #tpu.memory_space<vmem>>, vector<1x1x16xf32>,
      %get3A_327 = vector.shape_cast %get3A_326 : vector<1x1x16xf32> to vector<16xf32>
      %max3A_328 = arith.maximumf %max3A_296, %get3A_327 : vector<16xf32>
      %get3A_329 = arith.constant 2 : i32
      %get3A_330 = arith.index_cast %get3A_329 : i32 to index
      %get3A_331 = arith.index_cast %add3A_314 : i32 to index
      %get3A_332 = arith.constant 32 : index
      %get3A_333 = tpu.vector_load %arg6[%get3A_330, %get3A_331, %get3A_332] {strides = array<i32>} : memref<4x104x64xf32, #tpu.memory_space<vmem>>, vector<1x1x16xf32>,
      %get3A_334 = vector.shape_cast %get3A_333 : vector<1x1x16xf32> to vector<16xf32>
      %max3A_335 = arith.maximumf %max3A_303, %get3A_334 : vector<16xf32>
      %get3A_336 = arith.constant 2 : i32
      %get3A_337 = arith.index_cast %get3A_336 : i32 to index
      %get3A_338 = arith.index_cast %add3A_314 : i32 to index
      %get3A_339 = arith.constant 48 : index
      %get3A_340 = tpu.vector_load %arg6[%get3A_337, %get3A_338, %get3A_339] {strides = array<i32>} : memref<4x104x64xf32, #tpu.memory_space<vmem>>, vector<1x1x16xf32>,
      %get3A_341 = vector.shape_cast %get3A_340 : vector<1x1x16xf32> to vector<16xf32>
      %max3A_342 = arith.maximumf %max3A_310, %get3A_341 : vector<16xf32>
      %mul3A_343 = arith.constant 8 : i32
      %mul3A_344 = arith.muli %scan3A_276, %mul3A_343 : i32
      %add3A_345 = arith.constant 2 : i32
      %add3A_346 = arith.addi %mul3A_344, %add3A_345 : i32
      %get3A_347 = arith.constant 2 : i32
      %get3A_348 = arith.index_cast %get3A_347 : i32 to index
      %get3A_349 = arith.index_cast %add3A_346 : i32 to index
      %get3A_350 = arith.constant 0 : index
      %get3A_351 = tpu.vector_load %arg6[%get3A_348, %get3A_349, %get3A_350] {strides = array<i32>} : memref<4x104x64xf32, #tpu.memory_space<vmem>>, vector<1x1x16xf32>,
      %get3A_352 = vector.shape_cast %get3A_351 : vector<1x1x16xf32> to vector<16xf32>
      %max3A_353 = arith.maximumf %max3A_321, %get3A_352 : vector<16xf32>
      %get3A_354 = arith.constant 2 : i32
      %get3A_355 = arith.index_cast %get3A_354 : i32 to index
      %get3A_356 = arith.index_cast %add3A_346 : i32 to index
      %get3A_357 = arith.constant 16 : index
      %get3A_358 = tpu.vector_load %arg6[%get3A_355, %get3A_356, %get3A_357] {strides = array<i32>} : memref<4x104x64xf32, #tpu.memory_space<vmem>>, vector<1x1x16xf32>,
      %get3A_359 = vector.shape_cast %get3A_358 : vector<1x1x16xf32> to vector<16xf32>
      %max3A_360 = arith.maximumf %max3A_328, %get3A_359 : vector<16xf32>
      %get3A_361 = arith.constant 2 : i32
      %get3A_362 = arith.index_cast %get3A_361 : i32 to index
      %get3A_363 = arith.index_cast %add3A_346 : i32 to index
      %get3A_364 = arith.constant 32 : index
      %get3A_365 = tpu.vector_load %arg6[%get3A_362, %get3A_363, %get3A_364] {strides = array<i32>} : memref<4x104x64xf32, #tpu.memory_space<vmem>>, vector<1x1x16xf32>,
      %get3A_366 = vector.shape_cast %get3A_365 : vector<1x1x16xf32> to vector<16xf32>
      %max3A_367 = arith.maximumf %max3A_335, %get3A_366 : vector<16xf32>
      %get3A_368 = arith.constant 2 : i32
      %get3A_369 = arith.index_cast %get3A_368 : i32 to index
      %get3A_370 = arith.index_cast %add3A_346 : i32 to index
      %get3A_371 = arith.constant 48 : index
      %get3A_372 = tpu.vector_load %arg6[%get3A_369, %get3A_370, %get3A_371] {strides = array<i32>} : memref<4x104x64xf32, #tpu.memory_space<vmem>>, vector<1x1x16xf32>,
      %get3A_373 = vector.shape_cast %get3A_372 : vector<1x1x16xf32> to vector<16xf32>
      %max3A_374 = arith.maximumf %max3A_342, %get3A_373 : vector<16xf32>
      %mul3A_375 = arith.constant 8 : i32
      %mul3A_376 = arith.muli %scan3A_276, %mul3A_375 : i32
      %add3A_377 = arith.constant 3 : i32
      %add3A_378 = arith.addi %mul3A_376, %add3A_377 : i32
      %get3A_379 = arith.constant 2 : i32
      %get3A_380 = arith.index_cast %get3A_379 : i32 to index
      %get3A_381 = arith.index_cast %add3A_378 : i32 to index
      %get3A_382 = arith.constant 0 : index
      %get3A_383 = tpu.vector_load %arg6[%get3A_380, %get3A_381, %get3A_382] {strides = array<i32>} : memref<4x104x64xf32, #tpu.memory_space<vmem>>, vector<1x1x16xf32>,
      %get3A_384 = vector.shape_cast %get3A_383 : vector<1x1x16xf32> to vector<16xf32>
      %max3A_385 = arith.maximumf %max3A_353, %get3A_384 : vector<16xf32>
      %get3A_386 = arith.constant 2 : i32
      %get3A_387 = arith.index_cast %get3A_386 : i32 to index
      %get3A_388 = arith.index_cast %add3A_378 : i32 to index
      %get3A_389 = arith.constant 16 : index
      %get3A_390 = tpu.vector_load %arg6[%get3A_387, %get3A_388, %get3A_389] {strides = array<i32>} : memref<4x104x64xf32, #tpu.memory_space<vmem>>, vector<1x1x16xf32>,
      %get3A_391 = vector.shape_cast %get3A_390 : vector<1x1x16xf32> to vector<16xf32>
      %max3A_392 = arith.maximumf %max3A_360, %get3A_391 : vector<16xf32>
      %get3A_393 = arith.constant 2 : i32
      %get3A_394 = arith.index_cast %get3A_393 : i32 to index
      %get3A_395 = arith.index_cast %add3A_378 : i32 to index
      %get3A_396 = arith.constant 32 : index
      %get3A_397 = tpu.vector_load %arg6[%get3A_394, %get3A_395, %get3A_396] {strides = array<i32>} : memref<4x104x64xf32, #tpu.memory_space<vmem>>, vector<1x1x16xf32>,
      %get3A_398 = vector.shape_cast %get3A_397 : vector<1x1x16xf32> to vector<16xf32>
      %max3A_399 = arith.maximumf %max3A_367, %get3A_398 : vector<16xf32>
      %get3A_400 = arith.constant 2 : i32
      %get3A_401 = arith.index_cast %get3A_400 : i32 to index
      %get3A_402 = arith.index_cast %add3A_378 : i32 to index
      %get3A_403 = arith.constant 48 : index
      %get3A_404 = tpu.vector_load %arg6[%get3A_401, %get3A_402, %get3A_403] {strides = array<i32>} : memref<4x104x64xf32, #tpu.memory_space<vmem>>, vector<1x1x16xf32>,
      %get3A_405 = vector.shape_cast %get3A_404 : vector<1x1x16xf32> to vector<16xf32>
      %max3A_406 = arith.maximumf %max3A_374, %get3A_405 : vector<16xf32>
      %mul3A_407 = arith.constant 8 : i32
      %mul3A_408 = arith.muli %scan3A_276, %mul3A_407 : i32
      %add3A_409 = arith.constant 4 : i32
      %add3A_410 = arith.addi %mul3A_408, %add3A_409 : i32
      %get3A_411 = arith.constant 2 : i32
      %get3A_412 = arith.index_cast %get3A_411 : i32 to index
      %get3A_413 = arith.index_cast %add3A_410 : i32 to index
      %get3A_414 = arith.constant 0 : index
      %get3A_415 = tpu.vector_load %arg6[%get3A_412, %get3A_413, %get3A_414] {strides = array<i32>} : memref<4x104x64xf32, #tpu.memory_space<vmem>>, vector<1x1x16xf32>,
      %get3A_416 = vector.shape_cast %get3A_415 : vector<1x1x16xf32> to vector<16xf32>
      %max3A_417 = arith.maximumf %max3A_385, %get3A_416 : vector<16xf32>
      %get3A_418 = arith.constant 2 : i32
      %get3A_419 = arith.index_cast %get3A_418 : i32 to index
      %get3A_420 = arith.index_cast %add3A_410 : i32 to index
      %get3A_421 = arith.constant 16 : index
      %get3A_422 = tpu.vector_load %arg6[%get3A_419, %get3A_420, %get3A_421] {strides = array<i32>} : memref<4x104x64xf32, #tpu.memory_space<vmem>>, vector<1x1x16xf32>,
      %get3A_423 = vector.shape_cast %get3A_422 : vector<1x1x16xf32> to vector<16xf32>
      %max3A_424 = arith.maximumf %max3A_392, %get3A_423 : vector<16xf32>
      %get3A_425 = arith.constant 2 : i32
      %get3A_426 = arith.index_cast %get3A_425 : i32 to index
      %get3A_427 = arith.index_cast %add3A_410 : i32 to index
      %get3A_428 = arith.constant 32 : index
      %get3A_429 = tpu.vector_load %arg6[%get3A_426, %get3A_427, %get3A_428] {strides = array<i32>} : memref<4x104x64xf32, #tpu.memory_space<vmem>>, vector<1x1x16xf32>,
      %get3A_430 = vector.shape_cast %get3A_429 : vector<1x1x16xf32> to vector<16xf32>
      %max3A_431 = arith.maximumf %max3A_399, %get3A_430 : vector<16xf32>
      %get3A_432 = arith.constant 2 : i32
      %get3A_433 = arith.index_cast %get3A_432 : i32 to index
      %get3A_434 = arith.index_cast %add3A_410 : i32 to index
      %get3A_435 = arith.constant 48 : index
      %get3A_436 = tpu.vector_load %arg6[%get3A_433, %get3A_434, %get3A_435] {strides = array<i32>} : memref<4x104x64xf32, #tpu.memory_space<vmem>>, vector<1x1x16xf32>,
      %get3A_437 = vector.shape_cast %get3A_436 : vector<1x1x16xf32> to vector<16xf32>
      %max3A_438 = arith.maximumf %max3A_406, %get3A_437 : vector<16xf32>
      %mul3A_439 = arith.constant 8 : i32
      %mul3A_440 = arith.muli %scan3A_276, %mul3A_439 : i32
      %add3A_441 = arith.constant 5 : i32
      %add3A_442 = arith.addi %mul3A_440, %add3A_441 : i32
      %get3A_443 = arith.constant 2 : i32
      %get3A_444 = arith.index_cast %get3A_443 : i32 to index
      %get3A_445 = arith.index_cast %add3A_442 : i32 to index
      %get3A_446 = arith.constant 0 : index
      %get3A_447 = tpu.vector_load %arg6[%get3A_444, %get3A_445, %get3A_446] {strides = array<i32>} : memref<4x104x64xf32, #tpu.memory_space<vmem>>, vector<1x1x16xf32>,
      %get3A_448 = vector.shape_cast %get3A_447 : vector<1x1x16xf32> to vector<16xf32>
      %max3A_449 = arith.maximumf %max3A_417, %get3A_448 : vector<16xf32>
      %get3A_450 = arith.constant 2 : i32
      %get3A_451 = arith.index_cast %get3A_450 : i32 to index
      %get3A_452 = arith.index_cast %add3A_442 : i32 to index
      %get3A_453 = arith.constant 16 : index
      %get3A_454 = tpu.vector_load %arg6[%get3A_451, %get3A_452, %get3A_453] {strides = array<i32>} : memref<4x104x64xf32, #tpu.memory_space<vmem>>, vector<1x1x16xf32>,
      %get3A_455 = vector.shape_cast %get3A_454 : vector<1x1x16xf32> to vector<16xf32>
      %max3A_456 = arith.maximumf %max3A_424, %get3A_455 : vector<16xf32>
      %get3A_457 = arith.constant 2 : i32
      %get3A_458 = arith.index_cast %get3A_457 : i32 to index
      %get3A_459 = arith.index_cast %add3A_442 : i32 to index
      %get3A_460 = arith.constant 32 : index
      %get3A_461 = tpu.vector_load %arg6[%get3A_458, %get3A_459, %get3A_460] {strides = array<i32>} : memref<4x104x64xf32, #tpu.memory_space<vmem>>, vector<1x1x16xf32>,
      %get3A_462 = vector.shape_cast %get3A_461 : vector<1x1x16xf32> to vector<16xf32>
      %max3A_463 = arith.maximumf %max3A_431, %get3A_462 : vector<16xf32>
      %get3A_464 = arith.constant 2 : i32
      %get3A_465 = arith.index_cast %get3A_464 : i32 to index
      %get3A_466 = arith.index_cast %add3A_442 : i32 to index
      %get3A_467 = arith.constant 48 : index
      %get3A_468 = tpu.vector_load %arg6[%get3A_465, %get3A_466, %get3A_467] {strides = array<i32>} : memref<4x104x64xf32, #tpu.memory_space<vmem>>, vector<1x1x16xf32>,
      %get3A_469 = vector.shape_cast %get3A_468 : vector<1x1x16xf32> to vector<16xf32>
      %max3A_470 = arith.maximumf %max3A_438, %get3A_469 : vector<16xf32>
      %mul3A_471 = arith.constant 8 : i32
      %mul3A_472 = arith.muli %scan3A_276, %mul3A_471 : i32
      %add3A_473 = arith.constant 6 : i32
      %add3A_474 = arith.addi %mul3A_472, %add3A_473 : i32
      %get3A_475 = arith.constant 2 : i32
      %get3A_476 = arith.index_cast %get3A_475 : i32 to index
      %get3A_477 = arith.index_cast %add3A_474 : i32 to index
      %get3A_478 = arith.constant 0 : index
      %get3A_479 = tpu.vector_load %arg6[%get3A_476, %get3A_477, %get3A_478] {strides = array<i32>} : memref<4x104x64xf32, #tpu.memory_space<vmem>>, vector<1x1x16xf32>,
      %get3A_480 = vector.shape_cast %get3A_479 : vector<1x1x16xf32> to vector<16xf32>
      %max3A_481 = arith.maximumf %max3A_449, %get3A_480 : vector<16xf32>
      %get3A_482 = arith.constant 2 : i32
      %get3A_483 = arith.index_cast %get3A_482 : i32 to index
      %get3A_484 = arith.index_cast %add3A_474 : i32 to index
      %get3A_485 = arith.constant 16 : index
      %get3A_486 = tpu.vector_load %arg6[%get3A_483, %get3A_484, %get3A_485] {strides = array<i32>} : memref<4x104x64xf32, #tpu.memory_space<vmem>>, vector<1x1x16xf32>,
      %get3A_487 = vector.shape_cast %get3A_486 : vector<1x1x16xf32> to vector<16xf32>
      %max3A_488 = arith.maximumf %max3A_456, %get3A_487 : vector<16xf32>
      %get3A_489 = arith.constant 2 : i32
      %get3A_490 = arith.index_cast %get3A_489 : i32 to index
      %get3A_491 = arith.index_cast %add3A_474 : i32 to index
      %get3A_492 = arith.constant 32 : index
      %get3A_493 = tpu.vector_load %arg6[%get3A_490, %get3A_491, %get3A_492] {strides = array<i32>} : memref<4x104x64xf32, #tpu.memory_space<vmem>>, vector<1x1x16xf32>,
      %get3A_494 = vector.shape_cast %get3A_493 : vector<1x1x16xf32> to vector<16xf32>
      %max3A_495 = arith.maximumf %max3A_463, %get3A_494 : vector<16xf32>
      %get3A_496 = arith.constant 2 : i32
      %get3A_497 = arith.index_cast %get3A_496 : i32 to index
      %get3A_498 = arith.index_cast %add3A_474 : i32 to index
      %get3A_499 = arith.constant 48 : index
      %get3A_500 = tpu.vector_load %arg6[%get3A_497, %get3A_498, %get3A_499] {strides = array<i32>} : memref<4x104x64xf32, #tpu.memory_space<vmem>>, vector<1x1x16xf32>,
      %get3A_501 = vector.shape_cast %get3A_500 : vector<1x1x16xf32> to vector<16xf32>
      %max3A_502 = arith.maximumf %max3A_470, %get3A_501 : vector<16xf32>
      %mul3A_503 = arith.constant 8 : i32
      %mul3A_504 = arith.muli %scan3A_276, %mul3A_503 : i32
      %add3A_505 = arith.constant 7 : i32
      %add3A_506 = arith.addi %mul3A_504, %add3A_505 : i32
      %get3A_507 = arith.constant 2 : i32
      %get3A_508 = arith.index_cast %get3A_507 : i32 to index
      %get3A_509 = arith.index_cast %add3A_506 : i32 to index
      %get3A_510 = arith.constant 0 : index
      %get3A_511 = tpu.vector_load %arg6[%get3A_508, %get3A_509, %get3A_510] {strides = array<i32>} : memref<4x104x64xf32, #tpu.memory_space<vmem>>, vector<1x1x16xf32>,
      %get3A_512 = vector.shape_cast %get3A_511 : vector<1x1x16xf32> to vector<16xf32>
      %max3A_513 = arith.maximumf %max3A_481, %get3A_512 : vector<16xf32>
      %get3A_514 = arith.constant 2 : i32
      %get3A_515 = arith.index_cast %get3A_514 : i32 to index
      %get3A_516 = arith.index_cast %add3A_506 : i32 to index
      %get3A_517 = arith.constant 16 : index
      %get3A_518 = tpu.vector_load %arg6[%get3A_515, %get3A_516, %get3A_517] {strides = array<i32>} : memref<4x104x64xf32, #tpu.memory_space<vmem>>, vector<1x1x16xf32>,
      %get3A_519 = vector.shape_cast %get3A_518 : vector<1x1x16xf32> to vector<16xf32>
      %max3A_520 = arith.maximumf %max3A_488, %get3A_519 : vector<16xf32>
      %get3A_521 = arith.constant 2 : i32
      %get3A_522 = arith.index_cast %get3A_521 : i32 to index
      %get3A_523 = arith.index_cast %add3A_506 : i32 to index
      %get3A_524 = arith.constant 32 : index
      %get3A_525 = tpu.vector_load %arg6[%get3A_522, %get3A_523, %get3A_524] {strides = array<i32>} : memref<4x104x64xf32, #tpu.memory_space<vmem>>, vector<1x1x16xf32>,
      %get3A_526 = vector.shape_cast %get3A_525 : vector<1x1x16xf32> to vector<16xf32>
      %max3A_527 = arith.maximumf %max3A_495, %get3A_526 : vector<16xf32>
      %get3A_528 = arith.constant 2 : i32
      %get3A_529 = arith.index_cast %get3A_528 : i32 to index
      %get3A_530 = arith.index_cast %add3A_506 : i32 to index
      %get3A_531 = arith.constant 48 : index
      %get3A_532 = tpu.vector_load %arg6[%get3A_529, %get3A_530, %get3A_531] {strides = array<i32>} : memref<4x104x64xf32, #tpu.memory_space<vmem>>, vector<1x1x16xf32>,
      %get3A_533 = vector.shape_cast %get3A_532 : vector<1x1x16xf32> to vector<16xf32>
      %max3A_534 = arith.maximumf %max3A_502, %get3A_533 : vector<16xf32>
      scf.yield %max3A_513, %max3A_520, %max3A_527, %max3A_534 : vector<16xf32>, vector<16xf32>, vector<16xf32>, vector<16xf32>
    }
    %scan3A_179 = arith.constant 13 : i32
    %dma_wait3A_180 = arith.constant 255 : i32
    %dma_wait3A_181 = arith.constant 3 : i32
    %dma_wait3A_182 = arith.constant 0 : i32
    %dma_wait3A_183 = arith.constant 0 : i32
    %dma_wait3A_184 = tpu.memref_slice %arg6[%dma_wait3A_181, %dma_wait3A_182, %dma_wait3A_183] : memref<4x104x64xf32, #tpu.memory_space<vmem>> -> memref<1x104x64xf32, #tpu.memory_space<vmem>>
    %dma_wait3A_185 = tpu.memref_squeeze %dma_wait3A_184 : memref<1x104x64xf32, #tpu.memory_space<vmem>> -> memref<104x64xf32, #tpu.memory_space<vmem>>
    %dma_wait3A_186 = arith.constant 0 : i32
    %dma_wait3A_187 = tpu.memref_slice %arg5[%dma_wait3A_180, %dma_wait3A_186] : memref<256x104xi32, #tpu.memory_space<vmem>> -> memref<1x104xi32, #tpu.memory_space<vmem>>
    %dma_wait3A_188 = tpu.memref_squeeze %dma_wait3A_187 : memref<1x104xi32, #tpu.memory_space<vmem>> -> memref<104xi32, #tpu.memory_space<vmem>>
    %dma_wait3A_189 = arith.constant 0 : i32
    %dma_wait3A_190 = arith.constant 0 : i32
    %dma_wait3A_191 = tpu.memref_slice %arg3[%dma_wait3A_189, %dma_wait3A_190] : memref<1000000x64xf32, #tpu.memory_space<hbm>> -> memref<1000000x64xf32, #tpu.memory_space<hbm>>
    tpu.wait_indirect_dma semaphore(%arg11 : memref<!tpu.dma_semaphore, #tpu.memory_space<semaphore_mem>>) src(%dma_wait3A_191 : memref<1000000x64xf32, #tpu.memory_space<hbm>>) dst(%dma_wait3A_185 : memref<104x64xf32, #tpu.memory_space<vmem>>)
    %scan3A_192 = arith.constant 0 : i32
    %scan3A_193 = arith.constant 13 : i32
    %scan3A_194 = arith.addi %scan3A_192, %scan3A_193 : i32
    %scan3A_195 = arith.constant 1 : i32
    %scan3A_196:4 = scf.for %scan3A_276 = %scan3A_192 to %scan3A_194 step %scan3A_195 iter_args(%scan3A_277 = %scan3A_178#0, %scan3A_278 = %scan3A_178#1, %scan3A_279 = %scan3A_178#2, %scan3A_280 = %scan3A_178#3) -> (vector<16xf32>, vector<16xf32>, vector<16xf32>, vector<16xf32>)  : i32 {
      %mul3A_281 = arith.constant 8 : i32
      %mul3A_282 = arith.muli %scan3A_276, %mul3A_281 : i32
      %add3A_283 = arith.constant 0 : i32
      %add3A_284 = arith.addi %mul3A_282, %add3A_283 : i32
      %get3A = arith.constant 3 : i32
      %get3A_285 = arith.index_cast %get3A : i32 to index
      %get3A_286 = arith.index_cast %add3A_284 : i32 to index
      %get3A_287 = arith.constant 0 : index
      %get3A_288 = tpu.vector_load %arg6[%get3A_285, %get3A_286, %get3A_287] {strides = array<i32>} : memref<4x104x64xf32, #tpu.memory_space<vmem>>, vector<1x1x16xf32>,
      %get3A_289 = vector.shape_cast %get3A_288 : vector<1x1x16xf32> to vector<16xf32>
      %max3A = arith.maximumf %scan3A_277, %get3A_289 : vector<16xf32>
      %get3A_290 = arith.constant 3 : i32
      %get3A_291 = arith.index_cast %get3A_290 : i32 to index
      %get3A_292 = arith.index_cast %add3A_284 : i32 to index
      %get3A_293 = arith.constant 16 : index
      %get3A_294 = tpu.vector_load %arg6[%get3A_291, %get3A_292, %get3A_293] {strides = array<i32>} : memref<4x104x64xf32, #tpu.memory_space<vmem>>, vector<1x1x16xf32>,
      %get3A_295 = vector.shape_cast %get3A_294 : vector<1x1x16xf32> to vector<16xf32>
      %max3A_296 = arith.maximumf %scan3A_278, %get3A_295 : vector<16xf32>
      %get3A_297 = arith.constant 3 : i32
      %get3A_298 = arith.index_cast %get3A_297 : i32 to index
      %get3A_299 = arith.index_cast %add3A_284 : i32 to index
      %get3A_300 = arith.constant 32 : index
      %get3A_301 = tpu.vector_load %arg6[%get3A_298, %get3A_299, %get3A_300] {strides = array<i32>} : memref<4x104x64xf32, #tpu.memory_space<vmem>>, vector<1x1x16xf32>,
      %get3A_302 = vector.shape_cast %get3A_301 : vector<1x1x16xf32> to vector<16xf32>
      %max3A_303 = arith.maximumf %scan3A_279, %get3A_302 : vector<16xf32>
      %get3A_304 = arith.constant 3 : i32
      %get3A_305 = arith.index_cast %get3A_304 : i32 to index
      %get3A_306 = arith.index_cast %add3A_284 : i32 to index
      %get3A_307 = arith.constant 48 : index
      %get3A_308 = tpu.vector_load %arg6[%get3A_305, %get3A_306, %get3A_307] {strides = array<i32>} : memref<4x104x64xf32, #tpu.memory_space<vmem>>, vector<1x1x16xf32>,
      %get3A_309 = vector.shape_cast %get3A_308 : vector<1x1x16xf32> to vector<16xf32>
      %max3A_310 = arith.maximumf %scan3A_280, %get3A_309 : vector<16xf32>
      %mul3A_311 = arith.constant 8 : i32
      %mul3A_312 = arith.muli %scan3A_276, %mul3A_311 : i32
      %add3A_313 = arith.constant 1 : i32
      %add3A_314 = arith.addi %mul3A_312, %add3A_313 : i32
      %get3A_315 = arith.constant 3 : i32
      %get3A_316 = arith.index_cast %get3A_315 : i32 to index
      %get3A_317 = arith.index_cast %add3A_314 : i32 to index
      %get3A_318 = arith.constant 0 : index
      %get3A_319 = tpu.vector_load %arg6[%get3A_316, %get3A_317, %get3A_318] {strides = array<i32>} : memref<4x104x64xf32, #tpu.memory_space<vmem>>, vector<1x1x16xf32>,
      %get3A_320 = vector.shape_cast %get3A_319 : vector<1x1x16xf32> to vector<16xf32>
      %max3A_321 = arith.maximumf %max3A, %get3A_320 : vector<16xf32>
      %get3A_322 = arith.constant 3 : i32
      %get3A_323 = arith.index_cast %get3A_322 : i32 to index
      %get3A_324 = arith.index_cast %add3A_314 : i32 to index
      %get3A_325 = arith.constant 16 : index
      %get3A_326 = tpu.vector_load %arg6[%get3A_323, %get3A_324, %get3A_325] {strides = array<i32>} : memref<4x104x64xf32, #tpu.memory_space<vmem>>, vector<1x1x16xf32>,
      %get3A_327 = vector.shape_cast %get3A_326 : vector<1x1x16xf32> to vector<16xf32>
      %max3A_328 = arith.maximumf %max3A_296, %get3A_327 : vector<16xf32>
      %get3A_329 = arith.constant 3 : i32
      %get3A_330 = arith.index_cast %get3A_329 : i32 to index
      %get3A_331 = arith.index_cast %add3A_314 : i32 to index
      %get3A_332 = arith.constant 32 : index
      %get3A_333 = tpu.vector_load %arg6[%get3A_330, %get3A_331, %get3A_332] {strides = array<i32>} : memref<4x104x64xf32, #tpu.memory_space<vmem>>, vector<1x1x16xf32>,
      %get3A_334 = vector.shape_cast %get3A_333 : vector<1x1x16xf32> to vector<16xf32>
      %max3A_335 = arith.maximumf %max3A_303, %get3A_334 : vector<16xf32>
      %get3A_336 = arith.constant 3 : i32
      %get3A_337 = arith.index_cast %get3A_336 : i32 to index
      %get3A_338 = arith.index_cast %add3A_314 : i32 to index
      %get3A_339 = arith.constant 48 : index
      %get3A_340 = tpu.vector_load %arg6[%get3A_337, %get3A_338, %get3A_339] {strides = array<i32>} : memref<4x104x64xf32, #tpu.memory_space<vmem>>, vector<1x1x16xf32>,
      %get3A_341 = vector.shape_cast %get3A_340 : vector<1x1x16xf32> to vector<16xf32>
      %max3A_342 = arith.maximumf %max3A_310, %get3A_341 : vector<16xf32>
      %mul3A_343 = arith.constant 8 : i32
      %mul3A_344 = arith.muli %scan3A_276, %mul3A_343 : i32
      %add3A_345 = arith.constant 2 : i32
      %add3A_346 = arith.addi %mul3A_344, %add3A_345 : i32
      %get3A_347 = arith.constant 3 : i32
      %get3A_348 = arith.index_cast %get3A_347 : i32 to index
      %get3A_349 = arith.index_cast %add3A_346 : i32 to index
      %get3A_350 = arith.constant 0 : index
      %get3A_351 = tpu.vector_load %arg6[%get3A_348, %get3A_349, %get3A_350] {strides = array<i32>} : memref<4x104x64xf32, #tpu.memory_space<vmem>>, vector<1x1x16xf32>,
      %get3A_352 = vector.shape_cast %get3A_351 : vector<1x1x16xf32> to vector<16xf32>
      %max3A_353 = arith.maximumf %max3A_321, %get3A_352 : vector<16xf32>
      %get3A_354 = arith.constant 3 : i32
      %get3A_355 = arith.index_cast %get3A_354 : i32 to index
      %get3A_356 = arith.index_cast %add3A_346 : i32 to index
      %get3A_357 = arith.constant 16 : index
      %get3A_358 = tpu.vector_load %arg6[%get3A_355, %get3A_356, %get3A_357] {strides = array<i32>} : memref<4x104x64xf32, #tpu.memory_space<vmem>>, vector<1x1x16xf32>,
      %get3A_359 = vector.shape_cast %get3A_358 : vector<1x1x16xf32> to vector<16xf32>
      %max3A_360 = arith.maximumf %max3A_328, %get3A_359 : vector<16xf32>
      %get3A_361 = arith.constant 3 : i32
      %get3A_362 = arith.index_cast %get3A_361 : i32 to index
      %get3A_363 = arith.index_cast %add3A_346 : i32 to index
      %get3A_364 = arith.constant 32 : index
      %get3A_365 = tpu.vector_load %arg6[%get3A_362, %get3A_363, %get3A_364] {strides = array<i32>} : memref<4x104x64xf32, #tpu.memory_space<vmem>>, vector<1x1x16xf32>,
      %get3A_366 = vector.shape_cast %get3A_365 : vector<1x1x16xf32> to vector<16xf32>
      %max3A_367 = arith.maximumf %max3A_335, %get3A_366 : vector<16xf32>
      %get3A_368 = arith.constant 3 : i32
      %get3A_369 = arith.index_cast %get3A_368 : i32 to index
      %get3A_370 = arith.index_cast %add3A_346 : i32 to index
      %get3A_371 = arith.constant 48 : index
      %get3A_372 = tpu.vector_load %arg6[%get3A_369, %get3A_370, %get3A_371] {strides = array<i32>} : memref<4x104x64xf32, #tpu.memory_space<vmem>>, vector<1x1x16xf32>,
      %get3A_373 = vector.shape_cast %get3A_372 : vector<1x1x16xf32> to vector<16xf32>
      %max3A_374 = arith.maximumf %max3A_342, %get3A_373 : vector<16xf32>
      %mul3A_375 = arith.constant 8 : i32
      %mul3A_376 = arith.muli %scan3A_276, %mul3A_375 : i32
      %add3A_377 = arith.constant 3 : i32
      %add3A_378 = arith.addi %mul3A_376, %add3A_377 : i32
      %get3A_379 = arith.constant 3 : i32
      %get3A_380 = arith.index_cast %get3A_379 : i32 to index
      %get3A_381 = arith.index_cast %add3A_378 : i32 to index
      %get3A_382 = arith.constant 0 : index
      %get3A_383 = tpu.vector_load %arg6[%get3A_380, %get3A_381, %get3A_382] {strides = array<i32>} : memref<4x104x64xf32, #tpu.memory_space<vmem>>, vector<1x1x16xf32>,
      %get3A_384 = vector.shape_cast %get3A_383 : vector<1x1x16xf32> to vector<16xf32>
      %max3A_385 = arith.maximumf %max3A_353, %get3A_384 : vector<16xf32>
      %get3A_386 = arith.constant 3 : i32
      %get3A_387 = arith.index_cast %get3A_386 : i32 to index
      %get3A_388 = arith.index_cast %add3A_378 : i32 to index
      %get3A_389 = arith.constant 16 : index
      %get3A_390 = tpu.vector_load %arg6[%get3A_387, %get3A_388, %get3A_389] {strides = array<i32>} : memref<4x104x64xf32, #tpu.memory_space<vmem>>, vector<1x1x16xf32>,
      %get3A_391 = vector.shape_cast %get3A_390 : vector<1x1x16xf32> to vector<16xf32>
      %max3A_392 = arith.maximumf %max3A_360, %get3A_391 : vector<16xf32>
      %get3A_393 = arith.constant 3 : i32
      %get3A_394 = arith.index_cast %get3A_393 : i32 to index
      %get3A_395 = arith.index_cast %add3A_378 : i32 to index
      %get3A_396 = arith.constant 32 : index
      %get3A_397 = tpu.vector_load %arg6[%get3A_394, %get3A_395, %get3A_396] {strides = array<i32>} : memref<4x104x64xf32, #tpu.memory_space<vmem>>, vector<1x1x16xf32>,
      %get3A_398 = vector.shape_cast %get3A_397 : vector<1x1x16xf32> to vector<16xf32>
      %max3A_399 = arith.maximumf %max3A_367, %get3A_398 : vector<16xf32>
      %get3A_400 = arith.constant 3 : i32
      %get3A_401 = arith.index_cast %get3A_400 : i32 to index
      %get3A_402 = arith.index_cast %add3A_378 : i32 to index
      %get3A_403 = arith.constant 48 : index
      %get3A_404 = tpu.vector_load %arg6[%get3A_401, %get3A_402, %get3A_403] {strides = array<i32>} : memref<4x104x64xf32, #tpu.memory_space<vmem>>, vector<1x1x16xf32>,
      %get3A_405 = vector.shape_cast %get3A_404 : vector<1x1x16xf32> to vector<16xf32>
      %max3A_406 = arith.maximumf %max3A_374, %get3A_405 : vector<16xf32>
      %mul3A_407 = arith.constant 8 : i32
      %mul3A_408 = arith.muli %scan3A_276, %mul3A_407 : i32
      %add3A_409 = arith.constant 4 : i32
      %add3A_410 = arith.addi %mul3A_408, %add3A_409 : i32
      %get3A_411 = arith.constant 3 : i32
      %get3A_412 = arith.index_cast %get3A_411 : i32 to index
      %get3A_413 = arith.index_cast %add3A_410 : i32 to index
      %get3A_414 = arith.constant 0 : index
      %get3A_415 = tpu.vector_load %arg6[%get3A_412, %get3A_413, %get3A_414] {strides = array<i32>} : memref<4x104x64xf32, #tpu.memory_space<vmem>>, vector<1x1x16xf32>,
      %get3A_416 = vector.shape_cast %get3A_415 : vector<1x1x16xf32> to vector<16xf32>
      %max3A_417 = arith.maximumf %max3A_385, %get3A_416 : vector<16xf32>
      %get3A_418 = arith.constant 3 : i32
      %get3A_419 = arith.index_cast %get3A_418 : i32 to index
      %get3A_420 = arith.index_cast %add3A_410 : i32 to index
      %get3A_421 = arith.constant 16 : index
      %get3A_422 = tpu.vector_load %arg6[%get3A_419, %get3A_420, %get3A_421] {strides = array<i32>} : memref<4x104x64xf32, #tpu.memory_space<vmem>>, vector<1x1x16xf32>,
      %get3A_423 = vector.shape_cast %get3A_422 : vector<1x1x16xf32> to vector<16xf32>
      %max3A_424 = arith.maximumf %max3A_392, %get3A_423 : vector<16xf32>
      %get3A_425 = arith.constant 3 : i32
      %get3A_426 = arith.index_cast %get3A_425 : i32 to index
      %get3A_427 = arith.index_cast %add3A_410 : i32 to index
      %get3A_428 = arith.constant 32 : index
      %get3A_429 = tpu.vector_load %arg6[%get3A_426, %get3A_427, %get3A_428] {strides = array<i32>} : memref<4x104x64xf32, #tpu.memory_space<vmem>>, vector<1x1x16xf32>,
      %get3A_430 = vector.shape_cast %get3A_429 : vector<1x1x16xf32> to vector<16xf32>
      %max3A_431 = arith.maximumf %max3A_399, %get3A_430 : vector<16xf32>
      %get3A_432 = arith.constant 3 : i32
      %get3A_433 = arith.index_cast %get3A_432 : i32 to index
      %get3A_434 = arith.index_cast %add3A_410 : i32 to index
      %get3A_435 = arith.constant 48 : index
      %get3A_436 = tpu.vector_load %arg6[%get3A_433, %get3A_434, %get3A_435] {strides = array<i32>} : memref<4x104x64xf32, #tpu.memory_space<vmem>>, vector<1x1x16xf32>,
      %get3A_437 = vector.shape_cast %get3A_436 : vector<1x1x16xf32> to vector<16xf32>
      %max3A_438 = arith.maximumf %max3A_406, %get3A_437 : vector<16xf32>
      %mul3A_439 = arith.constant 8 : i32
      %mul3A_440 = arith.muli %scan3A_276, %mul3A_439 : i32
      %add3A_441 = arith.constant 5 : i32
      %add3A_442 = arith.addi %mul3A_440, %add3A_441 : i32
      %get3A_443 = arith.constant 3 : i32
      %get3A_444 = arith.index_cast %get3A_443 : i32 to index
      %get3A_445 = arith.index_cast %add3A_442 : i32 to index
      %get3A_446 = arith.constant 0 : index
      %get3A_447 = tpu.vector_load %arg6[%get3A_444, %get3A_445, %get3A_446] {strides = array<i32>} : memref<4x104x64xf32, #tpu.memory_space<vmem>>, vector<1x1x16xf32>,
      %get3A_448 = vector.shape_cast %get3A_447 : vector<1x1x16xf32> to vector<16xf32>
      %max3A_449 = arith.maximumf %max3A_417, %get3A_448 : vector<16xf32>
      %get3A_450 = arith.constant 3 : i32
      %get3A_451 = arith.index_cast %get3A_450 : i32 to index
      %get3A_452 = arith.index_cast %add3A_442 : i32 to index
      %get3A_453 = arith.constant 16 : index
      %get3A_454 = tpu.vector_load %arg6[%get3A_451, %get3A_452, %get3A_453] {strides = array<i32>} : memref<4x104x64xf32, #tpu.memory_space<vmem>>, vector<1x1x16xf32>,
      %get3A_455 = vector.shape_cast %get3A_454 : vector<1x1x16xf32> to vector<16xf32>
      %max3A_456 = arith.maximumf %max3A_424, %get3A_455 : vector<16xf32>
      %get3A_457 = arith.constant 3 : i32
      %get3A_458 = arith.index_cast %get3A_457 : i32 to index
      %get3A_459 = arith.index_cast %add3A_442 : i32 to index
      %get3A_460 = arith.constant 32 : index
      %get3A_461 = tpu.vector_load %arg6[%get3A_458, %get3A_459, %get3A_460] {strides = array<i32>} : memref<4x104x64xf32, #tpu.memory_space<vmem>>, vector<1x1x16xf32>,
      %get3A_462 = vector.shape_cast %get3A_461 : vector<1x1x16xf32> to vector<16xf32>
      %max3A_463 = arith.maximumf %max3A_431, %get3A_462 : vector<16xf32>
      %get3A_464 = arith.constant 3 : i32
      %get3A_465 = arith.index_cast %get3A_464 : i32 to index
      %get3A_466 = arith.index_cast %add3A_442 : i32 to index
      %get3A_467 = arith.constant 48 : index
      %get3A_468 = tpu.vector_load %arg6[%get3A_465, %get3A_466, %get3A_467] {strides = array<i32>} : memref<4x104x64xf32, #tpu.memory_space<vmem>>, vector<1x1x16xf32>,
      %get3A_469 = vector.shape_cast %get3A_468 : vector<1x1x16xf32> to vector<16xf32>
      %max3A_470 = arith.maximumf %max3A_438, %get3A_469 : vector<16xf32>
      %mul3A_471 = arith.constant 8 : i32
      %mul3A_472 = arith.muli %scan3A_276, %mul3A_471 : i32
      %add3A_473 = arith.constant 6 : i32
      %add3A_474 = arith.addi %mul3A_472, %add3A_473 : i32
      %get3A_475 = arith.constant 3 : i32
      %get3A_476 = arith.index_cast %get3A_475 : i32 to index
      %get3A_477 = arith.index_cast %add3A_474 : i32 to index
      %get3A_478 = arith.constant 0 : index
      %get3A_479 = tpu.vector_load %arg6[%get3A_476, %get3A_477, %get3A_478] {strides = array<i32>} : memref<4x104x64xf32, #tpu.memory_space<vmem>>, vector<1x1x16xf32>,
      %get3A_480 = vector.shape_cast %get3A_479 : vector<1x1x16xf32> to vector<16xf32>
      %max3A_481 = arith.maximumf %max3A_449, %get3A_480 : vector<16xf32>
      %get3A_482 = arith.constant 3 : i32
      %get3A_483 = arith.index_cast %get3A_482 : i32 to index
      %get3A_484 = arith.index_cast %add3A_474 : i32 to index
      %get3A_485 = arith.constant 16 : index
      %get3A_486 = tpu.vector_load %arg6[%get3A_483, %get3A_484, %get3A_485] {strides = array<i32>} : memref<4x104x64xf32, #tpu.memory_space<vmem>>, vector<1x1x16xf32>,
      %get3A_487 = vector.shape_cast %get3A_486 : vector<1x1x16xf32> to vector<16xf32>
      %max3A_488 = arith.maximumf %max3A_456, %get3A_487 : vector<16xf32>
      %get3A_489 = arith.constant 3 : i32
      %get3A_490 = arith.index_cast %get3A_489 : i32 to index
      %get3A_491 = arith.index_cast %add3A_474 : i32 to index
      %get3A_492 = arith.constant 32 : index
      %get3A_493 = tpu.vector_load %arg6[%get3A_490, %get3A_491, %get3A_492] {strides = array<i32>} : memref<4x104x64xf32, #tpu.memory_space<vmem>>, vector<1x1x16xf32>,
      %get3A_494 = vector.shape_cast %get3A_493 : vector<1x1x16xf32> to vector<16xf32>
      %max3A_495 = arith.maximumf %max3A_463, %get3A_494 : vector<16xf32>
      %get3A_496 = arith.constant 3 : i32
      %get3A_497 = arith.index_cast %get3A_496 : i32 to index
      %get3A_498 = arith.index_cast %add3A_474 : i32 to index
      %get3A_499 = arith.constant 48 : index
      %get3A_500 = tpu.vector_load %arg6[%get3A_497, %get3A_498, %get3A_499] {strides = array<i32>} : memref<4x104x64xf32, #tpu.memory_space<vmem>>, vector<1x1x16xf32>,
      %get3A_501 = vector.shape_cast %get3A_500 : vector<1x1x16xf32> to vector<16xf32>
      %max3A_502 = arith.maximumf %max3A_470, %get3A_501 : vector<16xf32>
      %mul3A_503 = arith.constant 8 : i32
      %mul3A_504 = arith.muli %scan3A_276, %mul3A_503 : i32
      %add3A_505 = arith.constant 7 : i32
      %add3A_506 = arith.addi %mul3A_504, %add3A_505 : i32
      %get3A_507 = arith.constant 3 : i32
      %get3A_508 = arith.index_cast %get3A_507 : i32 to index
      %get3A_509 = arith.index_cast %add3A_506 : i32 to index
      %get3A_510 = arith.constant 0 : index
      %get3A_511 = tpu.vector_load %arg6[%get3A_508, %get3A_509, %get3A_510] {strides = array<i32>} : memref<4x104x64xf32, #tpu.memory_space<vmem>>, vector<1x1x16xf32>,
      %get3A_512 = vector.shape_cast %get3A_511 : vector<1x1x16xf32> to vector<16xf32>
      %max3A_513 = arith.maximumf %max3A_481, %get3A_512 : vector<16xf32>
      %get3A_514 = arith.constant 3 : i32
      %get3A_515 = arith.index_cast %get3A_514 : i32 to index
      %get3A_516 = arith.index_cast %add3A_506 : i32 to index
      %get3A_517 = arith.constant 16 : index
      %get3A_518 = tpu.vector_load %arg6[%get3A_515, %get3A_516, %get3A_517] {strides = array<i32>} : memref<4x104x64xf32, #tpu.memory_space<vmem>>, vector<1x1x16xf32>,
      %get3A_519 = vector.shape_cast %get3A_518 : vector<1x1x16xf32> to vector<16xf32>
      %max3A_520 = arith.maximumf %max3A_488, %get3A_519 : vector<16xf32>
      %get3A_521 = arith.constant 3 : i32
      %get3A_522 = arith.index_cast %get3A_521 : i32 to index
      %get3A_523 = arith.index_cast %add3A_506 : i32 to index
      %get3A_524 = arith.constant 32 : index
      %get3A_525 = tpu.vector_load %arg6[%get3A_522, %get3A_523, %get3A_524] {strides = array<i32>} : memref<4x104x64xf32, #tpu.memory_space<vmem>>, vector<1x1x16xf32>,
      %get3A_526 = vector.shape_cast %get3A_525 : vector<1x1x16xf32> to vector<16xf32>
      %max3A_527 = arith.maximumf %max3A_495, %get3A_526 : vector<16xf32>
      %get3A_528 = arith.constant 3 : i32
      %get3A_529 = arith.index_cast %get3A_528 : i32 to index
      %get3A_530 = arith.index_cast %add3A_506 : i32 to index
      %get3A_531 = arith.constant 48 : index
      %get3A_532 = tpu.vector_load %arg6[%get3A_529, %get3A_530, %get3A_531] {strides = array<i32>} : memref<4x104x64xf32, #tpu.memory_space<vmem>>, vector<1x1x16xf32>,
      %get3A_533 = vector.shape_cast %get3A_532 : vector<1x1x16xf32> to vector<16xf32>
      %max3A_534 = arith.maximumf %max3A_502, %get3A_533 : vector<16xf32>
      scf.yield %max3A_513, %max3A_520, %max3A_527, %max3A_534 : vector<16xf32>, vector<16xf32>, vector<16xf32>, vector<16xf32>
    }
    %scan3A_197 = arith.constant 13 : i32
    %mul3A_198 = arith.constant 2.000000e+00 : f32
    %mul3A_199 = vector.broadcast %mul3A_198 : f32 to vector<16xf32>
    %mul3A_200 = arith.mulf %mul3A_199, %scan3A_196#0 : vector<16xf32>
    %exp3A_201 = math.exp %mul3A_200 : vector<16xf32>
    %add3A_202 = arith.constant 1.000000e+00 : f32
    %add3A_203 = vector.broadcast %add3A_202 : f32 to vector<16xf32>
    %add3A_204 = arith.addf %exp3A_201, %add3A_203 : vector<16xf32>
    %div3A_205 = arith.constant 2.000000e+00 : f32
    %div3A_206 = vector.broadcast %div3A_205 : f32 to vector<16xf32>
    %div3A_207 = arith.divf %div3A_206, %add3A_204 : vector<16xf32>
    %sub3A_208 = arith.constant 1.000000e+00 : f32
    %sub3A_209 = vector.broadcast %sub3A_208 : f32 to vector<16xf32>
    %sub3A_210 = arith.subf %sub3A_209, %div3A_207 : vector<16xf32>
    %swap3A_211 = arith.constant 127 : i32
    %swap3A_212 = arith.index_cast %swap3A_211 : i32 to index
    %swap3A_213 = arith.constant 0 : index
    %swap3A_214 = tpu.vector_load %arg7[%swap3A_212, %swap3A_213] {strides = array<i32>} : memref<128x64xf32, #tpu.memory_space<vmem>>, vector<1x16xf32>,
    %swap3A_215 = vector.shape_cast %swap3A_214 : vector<1x16xf32> to vector<16xf32>
    %swap3A_216 = vector.shape_cast %sub3A_210 : vector<16xf32> to vector<1x16xf32>
    tpu.vector_store %arg7[%swap3A_212, %swap3A_213], %swap3A_216 {strides = array<i32>} : memref<128x64xf32, #tpu.memory_space<vmem>>, vector<1x16xf32>,
    %mul3A_217 = arith.constant 2.000000e+00 : f32
    %mul3A_218 = vector.broadcast %mul3A_217 : f32 to vector<16xf32>
    %mul3A_219 = arith.mulf %mul3A_218, %scan3A_196#1 : vector<16xf32>
    %exp3A_220 = math.exp %mul3A_219 : vector<16xf32>
    %add3A_221 = arith.constant 1.000000e+00 : f32
    %add3A_222 = vector.broadcast %add3A_221 : f32 to vector<16xf32>
    %add3A_223 = arith.addf %exp3A_220, %add3A_222 : vector<16xf32>
    %div3A_224 = arith.constant 2.000000e+00 : f32
    %div3A_225 = vector.broadcast %div3A_224 : f32 to vector<16xf32>
    %div3A_226 = arith.divf %div3A_225, %add3A_223 : vector<16xf32>
    %sub3A_227 = arith.constant 1.000000e+00 : f32
    %sub3A_228 = vector.broadcast %sub3A_227 : f32 to vector<16xf32>
    %sub3A_229 = arith.subf %sub3A_228, %div3A_226 : vector<16xf32>
    %swap3A_230 = arith.constant 127 : i32
    %swap3A_231 = arith.index_cast %swap3A_230 : i32 to index
    %swap3A_232 = arith.constant 16 : index
    %swap3A_233 = tpu.vector_load %arg7[%swap3A_231, %swap3A_232] {strides = array<i32>} : memref<128x64xf32, #tpu.memory_space<vmem>>, vector<1x16xf32>,
    %swap3A_234 = vector.shape_cast %swap3A_233 : vector<1x16xf32> to vector<16xf32>
    %swap3A_235 = vector.shape_cast %sub3A_229 : vector<16xf32> to vector<1x16xf32>
    tpu.vector_store %arg7[%swap3A_231, %swap3A_232], %swap3A_235 {strides = array<i32>} : memref<128x64xf32, #tpu.memory_space<vmem>>, vector<1x16xf32>,
    %mul3A_236 = arith.constant 2.000000e+00 : f32
    %mul3A_237 = vector.broadcast %mul3A_236 : f32 to vector<16xf32>
    %mul3A_238 = arith.mulf %mul3A_237, %scan3A_196#2 : vector<16xf32>
    %exp3A_239 = math.exp %mul3A_238 : vector<16xf32>
    %add3A_240 = arith.constant 1.000000e+00 : f32
    %add3A_241 = vector.broadcast %add3A_240 : f32 to vector<16xf32>
    %add3A_242 = arith.addf %exp3A_239, %add3A_241 : vector<16xf32>
    %div3A_243 = arith.constant 2.000000e+00 : f32
    %div3A_244 = vector.broadcast %div3A_243 : f32 to vector<16xf32>
    %div3A_245 = arith.divf %div3A_244, %add3A_242 : vector<16xf32>
    %sub3A_246 = arith.constant 1.000000e+00 : f32
    %sub3A_247 = vector.broadcast %sub3A_246 : f32 to vector<16xf32>
    %sub3A_248 = arith.subf %sub3A_247, %div3A_245 : vector<16xf32>
    %swap3A_249 = arith.constant 127 : i32
    %swap3A_250 = arith.index_cast %swap3A_249 : i32 to index
    %swap3A_251 = arith.constant 32 : index
    %swap3A_252 = tpu.vector_load %arg7[%swap3A_250, %swap3A_251] {strides = array<i32>} : memref<128x64xf32, #tpu.memory_space<vmem>>, vector<1x16xf32>,
    %swap3A_253 = vector.shape_cast %swap3A_252 : vector<1x16xf32> to vector<16xf32>
    %swap3A_254 = vector.shape_cast %sub3A_248 : vector<16xf32> to vector<1x16xf32>
    tpu.vector_store %arg7[%swap3A_250, %swap3A_251], %swap3A_254 {strides = array<i32>} : memref<128x64xf32, #tpu.memory_space<vmem>>, vector<1x16xf32>,
    %mul3A_255 = arith.constant 2.000000e+00 : f32
    %mul3A_256 = vector.broadcast %mul3A_255 : f32 to vector<16xf32>
    %mul3A_257 = arith.mulf %mul3A_256, %scan3A_196#3 : vector<16xf32>
    %exp3A_258 = math.exp %mul3A_257 : vector<16xf32>
    %add3A_259 = arith.constant 1.000000e+00 : f32
    %add3A_260 = vector.broadcast %add3A_259 : f32 to vector<16xf32>
    %add3A_261 = arith.addf %exp3A_258, %add3A_260 : vector<16xf32>
    %div3A_262 = arith.constant 2.000000e+00 : f32
    %div3A_263 = vector.broadcast %div3A_262 : f32 to vector<16xf32>
    %div3A_264 = arith.divf %div3A_263, %add3A_261 : vector<16xf32>
    %sub3A_265 = arith.constant 1.000000e+00 : f32
    %sub3A_266 = vector.broadcast %sub3A_265 : f32 to vector<16xf32>
    %sub3A_267 = arith.subf %sub3A_266, %div3A_264 : vector<16xf32>
    %swap3A_268 = arith.constant 127 : i32
    %swap3A_269 = arith.index_cast %swap3A_268 : i32 to index
    %swap3A_270 = arith.constant 48 : index
    %swap3A_271 = tpu.vector_load %arg7[%swap3A_269, %swap3A_270] {strides = array<i32>} : memref<128x64xf32, #tpu.memory_space<vmem>>, vector<1x16xf32>,
    %swap3A_272 = vector.shape_cast %swap3A_271 : vector<1x16xf32> to vector<16xf32>
    %swap3A_273 = vector.shape_cast %sub3A_267 : vector<16xf32> to vector<1x16xf32>
    tpu.vector_store %arg7[%swap3A_269, %swap3A_270], %swap3A_273 {strides = array<i32>} : memref<128x64xf32, #tpu.memory_space<vmem>>, vector<1x16xf32>,
    %mul3A_274 = arith.constant 128 : i32
    %mul3A_275 = arith.muli %add3A, %mul3A_274 : i32
    "tpu.region"() ({
      %run_scoped3A = tpu.sem_alloc : memref<!tpu.dma_semaphore, #tpu.memory_space<semaphore_mem>>
      %dma_start3A_276 = arith.constant 0 : i32
      %dma_start3A_277 = tpu.memref_slice %arg4[%mul3A_275, %dma_start3A_276] : memref<4096x64xf32, #tpu.memory_space<hbm>> -> memref<128x64xf32, #tpu.memory_space<hbm>>
      %dma_start3A_278 = arith.constant 0 : i32
      %dma_start3A_279 = tpu.memref_slice %arg4[%mul3A_275, %dma_start3A_278] : memref<4096x64xf32, #tpu.memory_space<hbm>> -> memref<128x64xf32, #tpu.memory_space<hbm>>
      tpu.enqueue_dma source(%arg7 : memref<128x64xf32, #tpu.memory_space<vmem>>) target(%dma_start3A_279 : memref<128x64xf32, #tpu.memory_space<hbm>>) target_semaphore(%run_scoped3A : memref<!tpu.dma_semaphore, #tpu.memory_space<semaphore_mem>>)
      %dma_wait3A_280 = arith.constant 0 : i32
      %dma_wait3A_281 = tpu.memref_slice %arg4[%mul3A_275, %dma_wait3A_280] : memref<4096x64xf32, #tpu.memory_space<hbm>> -> memref<128x64xf32, #tpu.memory_space<hbm>>
      %dma_wait3A_282 = arith.constant 0 : i32
      %dma_wait3A_283 = tpu.memref_slice %arg4[%mul3A_275, %dma_wait3A_282] : memref<4096x64xf32, #tpu.memory_space<hbm>> -> memref<128x64xf32, #tpu.memory_space<hbm>>
      tpu.wait_dma2 semaphore(%run_scoped3A : memref<!tpu.dma_semaphore, #tpu.memory_space<semaphore_mem>>) src(%arg7 : memref<128x64xf32, #tpu.memory_space<vmem>>) dst(%dma_wait3A_283 : memref<128x64xf32, #tpu.memory_space<hbm>>)
      tpu.yield
    }) : () -> ()
    return
  }
}

</mosaic_0001>

<sc_bundles>
// kernel: kernel.3.cloned.1.call-start
scs
__scs_entry_jumppad:
0x0: {  	(pc) =	sbr.rel $0x88, $3  }
0x1: {  	(tag) =	ssettag $0x0;
	lr =	simm.s32 $0x1  }
0x2: {  	[smem:$0x3F9F] =	sst lr;
	_ =	strace $0xD0000000  }
0x3: {  	_ = 	snop  }
0x4: {  	_ = 	snop  }
0x5: {  	_ = 	snop  }
0x6: {  	_ = 	snop  }
0x7: {  	_ = 	snop  }
__scs_overlays_trampoline_lowered:
0x8: {  	[smem:$0x3FAE] =	sst s0  }
0x9: {  	[smem:$0x3FAF] =	sst s1  }
0xa: {  	[smem:$0x3FB0] =	sst s2  }
0xb: {  	[smem:$0x3FB1] =	sst s3  }
0xc: {  	[smem:$0x3FB2] =	sst s4  }
0xd: {  	[smem:$0x3FB3] =	sst s5  }
0xe: {  	[smem:$0x3FB4] =	sst s6  }
0xf: {  	[smem:$0x3FB5] =	sst s7  }
0x10: {  	[smem:$0x3FB6] =	sst s8  }
0x11: {  	[smem:$0x3FB7] =	sst s9;
	s0 =	simm.s32 @!p0 $0x0  }
0x12: {  	s1 =	sld [smem:$0x3F9D];
	s0 =	simm.s32 @p0 $0x1  }
0x13: {  	[smem:$0x3FB8] =	sst s0;
	s0 =	simm.s32 @!p1 $0x0  }
0x14: {  	s2 =	sld [smem:$0x3F9C];
	s0 =	simm.s32 @p1 $0x1  }
0x15: {  	[smem:$0x3FB9] =	sst s0;
	s0 =	simm.s32 @!p2 $0x0  }
0x16: {  	s3 =	sld [smem:$0x3FDB];
	s0 =	simm.s32 @p2 $0x1  }
0x17: {  	s4 =	simm.s32 $0x1BF5;
	[smem:$0x3FBB] =	sst s0  }
0x18: {  	s0 =	sld [smem:$0x3F9E];
	_ =	swait.ge [sflag:s4], $0x0  }
0x19: {  	s7 =	sld [smem:$0x3F9F]  }
0x1a: {  	s8 =	sadd.s32 $0xFFFFE003, lr  }
0x1b: {  	s9 =	sadd.s32 $0xFFFFFEF7, lr;
	s5 =	simm.s32 $0xFFFFFFFF;
	p2 =	slt.u32 s8, $0xFFFFF086  }
0x1c: {  	p1 =	slt.u32 s9, $0xF7A;
	s5 =	simm.s32 @!p2 $0x0  }
0x1d: {  	s5 =	simm.s32 @p1 $0x1;
	p0 =	seq.s32 s7, s2  }
0x1e: {  	s7 =	smul.u32 @!p0 $0xF7A, s2;
	p2 =	seq.s32 @!p0 s5, $0x0  }
0x1f: {  	s9 =	smul.u32 $0xF7A, s1;
	s8 =	simm.s32 @!p0 $0x1BF5;
	p2 =	por !p2, p0  }
0x20: {  	[sflag:s8] =	ssyncset.s32 @!p0 $0xFFFFF086;
	s6 =	sadd.s32 @!p0 s3, s7;
	s7 =	simm.s32 @!p0 $0x108  }
0x21: {  	s3 =	sadd.s32 s3, s9;
	s6 =	sadd.s32 @!p0 $0x88, s6;
	s7 =	simm.s32 @p2 $0x1082  }
0x22: {  	[simem:s7], [sflag:s8] =	dma.local @!p0 [hbm:s6], $0xF7A  }
0x23: {  	s9 =	sor.u32 $0xD0000000, s2;
	s6 =	simm.s32 $0x108;
	_ =	swait.ge @!p0 [sflag:s8], $0x0  }
0x24: {  	s3 =	sadd.s32 $0x88, s3;
	s6 =	simm.s32 @!p1 $0x1082;
	[sflag:s4] =	ssyncset.s32 $0xFFFFF086  }
0x25: {  	[simem:s6], [sflag:s4] =	dma.local [hbm:s3], $0xF7A  }
0x26: {  	[smem:$0x3F9F] =	sst s1;
	(tag) =	ssettag s2;
	_ =	strace s9  }
0x27: {  	s1 =	sld [smem:$0x3FAF]  }
0x28: {  	s2 =	sld [smem:$0x3FB0]  }
0x29: {  	s4 =	sld [smem:$0x3FB2]  }
0x2a: {  	p0 =	seq.s32 s5, $0x0;
	s5 =	sld [smem:$0x3FB3]  }
0x2b: {  	s6 =	sld [smem:$0x3FB4]  }
0x2c: {  	s7 =	sld [smem:$0x3FB5]  }
0x2d: {  	s3 =	simm.s32 $0x108;
	s8 =	sld [smem:$0x3FB6]  }
0x2e: {  	s3 =	simm.s32 @!p0 $0x1082;
	s9 =	sld [smem:$0x3FB7]  }
0x2f: {  	lr =	sadd.s32 s0, s3;
	s0 =	sld [smem:$0x3FAE]  }
0x30: {  	s3 =	sld [smem:$0x3FB1]  }
0x31: {  	[smem:$0x3FBA] =	sst s10  }
0x32: {  	s10 =	sld [smem:$0x3FB8];
	_ =	sdelay $0x3  }
0x33: {  	p0 =	seq.s32 s10, $0x1;
	s10 =	sld [smem:$0x3FBA];
	_ =	sdelay $0x3  }
0x34: {  	[smem:$0x3FBA] =	sst s10  }
0x35: {  	s10 =	sld [smem:$0x3FB9];
	_ =	sdelay $0x3  }
0x36: {  	p1 =	seq.s32 s10, $0x1;
	s10 =	sld [smem:$0x3FBA];
	_ =	sdelay $0x3  }
0x37: {  	[smem:$0x3FBA] =	sst s10  }
0x38: {  	s10 =	sld [smem:$0x3FBB]  }
0x39: {  	_ = 	snop;
	(pc) =	sbr.ind lr, $3  }
0x3a: {  	_ = 	snop  }
0x3b: {  	_ = 	snop  }
0x3c: {  	p2 =	seq.s32 s10, $0x1;
	s10 =	sld [smem:$0x3FBA]  }
0x3d: {  	_ =	shalt  }
0x3e: {  	_ =	shalt  }
0x3f: {  	_ =	shalt  }
0x40: {  	_ =	shalt  }
0x41: {  	_ =	shalt  }
0x42: {  	_ =	shalt  }
0x43: {  	_ =	shalt  }
0x44: {  	_ =	shalt  }
0x45: {  	_ =	shalt  }
0x46: {  	_ =	shalt  }
0x47: {  	_ =	shalt  }
0x48: {  	_ =	shalt  }
0x49: {  	_ =	shalt  }
0x4a: {  	_ =	shalt  }
0x4b: {  	_ =	shalt  }
0x4c: {  	_ =	shalt  }
0x4d: {  	_ =	shalt  }
0x4e: {  	_ =	shalt  }
0x4f: {  	_ =	shalt  }
0x50: {  	_ =	shalt  }
0x51: {  	_ =	shalt  }
0x52: {  	_ =	shalt  }
0x53: {  	_ =	shalt  }
0x54: {  	_ =	shalt  }
0x55: {  	_ =	shalt  }
0x56: {  	_ =	shalt  }
0x57: {  	_ =	shalt  }
0x58: {  	_ =	shalt  }
0x59: {  	_ =	shalt  }
0x5a: {  	_ =	shalt  }
0x5b: {  	_ =	shalt  }
0x5c: {  	_ =	shalt  }
0x5d: {  	_ =	shalt  }
0x5e: {  	_ =	shalt  }
0x5f: {  	_ =	shalt  }
0x60: {  	_ =	shalt  }
0x61: {  	_ =	shalt  }
0x62: {  	_ =	shalt  }
0x63: {  	_ =	shalt  }
0x64: {  	_ =	shalt  }
0x65: {  	_ =	shalt  }
0x66: {  	_ =	shalt  }
0x67: {  	_ =	shalt  }
0x68: {  	_ =	shalt  }
0x69: {  	_ =	shalt  }
0x6a: {  	_ =	shalt  }
0x6b: {  	_ =	shalt  }
0x6c: {  	_ =	shalt  }
0x6d: {  	_ =	shalt  }
0x6e: {  	_ =	shalt  }
0x6f: {  	_ =	shalt  }
0x70: {  	_ =	shalt  }
0x71: {  	_ =	shalt  }
0x72: {  	_ =	shalt  }
0x73: {  	_ =	shalt  }
0x74: {  	_ =	shalt  }
0x75: {  	_ =	shalt  }
0x76: {  	_ =	shalt  }
0x77: {  	_ =	shalt  }
0x78: {  	_ =	shalt  }
0x79: {  	_ =	shalt  }
0x7a: {  	_ =	shalt  }
0x7b: {  	_ =	shalt  }
0x7c: {  	_ =	shalt  }
0x7d: {  	_ =	shalt  }
0x7e: {  	_ =	shalt  }
0x7f: {  	_ =	shalt  }
0x80: {  	_ =	shalt  }
0x81: {  	_ =	shalt  }
0x82: {  	_ =	shalt  }
0x83: {  	_ =	shalt  }
0x84: {  	_ =	shalt  }
0x85: {  	_ =	shalt  }
0x86: {  	_ =	shalt  }
0x87: {  	_ =	shalt  }
.Lfunc_end0:
.L_simem_size_0:
called_computation_lowered:
.L_overlay_start_0:
0x88: {  	s2 =	sld [smem:$0x3FD9]  }
0x89: {  	s3 =	sld [smem:$0x3FFE];
	_ =	sdelay $0x1  }
0x8a: {  	s1 =	srdreg.scid  }
0x8b: {  	s0 =	sand.u32 $0x1, s1  }
0x8c: {  	s17 =	sshll.u32 s0, $0xA;
	s2 =	sadd.s32 s3, s2  }
0x8d: {  	s2 =	sadd.s32 s2, s17  }
0x8e: {  	[smem:$0x3FC6] =	sst s2  }
0x8f: {  	_ = 	snop  }
0x90: {  	s2 =	sld [smem:$0x3FD0];
	(tm) =	ssettm $0x1  }
0x91: {  	s18 =	sld [smem:$0x3FFB];
	_ =	sdelay $0x3  }
0x92: {  	_ =	strace s18  }
0x93: {  	s3 =	sld [smem:$0x3FFC];
	_ =	sdelay $0x3  }
0x94: {  	_ =	strace s3  }
0x95: {  	s3 =	sld [smem:$0x3FFD];
	_ =	sdelay $0x3  }
0x96: {  	_ =	strace s3  }
0x97: {  	_ =	strace $0x8FFFFFFF  }
0x98: {  	s19 =	sld [smem:$0x3FDB];
	_ =	sdelay $0x1  }
0x99: {  	s4 =	simm.s32 $_scs_section_size  }
0x9a: {  	s5 =	simm.s32 $_size__tile_overlayer_lowered;
	s6 =	simm.s32 $_tile_overlayer_lowered  }
0x9b: {  	s22 =	simm.s32 $0x1BFF;
	s21 =	sshll.u32 s6, $0x1;
	s3 =	sadd.s32 s4, s19  }
0x9c: {  	s7 =	simm.s32 $0x0;
	s20 =	sshll.u32 s5, $0x1;
	s5 =	sadd.s32 s21, s3  }
0x9d: {  	[timem:s7], [sflag:s22] =	dma.local [hbm:s5], s20  }
0x9e: {  	_ =	swait.ge [sflag:s22], s20  }
0x9f: {  	s4 =	ssub.s32 $0x0, s20;
	[sflag:s22] =	ssyncset.done $0x0  }
0xa0: {  	[sflag:s22] =	ssyncadd.s32 s4;
	_ =	sdelay $0x1  }
0xa1: {  	s23 =	simm.s32 $0x1B8B  }
0xa2: {  	_ =	swait.ge [sflag:s23], $0x1  }
0xa3: {  	[sflag:s23] =	ssyncset.done $0x0  }
0xa4: {  	s25 =	simm.s32 $0x1B8E;
	s24 =	sld [smem:$0x3FFE];
	[sflag:s23] =	ssyncadd.s32 $0xFFFFFFFF  }
0xa5: {  	s26 =	simm.s32 $execute0_lowered;
	[smem:$0x3FD2] =	sst s25  }
0xa6: {  	s5 =	sshll.u32 s26, $0x1;
	_ =	strace $0x80000046;
	[dreg:$0x1] =	wrdreg $0xFFFFFFFF  }
0xa7: {  	s28 =	simm.s32 $_size_execute0_lowered;
	s3 =	sadd.s32 s3, s5;
	[dreg:$0x0] =	wrdreg $0x0  }
0xa8: {  	s5 =	sshll.u32 s28, $0x1;
	[dreg:$0x2] =	wrdreg s3  }
0xa9: {  	[dreg:$0x3] =	wrdreg s5  }
0xaa: {  	[dreg:$0x4] =	wrdreg $0xC0  }
0xab: {  	_ =	task [dreg:s7], $0x5FFFF  }
0xac: {  	[dreg:$0x1] =	wrdreg $0xFFFFFFFF  }
0xad: {  	[dreg:$0x0] =	wrdreg $0x60  }
0xae: {  	[dreg:$0x2] =	wrdreg s24  }
0xaf: {  	[dreg:$0x3] =	wrdreg s2  }
0xb0: {  	[dreg:$0x4] =	wrdreg $0x9  }
0xb1: {  	_ =	task.clear_ibuf [dreg:s7], $0x5FFFF;
	_ =	strace $0x90000046  }
0xb2: {  	s29 =	simm.s32 $0x9;
	_ =	strace $0x80000048  }
0xb3: {  	_ =	swait.ge [sflag:s29], $0x1  }
0xb4: {  	[sflag:s29] =	ssyncadd.s32 $0xFFFFFFFF  }
0xb5: {  	_ =	strace $0x90000048  }
0xb6: {  	_ =	sfence  }
0xb7: {  	s30 =	sld [smem:$0x0];
	_ =	sdelay $0x2  }
0xb8: {  	s31 =	sshll.u32 s1, $0xD;
	s1 =	sshrl.u32 s1, $0x2  }
0xb9: {  	s3 =	sand.u32 $0x4000, s31;
	s1 =	sadd.s32 s1, s30  }
0xba: {  	s0 =	sor.u32 s3, s0;
	s1 =	sshll.u32 s1, $0x11  }
0xbb: {  	s0 =	sor.u32 s1, s0  }
0xbc: {  	s0 =	sadd.s32 $0x8F2B, s0  }
0xbd: {  	[sflag:s0] =	ssyncadd.remote.s32 $0x1  }
0xbe: {  	_ =	sfence.sel $0xFFFF  }
0xbf: {  	[dreg:$0x0] =	wrdreg $0xFFFFFFFF;
	(pc) =	sbr.abs _section_cstart, $3  }
0xc0: {  	[dreg:$0x1] =	wrdreg $0xFFFFFFFF  }
0xc1: {  	_ =	task.clear_ibuf [dreg:s7], $0x2FFFF;
	_ =	strace $0x9FFFFFFF  }
0xc2: {  	(tm) =	ssettm $0x7FFFFFFF  }
0xc3: {  	_ =	shalt  }
tec
execute0_lowered:
.L_overlay_start_1:
0x0: {  	(tag) =	ssettag $0x1  }
0x1: {  	s1 =	srdreg.scid;
	s3 =	rddreg [dreg:$0x0]  }
0x2: {  	s0 =	stileid.u32;
	s5 =	rddreg [dreg:$0x1];
	s2 =	simm.s32 $0x0  }
0x3: {  	s9 =	simm.s32 $0x6800;
	s10 =	simm.s32 $0x8200;
	s11 =	simm.s32 $0xD0  }
0x4: {  	s12 =	simm.s32 $0x9C00;
	s13 =	simm.s32 $0x138;
	s14 =	simm.s32 $0xB600  }
0x5: {  	s15 =	simm.s32 $0x1;
	s16 =	simm.s32 $0x2;
	s17 =	simm.s32 $0x3  }
0x6: {  	s18 =	simm.s32 $0x4;
	s19 =	simm.s32 $0xD000;
	s20 =	simm.s32 $0x0  }
0x7: {  	s4 =	sand.u32 $0x1, s1;
	s31 =	sshll.u32 s0, $0x1;
	s1 =	rddreg [dreg:$0x2]  }
0x8: {  	[smem:$0x7FF] =	sst s2;
	s6 =	sor.u32 s4, s31;
	s4 =	ssub.s32 $0x2, s4  }
0x9: {  	s7 =	smul.u32 $0xD00, s6;
	s8 =	sshrl.u32 s4, $0x1;
	s6 =	sshll.u32 s6, $0xA  }
0xa: {  	_ =	strace $0x80000047;
	s8 =	ssub.s32 s4, s8;
	s5 =	sadd.s32 s5, s6  }
0xb: {  	s7 =	sadd.s32 s7, s3;
	s3 =	sadd.s32 $0xF42E00, s3;
	s6 =	smax.u32 s8, $0x1  }
0xc: {  	s8 =	simm.s32 $0x68;
	s4 =	sadd.s32 $0xA00, s7;
	s7 =	simm.s32 $0x5  }
.LBB2_1:
0xd: {  	[tilespmem:s2], [sflag:$0x5] =	stream.linear.gather [hbm4b:s4+s2], $0x6800, $0x38;
	[tilespmem:$0xF000] =	vst v63  }
0xe: {  	_ =	swait.ge [sflag:s7], $0x6800  }
0xf: {  	[sflag:s7] =	ssyncset.done $0x0  }
0x10: {  	[sflag:s7] =	ssyncadd.s32 $0xFFFF9800  }
0x11: {  	[tilespmem:s9], [sflag:$0x1] =	stream.indirect.gather [hbm4b:s3+s8], $0x40, s2, s8, $0xb8;
	[tilespmem:$0xF000] =	vst v63  }
0x12: {  	_ = 	snop  }
0x13: {  	[tilespmem:s10], [sflag:$0x2] =	stream.indirect.gather [hbm4b:s3+s8], $0x40, s8, s8, $0xb8;
	[tilespmem:$0xF000] =	vst v63  }
0x14: {  	_ = 	snop  }
0x15: {  	[tilespmem:s12], [sflag:$0x3] =	stream.indirect.gather [hbm4b:s3+s8], $0x40, s11, s8, $0xb8;
	[tilespmem:$0xF000] =	vst v63  }
0x16: {  	s21 =	simm.s32 $0x0  }
0x17: {  	[tilespmem:s14], [sflag:$0x4] =	stream.indirect.gather [hbm4b:s3+s8], $0x40, s13, s8, $0xb8;
	[tilespmem:$0xF000] =	vst v63  }
.LBB2_2:
0x18: {  	_ =	swait.ge [sflag:s15], $0x1A00  }
0x19: {  	[sflag:s15] =	ssyncset.done $0x0  }
0x1a: {  	s23 =	simm.s32 $0x0;
	[sflag:s15] =	ssyncadd.s32 $0xFFFFE600  }
0x1b: {  	v11 =	vld [tilespmem:s23+$0x69C0]  }
0x1c: {  	v0 =	vld [tilespmem:s23+$0x69D0]  }
0x1d: {  	v1 =	vld [tilespmem:s23+$0x69E0]  }
0x1e: {  	v18 =	vld [tilespmem:s23+$0x6980]  }
0x1f: {  	v2 =	vld [tilespmem:s23+$0x6990]  }
0x20: {  	v3 =	vld [tilespmem:s23+$0x69A0]  }
0x21: {  	v23 =	vld [tilespmem:s23+$0x6940]  }
0x22: {  	v8 =	vld [tilespmem:s23+$0x6950]  }
0x23: {  	v9 =	vld [tilespmem:s23+$0x6960]  }
0x24: {  	v16 =	vld [tilespmem:s23+$0x6900]  }
0x25: {  	v14 =	vld [tilespmem:s23+$0x6910]  }
0x26: {  	v15 =	vld [tilespmem:s23+$0x6920]  }
0x27: {  	v17 =	vld [tilespmem:s23+$0x68C0]  }
0x28: {  	v19 =	vld [tilespmem:s23+$0x68D0]  }
0x29: {  	v20 =	vld [tilespmem:s23+$0x68E0]  }
0x2a: {  	v4 =	vld [tilespmem:s23+$0x6880]  }
0x2b: {  	v5 =	vld [tilespmem:s23+$0x6800]  }
0x2c: {  	v6 =	vld [tilespmem:s23+$0x6840]  }
0x2d: {  	v27 =	vld [tilespmem:s23+$0x6890]  }
0x2e: {  	v28 =	vld [tilespmem:s23+$0x68A0]  }
0x2f: {  	v22 =	vimm.f32 $-Inf;
	v30 =	vld [tilespmem:s23+$0x6850]  }
0x30: {  	v31 =	vld [tilespmem:s23+$0x6860];
	v5 =	vmax.f32 v22, v5  }
0x31: {  	v32 =	vld [tilespmem:s23+$0x6810];
	v5 =	vmax.f32 v5, v6  }
0x32: {  	s22 =	simm.s32 $0x800;
	v24 =	vimm.f32 $-Inf;
	v25 =	vimm.f32 $-Inf;
	v33 =	vld [tilespmem:s23+$0x6820];
	v34 =	vmax.f32 v5, v4  }
.LBB2_3:
0x33: {  	p0 =	sne.s32 s22, $0x6000;
	v4 =	vld [tilespmem:s23+$0x6830];
	v5 =	vmax.f32 v34, v17  }
0x34: {  	v6 =	vld [tilespmem:s23+$0x6870];
	v5 =	vmax.f32 v5, v16  }
0x35: {  	v7 =	vld [tilespmem:s23+$0x68B0];
	v5 =	vmax.f32 v5, v23  }
0x36: {  	v10 =	vld [tilespmem:s23+$0x68F0];
	v5 =	vmax.f32 v5, v18  }
0x37: {  	v12 =	vld [tilespmem:s23+$0x6930];
	v5 =	vmax.f32 v5, v11  }
0x38: {  	v11 =	vmax.f32 v22, v32;
	v13 =	vmax.f32 v24, v33;
	v4 =	vmax.f32 v25, v4;
	v16 =	vld [tilespmem:s23+$0x6970]  }
0x39: {  	v11 =	vmax.f32 v11, v30;
	v13 =	vmax.f32 v13, v31;
	v4 =	vmax.f32 v4, v6;
	v6 =	vld [tilespmem:s23+$0x69B0]  }
0x3a: {  	v17 =	vmax.f32 v11, v27;
	v13 =	vmax.f32 v13, v28;
	v4 =	vmax.f32 v4, v7;
	v7 =	vld [tilespmem:s23+$0x69F0];
	s23 =	sshra.s32 s22, $0x2  }
0x3b: {  	v17 =	vmax.f32 v17, v19;
	v13 =	vmax.f32 v13, v20;
	v11 =	vld [tilespmem:s23+$0x69C0];
	v4 =	vmax.f32 v4, v10  }
0x3c: {  	v14 =	vmax.f32 v17, v14;
	v13 =	vmax.f32 v13, v15;
	v10 =	vld [tilespmem:s23+$0x69D0];
	v4 =	vmax.f32 v4, v12  }
0x3d: {  	v8 =	vmax.f32 v14, v8;
	v9 =	vmax.f32 v13, v9;
	v12 =	vld [tilespmem:s23+$0x69E0];
	v4 =	vmax.f32 v4, v16  }
0x3e: {  	v8 =	vmax.f32 v8, v2;
	v3 =	vmax.f32 v9, v3;
	v18 =	vld [tilespmem:s23+$0x6980];
	v4 =	vmax.f32 v4, v6  }
0x3f: {  	v22 =	vmax.f32 v8, v0;
	v24 =	vmax.f32 v3, v1;
	v2 =	vld [tilespmem:s23+$0x6990];
	v25 =	vmax.f32 v4, v7  }
0x40: {  	v3 =	vld [tilespmem:s23+$0x69A0]  }
0x41: {  	v23 =	vld [tilespmem:s23+$0x6940];
	v0 =	vmov v10  }
0x42: {  	v8 =	vld [tilespmem:s23+$0x6950];
	v1 =	vmov v12  }
0x43: {  	v9 =	vld [tilespmem:s23+$0x6960]  }
0x44: {  	v16 =	vld [tilespmem:s23+$0x6900]  }
0x45: {  	v14 =	vld [tilespmem:s23+$0x6910]  }
0x46: {  	v15 =	vld [tilespmem:s23+$0x6920]  }
0x47: {  	v17 =	vld [tilespmem:s23+$0x68C0]  }
0x48: {  	v19 =	vld [tilespmem:s23+$0x68D0]  }
0x49: {  	v20 =	vld [tilespmem:s23+$0x68E0]  }
0x4a: {  	v4 =	vld [tilespmem:s23+$0x6880]  }
0x4b: {  	v6 =	vld [tilespmem:s23+$0x6800]  }
0x4c: {  	v7 =	vld [tilespmem:s23+$0x6840]  }
0x4d: {  	v27 =	vld [tilespmem:s23+$0x6890]  }
.Ltmp0:
0x4e: {  	v28 =	vld [tilespmem:s23+$0x68A0];
	(pc) =	sbr.rel @p0 .LBB2_3-.Ltmp0, $4  }
0x4f: {  	v30 =	vld [tilespmem:s23+$0x6850]  }
0x50: {  	v5 =	vmax.f32 v5, v6;
	v31 =	vld [tilespmem:s23+$0x6860]  }
0x51: {  	v32 =	vld [tilespmem:s23+$0x6810];
	v5 =	vmax.f32 v5, v7  }
0x52: {  	s22 =	sadd.s32 $0x800, s22;
	v33 =	vld [tilespmem:s23+$0x6820];
	v34 =	vmax.f32 v5, v4  }
0x53: {  	v35 =	vld [tilespmem:s23+$0x6830]  }
0x54: {  	v36 =	vld [tilespmem:s23+$0x6870]  }
0x55: {  	v37 =	vld [tilespmem:s23+$0x68B0]  }
0x56: {  	v38 =	vld [tilespmem:s23+$0x68F0];
	s22 =	smul.u32 $0x680, s21  }
0x57: {  	v39 =	vld [tilespmem:s23+$0x6930]  }
0x58: {  	v40 =	vld [tilespmem:s23+$0x6970];
	s22 =	sshra.s32 s22, $0x2  }
0x59: {  	v41 =	vld [tilespmem:s23+$0x69B0];
	s31 =	sadd.s32 $0x1A0, s22  }
0x5a: {  	v42 =	vld [tilespmem:s23+$0x69F0];
	[tilespmem:s9], [sflag:$0x1] =	stream.indirect.gather [hbm4b:s3+s8], $0x40, s31, s8, $0xb8  }
0x5b: {  	_ =	swait.ge [sflag:s16], $0x1A00  }
0x5c: {  	[sflag:s16] =	ssyncset.done $0x0  }
0x5d: {  	s23 =	simm.s32 $0x0;
	[sflag:s16] =	ssyncadd.s32 $0xFFFFE600  }
0x5e: {  	v13 =	vld [tilespmem:s23+$0x83C0]  }
0x5f: {  	v6 =	vld [tilespmem:s23+$0x83D0]  }
0x60: {  	v4 =	vld [tilespmem:s23+$0x83E0]  }
0x61: {  	v21 =	vld [tilespmem:s23+$0x8380]  }
0x62: {  	v7 =	vld [tilespmem:s23+$0x8390]  }
0x63: {  	v5 =	vld [tilespmem:s23+$0x83A0]  }
0x64: {  	v26 =	vld [tilespmem:s23+$0x8340]  }
0x65: {  	v12 =	vld [tilespmem:s23+$0x8350]  }
0x66: {  	v10 =	vld [tilespmem:s23+$0x8360]  }
0x67: {  	v29 =	vld [tilespmem:s23+$0x8300]  }
0x68: {  	v34 =	vmax.f32 v34, v17;
	v17 =	vld [tilespmem:s23+$0x8310]  }
0x69: {  	v34 =	vmax.f32 v34, v16;
	v16 =	vld [tilespmem:s23+$0x8320]  }
0x6a: {  	v34 =	vmax.f32 v34, v23;
	v23 =	vld [tilespmem:s23+$0x82C0]  }
0x6b: {  	v34 =	vmax.f32 v34, v18;
	v18 =	vld [tilespmem:s23+$0x82D0]  }
0x6c: {  	v22 =	vmax.f32 v22, v32;
	v34 =	vmax.f32 v34, v11;
	v11 =	vld [tilespmem:s23+$0x82E0]  }
0x6d: {  	v24 =	vmax.f32 v24, v33;
	v22 =	vmax.f32 v22, v30;
	v63 =	vld [tilespmem:s23+$0x8280]  }
0x6e: {  	v25 =	vmax.f32 v25, v35;
	v24 =	vmax.f32 v24, v31;
	v22 =	vmax.f32 v22, v27;
	v30 =	vld [tilespmem:s23+$0x8200]  }
0x6f: {  	v25 =	vmax.f32 v25, v36;
	v24 =	vmax.f32 v24, v28;
	v22 =	vmax.f32 v22, v19;
	v27 =	vld [tilespmem:s23+$0x8240]  }
0x70: {  	v25 =	vmax.f32 v25, v37;
	v20 =	vmax.f32 v24, v20;
	v22 =	vmax.f32 v22, v14;
	v19 =	vld [tilespmem:s23+$0x8290]  }
0x71: {  	v24 =	vmax.f32 v25, v38;
	v15 =	vmax.f32 v20, v15;
	v14 =	vld [tilespmem:s23+$0x82A0];
	v22 =	vmax.f32 v22, v8  }
0x72: {  	v8 =	vld [tilespmem:s23+$0x8250];
	v20 =	vmax.f32 v24, v39;
	v9 =	vmax.f32 v15, v9;
	v2 =	vmax.f32 v22, v2  }
0x73: {  	v15 =	vmax.f32 v20, v40;
	v9 =	vmax.f32 v9, v3;
	v3 =	vld [tilespmem:s23+$0x8260];
	v20 =	vmax.f32 v34, v30  }
0x74: {  	v2 =	vmax.f32 v2, v0;
	v22 =	vmax.f32 v15, v41;
	v15 =	vld [tilespmem:s23+$0x8210];
	v20 =	vmax.f32 v20, v27  }
0x75: {  	s24 =	simm.s32 $0x800;
	v1 =	vmax.f32 v9, v1;
	v9 =	vld [tilespmem:s23+$0x8220];
	v0 =	vmax.f32 v22, v42;
	v20 =	vmax.f32 v20, v63  }
.LBB2_5:
0x76: {  	p0 =	sne.s32 s24, $0x6000;
	v22 =	vld [tilespmem:s23+$0x8230];
	v20 =	vmax.f32 v20, v23  }
0x77: {  	v23 =	vld [tilespmem:s23+$0x8270];
	v20 =	vmax.f32 v20, v29  }
0x78: {  	v24 =	vld [tilespmem:s23+$0x82B0];
	v20 =	vmax.f32 v20, v26  }
0x79: {  	v25 =	vld [tilespmem:s23+$0x82F0];
	v20 =	vmax.f32 v20, v21  }
0x7a: {  	v21 =	vld [tilespmem:s23+$0x8330];
	v20 =	vmax.f32 v20, v13  }
0x7b: {  	v2 =	vmax.f32 v2, v15;
	v1 =	vmax.f32 v1, v9;
	v0 =	vmax.f32 v0, v22;
	v9 =	vld [tilespmem:s23+$0x8370]  }
0x7c: {  	v2 =	vmax.f32 v2, v8;
	v1 =	vmax.f32 v1, v3;
	v0 =	vmax.f32 v0, v23;
	v3 =	vld [tilespmem:s23+$0x83B0]  }
0x7d: {  	v2 =	vmax.f32 v2, v19;
	v1 =	vmax.f32 v1, v14;
	v0 =	vmax.f32 v0, v24;
	v8 =	vld [tilespmem:s23+$0x83F0];
	s23 =	sshra.s32 s24, $0x2  }
0x7e: {  	v2 =	vmax.f32 v2, v18;
	v1 =	vmax.f32 v1, v11;
	v13 =	vld [tilespmem:s23+$0x83C0];
	v0 =	vmax.f32 v0, v25  }
0x7f: {  	v2 =	vmax.f32 v2, v17;
	v1 =	vmax.f32 v1, v16;
	v11 =	vld [tilespmem:s23+$0x83D0];
	v0 =	vmax.f32 v0, v21  }
0x80: {  	v2 =	vmax.f32 v2, v12;
	v1 =	vmax.f32 v1, v10;
	v14 =	vld [tilespmem:s23+$0x83E0];
	v0 =	vmax.f32 v0, v9  }
0x81: {  	v2 =	vmax.f32 v2, v7;
	v1 =	vmax.f32 v1, v5;
	v21 =	vld [tilespmem:s23+$0x8380];
	v0 =	vmax.f32 v0, v3  }
0x82: {  	v2 =	vmax.f32 v2, v6;
	v1 =	vmax.f32 v1, v4;
	v7 =	vld [tilespmem:s23+$0x8390];
	v0 =	vmax.f32 v0, v8  }
0x83: {  	v5 =	vld [tilespmem:s23+$0x83A0]  }
0x84: {  	v26 =	vld [tilespmem:s23+$0x8340];
	v6 =	vmov v11  }
0x85: {  	v12 =	vld [tilespmem:s23+$0x8350];
	v4 =	vmov v14  }
0x86: {  	v10 =	vld [tilespmem:s23+$0x8360]  }
0x87: {  	v29 =	vld [tilespmem:s23+$0x8300]  }
0x88: {  	v17 =	vld [tilespmem:s23+$0x8310]  }
0x89: {  	v16 =	vld [tilespmem:s23+$0x8320]  }
0x8a: {  	v23 =	vld [tilespmem:s23+$0x82C0]  }
0x8b: {  	v18 =	vld [tilespmem:s23+$0x82D0]  }
0x8c: {  	v11 =	vld [tilespmem:s23+$0x82E0]  }
0x8d: {  	v22 =	vld [tilespmem:s23+$0x8280]  }
0x8e: {  	v3 =	vld [tilespmem:s23+$0x8200]  }
0x8f: {  	v9 =	vld [tilespmem:s23+$0x8240]  }
0x90: {  	v19 =	vld [tilespmem:s23+$0x8290]  }
.Ltmp1:
0x91: {  	v14 =	vld [tilespmem:s23+$0x82A0];
	(pc) =	sbr.rel @p0 .LBB2_5-.Ltmp1, $4  }
0x92: {  	v8 =	vld [tilespmem:s23+$0x8250]  }
0x93: {  	v20 =	vmax.f32 v20, v3;
	v3 =	vld [tilespmem:s23+$0x8260]  }
0x94: {  	v15 =	vld [tilespmem:s23+$0x8210];
	v20 =	vmax.f32 v20, v9  }
0x95: {  	s24 =	sadd.s32 $0x800, s24;
	v9 =	vld [tilespmem:s23+$0x8220];
	v20 =	vmax.f32 v20, v22  }
0x96: {  	v20 =	vmax.f32 v20, v23  }
0x97: {  	v20 =	vmax.f32 v20, v29  }
0x98: {  	v20 =	vmax.f32 v20, v26  }
0x99: {  	v20 =	vmax.f32 v20, v21  }
0x9a: {  	v13 =	vmax.f32 v20, v13  }
0x9b: {  	v13 =	vadd.f32 v13, v13;
	_ =	sdelay $0x1  }
0x9c: {  	v13 =	vmul.f32 $1.442695020e+00, v13;
	_ =	sdelay $0x1  }
0x9d: {  	(erf) = vpow2.f32 v13  }
0x9e: {  	v2 =	vmax.f32 v2, v15  }
0x9f: {  	v2 =	vmax.f32 v2, v8  }
0xa0: {  	v2 =	vmax.f32 v2, v19  }
0xa1: {  	v2 =	vmax.f32 v2, v18  }
0xa2: {  	v2 =	vmax.f32 v2, v17  }
0xa3: {  	v2 =	vmax.f32 v2, v12  }
0xa4: {  	v2 =	vmax.f32 v2, v7  }
0xa5: {  	v2 =	vmax.f32 v2, v6  }
0xa6: {  	v2 =	vadd.f32 v2, v2;
	v6 =	vpop (erf)  }
0xa7: {  	v6 =	vadd.f32 $1.000000000e+00, v6  }
0xa8: {  	v2 =	vmul.f32 $1.442695020e+00, v2  }
0xa9: {  	(erf) = vrcp.f32 v6  }
0xaa: {  	(erf) = vpow2.f32 v2  }
0xab: {  	v1 =	vmax.f32 v1, v9  }
0xac: {  	v1 =	vmax.f32 v1, v3  }
0xad: {  	v1 =	vmax.f32 v1, v14  }
0xae: {  	v1 =	vmax.f32 v1, v11  }
0xaf: {  	v1 =	vmax.f32 v1, v16  }
0xb0: {  	v1 =	vmax.f32 v1, v10  }
0xb1: {  	v1 =	vmax.f32 v1, v5  }
0xb2: {  	v1 =	vmax.f32 v1, v4;
	v2 =	vpop (erf)  }
0xb3: {  	v3 =	vld [tilespmem:s23+$0x8230];
	v1 =	vadd.f32 v1, v1;
	v4 =	vpop (erf)  }
0xb4: {  	v5 =	vld [tilespmem:s23+$0x8270];
	v4 =	vadd.f32 $1.000000000e+00, v4  }
0xb5: {  	v1 =	vmul.f32 $1.442695020e+00, v1;
	v6 =	vld [tilespmem:s23+$0x82B0]  }
0xb6: {  	v7 =	vld [tilespmem:s23+$0x82F0];
	(erf) = vrcp.f32 v4  }
0xb7: {  	v4 =	vld [tilespmem:s23+$0x8330];
	(erf) = vpow2.f32 v1  }
0xb8: {  	v0 =	vmax.f32 v0, v3;
	v1 =	vld [tilespmem:s23+$0x8370]  }
0xb9: {  	v3 =	vld [tilespmem:s23+$0x83B0];
	v0 =	vmax.f32 v0, v5  }
0xba: {  	v5 =	vld [tilespmem:s23+$0x83F0];
	v0 =	vmax.f32 v0, v6  }
0xbb: {  	v0 =	vmax.f32 v0, v7  }
0xbc: {  	v0 =	vmax.f32 v0, v4  }
0xbd: {  	v0 =	vmax.f32 v0, v1  }
0xbe: {  	v0 =	vmax.f32 v0, v3  }
0xbf: {  	v0 =	vmax.f32 v0, v5;
	v1 =	vpop (erf)  }
0xc0: {  	v0 =	vadd.f32 v0, v0;
	v3 =	vpop (erf)  }
0xc1: {  	v3 =	vadd.f32 $1.000000000e+00, v3  }
0xc2: {  	v0 =	vmul.f32 $1.442695020e+00, v0  }
0xc3: {  	(erf) = vrcp.f32 v3  }
0xc4: {  	(erf) = vpow2.f32 v0;
	_ =	sdelay $0x7  }
0xc5: {  	v0 =	vpop (erf)  }
0xc6: {  	v3 =	vpop (erf)  }
0xc7: {  	v3 =	vadd.f32 $1.000000000e+00, v3;
	_ =	sdelay $0x1  }
0xc8: {  	(erf) = vrcp.f32 v3;
	_ =	sdelay $0x6  }
0xc9: {  	v2 =	vadd.f32 v2, v2  }
0xca: {  	v1 =	vadd.f32 v1, v1  }
0xcb: {  	s31 =	sshll.u32 s21, $0x9;
	v2 =	vsub.f32 $1.000000000e+00, v2;
	v0 =	vadd.f32 v0, v0;
	v3 =	vpop (erf)  }
0xcc: {  	s23 =	sshra.s32 s31, $0x2;
	v1 =	vsub.f32 $1.000000000e+00, v1;
	v3 =	vadd.f32 v3, v3  }
0xcd: {  	[tilespmem:s23+$0xD000] =	vst v2;
	v0 =	vsub.f32 $1.000000000e+00, v0  }
0xce: {  	[tilespmem:s23+$0xD010] =	vst v1;
	v1 =	vsub.f32 $1.000000000e+00, v3  }
0xcf: {  	[tilespmem:s23+$0xD020] =	vst v0  }
0xd0: {  	s24 =	sadd.s32 $0x208, s22;
	[tilespmem:s23+$0xD030] =	vst v1  }
0xd1: {  	[tilespmem:s10], [sflag:$0x2] =	stream.indirect.gather [hbm4b:s3+s8], $0x40, s24, s8, $0xb8;
	[tilespmem:$0xF000] =	vst v63  }
0xd2: {  	_ =	swait.ge [sflag:s17], $0x1A00  }
0xd3: {  	[sflag:s17] =	ssyncset.done $0x0  }
0xd4: {  	s24 =	simm.s32 $0x0;
	[sflag:s17] =	ssyncadd.s32 $0xFFFFE600  }
0xd5: {  	v11 =	vld [tilespmem:s24+$0x9DC0]  }
0xd6: {  	v0 =	vld [tilespmem:s24+$0x9DD0]  }
0xd7: {  	v1 =	vld [tilespmem:s24+$0x9DE0]  }
0xd8: {  	v18 =	vld [tilespmem:s24+$0x9D80]  }
0xd9: {  	v2 =	vld [tilespmem:s24+$0x9D90]  }
0xda: {  	v3 =	vld [tilespmem:s24+$0x9DA0]  }
0xdb: {  	v23 =	vld [tilespmem:s24+$0x9D40]  }
0xdc: {  	v8 =	vld [tilespmem:s24+$0x9D50]  }
0xdd: {  	v9 =	vld [tilespmem:s24+$0x9D60]  }
0xde: {  	v16 =	vld [tilespmem:s24+$0x9D00]  }
0xdf: {  	v14 =	vld [tilespmem:s24+$0x9D10]  }
0xe0: {  	v15 =	vld [tilespmem:s24+$0x9D20]  }
0xe1: {  	v17 =	vld [tilespmem:s24+$0x9CC0]  }
0xe2: {  	v19 =	vld [tilespmem:s24+$0x9CD0]  }
0xe3: {  	v20 =	vld [tilespmem:s24+$0x9CE0]  }
0xe4: {  	v4 =	vld [tilespmem:s24+$0x9C80]  }
0xe5: {  	v5 =	vld [tilespmem:s24+$0x9C00]  }
0xe6: {  	v6 =	vld [tilespmem:s24+$0x9C40]  }
0xe7: {  	v27 =	vld [tilespmem:s24+$0x9C90]  }
0xe8: {  	v28 =	vld [tilespmem:s24+$0x9CA0]  }
0xe9: {  	v22 =	vimm.f32 $-Inf;
	v30 =	vld [tilespmem:s24+$0x9C50]  }
0xea: {  	v31 =	vld [tilespmem:s24+$0x9C60];
	v5 =	vmax.f32 v22, v5  }
0xeb: {  	v32 =	vld [tilespmem:s24+$0x9C10];
	v5 =	vmax.f32 v5, v6  }
0xec: {  	s25 =	simm.s32 $0x800;
	v25 =	vimm.f32 $-Inf;
	v26 =	vimm.f32 $-Inf;
	v33 =	vld [tilespmem:s24+$0x9C20];
	v34 =	vmax.f32 v5, v4  }
.LBB2_7:
0xed: {  	p0 =	sne.s32 s25, $0x6000;
	v4 =	vld [tilespmem:s24+$0x9C30];
	v5 =	vmax.f32 v34, v17  }
0xee: {  	v6 =	vld [tilespmem:s24+$0x9C70];
	v5 =	vmax.f32 v5, v16  }
0xef: {  	v7 =	vld [tilespmem:s24+$0x9CB0];
	v5 =	vmax.f32 v5, v23  }
0xf0: {  	v10 =	vld [tilespmem:s24+$0x9CF0];
	v5 =	vmax.f32 v5, v18  }
0xf1: {  	v12 =	vld [tilespmem:s24+$0x9D30];
	v5 =	vmax.f32 v5, v11  }
0xf2: {  	v11 =	vmax.f32 v22, v32;
	v13 =	vmax.f32 v25, v33;
	v4 =	vmax.f32 v26, v4;
	v16 =	vld [tilespmem:s24+$0x9D70]  }
0xf3: {  	v11 =	vmax.f32 v11, v30;
	v13 =	vmax.f32 v13, v31;
	v4 =	vmax.f32 v4, v6;
	v6 =	vld [tilespmem:s24+$0x9DB0]  }
0xf4: {  	v17 =	vmax.f32 v11, v27;
	v13 =	vmax.f32 v13, v28;
	v4 =	vmax.f32 v4, v7;
	v7 =	vld [tilespmem:s24+$0x9DF0];
	s24 =	sshra.s32 s25, $0x2  }
0xf5: {  	v17 =	vmax.f32 v17, v19;
	v13 =	vmax.f32 v13, v20;
	v11 =	vld [tilespmem:s24+$0x9DC0];
	v4 =	vmax.f32 v4, v10  }
0xf6: {  	v14 =	vmax.f32 v17, v14;
	v13 =	vmax.f32 v13, v15;
	v10 =	vld [tilespmem:s24+$0x9DD0];
	v4 =	vmax.f32 v4, v12  }
0xf7: {  	v8 =	vmax.f32 v14, v8;
	v9 =	vmax.f32 v13, v9;
	v12 =	vld [tilespmem:s24+$0x9DE0];
	v4 =	vmax.f32 v4, v16  }
0xf8: {  	v8 =	vmax.f32 v8, v2;
	v3 =	vmax.f32 v9, v3;
	v18 =	vld [tilespmem:s24+$0x9D80];
	v4 =	vmax.f32 v4, v6  }
0xf9: {  	v22 =	vmax.f32 v8, v0;
	v25 =	vmax.f32 v3, v1;
	v2 =	vld [tilespmem:s24+$0x9D90];
	v26 =	vmax.f32 v4, v7  }
0xfa: {  	v3 =	vld [tilespmem:s24+$0x9DA0]  }
0xfb: {  	v23 =	vld [tilespmem:s24+$0x9D40];
	v0 =	vmov v10  }
0xfc: {  	v8 =	vld [tilespmem:s24+$0x9D50];
	v1 =	vmov v12  }
0xfd: {  	v9 =	vld [tilespmem:s24+$0x9D60]  }
0xfe: {  	v16 =	vld [tilespmem:s24+$0x9D00]  }
0xff: {  	v14 =	vld [tilespmem:s24+$0x9D10]  }
0x100: {  	v15 =	vld [tilespmem:s24+$0x9D20]  }
0x101: {  	v17 =	vld [tilespmem:s24+$0x9CC0]  }
0x102: {  	v19 =	vld [tilespmem:s24+$0x9CD0]  }
0x103: {  	v20 =	vld [tilespmem:s24+$0x9CE0]  }
0x104: {  	v4 =	vld [tilespmem:s24+$0x9C80]  }
0x105: {  	v6 =	vld [tilespmem:s24+$0x9C00]  }
0x106: {  	v7 =	vld [tilespmem:s24+$0x9C40]  }
0x107: {  	v27 =	vld [tilespmem:s24+$0x9C90]  }
.Ltmp2:
0x108: {  	v28 =	vld [tilespmem:s24+$0x9CA0];
	(pc) =	sbr.rel @p0 .LBB2_7-.Ltmp2, $4  }
0x109: {  	v30 =	vld [tilespmem:s24+$0x9C50]  }
0x10a: {  	v5 =	vmax.f32 v5, v6;
	v31 =	vld [tilespmem:s24+$0x9C60]  }
0x10b: {  	v32 =	vld [tilespmem:s24+$0x9C10];
	v5 =	vmax.f32 v5, v7  }
0x10c: {  	s25 =	sadd.s32 $0x800, s25;
	v33 =	vld [tilespmem:s24+$0x9C20];
	v34 =	vmax.f32 v5, v4  }
0x10d: {  	v35 =	vld [tilespmem:s24+$0x9C30]  }
0x10e: {  	v36 =	vld [tilespmem:s24+$0x9C70]  }
0x10f: {  	v37 =	vld [tilespmem:s24+$0x9CB0]  }
0x110: {  	v38 =	vld [tilespmem:s24+$0x9CF0]  }
0x111: {  	v39 =	vld [tilespmem:s24+$0x9D30]  }
0x112: {  	v40 =	vld [tilespmem:s24+$0x9D70]  }
0x113: {  	v41 =	vld [tilespmem:s24+$0x9DB0];
	s31 =	sadd.s32 $0x270, s22  }
0x114: {  	v42 =	vld [tilespmem:s24+$0x9DF0];
	[tilespmem:s12], [sflag:$0x3] =	stream.indirect.gather [hbm4b:s3+s8], $0x40, s31, s8, $0xb8  }
0x115: {  	_ =	swait.ge [sflag:s18], $0x1A00  }
0x116: {  	[sflag:s18] =	ssyncset.done $0x0  }
0x117: {  	s24 =	simm.s32 $0x0;
	[sflag:s18] =	ssyncadd.s32 $0xFFFFE600  }
0x118: {  	v13 =	vld [tilespmem:s24+$0xB7C0]  }
0x119: {  	v6 =	vld [tilespmem:s24+$0xB7D0]  }
0x11a: {  	v4 =	vld [tilespmem:s24+$0xB7E0]  }
0x11b: {  	v21 =	vld [tilespmem:s24+$0xB780]  }
0x11c: {  	v7 =	vld [tilespmem:s24+$0xB790]  }
0x11d: {  	v5 =	vld [tilespmem:s24+$0xB7A0]  }
0x11e: {  	v24 =	vld [tilespmem:s24+$0xB740]  }
0x11f: {  	v12 =	vld [tilespmem:s24+$0xB750]  }
0x120: {  	v10 =	vld [tilespmem:s24+$0xB760]  }
0x121: {  	v29 =	vld [tilespmem:s24+$0xB700]  }
0x122: {  	v34 =	vmax.f32 v34, v17;
	v17 =	vld [tilespmem:s24+$0xB710]  }
0x123: {  	v34 =	vmax.f32 v34, v16;
	v16 =	vld [tilespmem:s24+$0xB720]  }
0x124: {  	v34 =	vmax.f32 v34, v23;
	v23 =	vld [tilespmem:s24+$0xB6C0]  }
0x125: {  	v34 =	vmax.f32 v34, v18;
	v18 =	vld [tilespmem:s24+$0xB6D0]  }
0x126: {  	v22 =	vmax.f32 v22, v32;
	v34 =	vmax.f32 v34, v11;
	v11 =	vld [tilespmem:s24+$0xB6E0]  }
0x127: {  	v25 =	vmax.f32 v25, v33;
	v22 =	vmax.f32 v22, v30;
	v63 =	vld [tilespmem:s24+$0xB680]  }
0x128: {  	v26 =	vmax.f32 v26, v35;
	v25 =	vmax.f32 v25, v31;
	v30 =	vld [tilespmem:s24+$0xB600];
	v22 =	vmax.f32 v22, v27  }
0x129: {  	v27 =	vld [tilespmem:s24+$0xB640];
	v26 =	vmax.f32 v26, v36;
	v25 =	vmax.f32 v25, v28;
	v22 =	vmax.f32 v22, v19  }
0x12a: {  	v19 =	vld [tilespmem:s24+$0xB690];
	v26 =	vmax.f32 v26, v37;
	v20 =	vmax.f32 v25, v20;
	v22 =	vmax.f32 v22, v14  }
0x12b: {  	v14 =	vld [tilespmem:s24+$0xB6A0];
	v25 =	vmax.f32 v26, v38;
	v15 =	vmax.f32 v20, v15;
	v22 =	vmax.f32 v22, v8  }
0x12c: {  	v8 =	vld [tilespmem:s24+$0xB650];
	v20 =	vmax.f32 v25, v39;
	v9 =	vmax.f32 v15, v9;
	v2 =	vmax.f32 v22, v2  }
0x12d: {  	v15 =	vmax.f32 v20, v40;
	v9 =	vmax.f32 v9, v3;
	v20 =	vmax.f32 v34, v30;
	v3 =	vld [tilespmem:s24+$0xB660]  }
0x12e: {  	v2 =	vmax.f32 v2, v0;
	v22 =	vmax.f32 v15, v41;
	v20 =	vmax.f32 v20, v27;
	v15 =	vld [tilespmem:s24+$0xB610]  }
0x12f: {  	s25 =	simm.s32 $0x800;
	v1 =	vmax.f32 v9, v1;
	v9 =	vld [tilespmem:s24+$0xB620];
	v0 =	vmax.f32 v22, v42;
	v20 =	vmax.f32 v20, v63  }
.LBB2_9:
0x130: {  	p0 =	sne.s32 s25, $0x6000;
	v22 =	vld [tilespmem:s24+$0xB630];
	v20 =	vmax.f32 v20, v23  }
0x131: {  	v23 =	vld [tilespmem:s24+$0xB670];
	v20 =	vmax.f32 v20, v29  }
0x132: {  	v25 =	vld [tilespmem:s24+$0xB6B0];
	v20 =	vmax.f32 v20, v24  }
0x133: {  	v24 =	vld [tilespmem:s24+$0xB6F0];
	v20 =	vmax.f32 v20, v21  }
0x134: {  	v21 =	vld [tilespmem:s24+$0xB730];
	v20 =	vmax.f32 v20, v13  }
0x135: {  	v2 =	vmax.f32 v2, v15;
	v1 =	vmax.f32 v1, v9;
	v0 =	vmax.f32 v0, v22;
	v9 =	vld [tilespmem:s24+$0xB770]  }
0x136: {  	v2 =	vmax.f32 v2, v8;
	v1 =	vmax.f32 v1, v3;
	v0 =	vmax.f32 v0, v23;
	v3 =	vld [tilespmem:s24+$0xB7B0]  }
0x137: {  	v2 =	vmax.f32 v2, v19;
	v1 =	vmax.f32 v1, v14;
	v0 =	vmax.f32 v0, v25;
	v8 =	vld [tilespmem:s24+$0xB7F0];
	s24 =	sshra.s32 s25, $0x2  }
0x138: {  	v2 =	vmax.f32 v2, v18;
	v1 =	vmax.f32 v1, v11;
	v13 =	vld [tilespmem:s24+$0xB7C0];
	v0 =	vmax.f32 v0, v24  }
0x139: {  	v2 =	vmax.f32 v2, v17;
	v1 =	vmax.f32 v1, v16;
	v11 =	vld [tilespmem:s24+$0xB7D0];
	v0 =	vmax.f32 v0, v21  }
0x13a: {  	v2 =	vmax.f32 v2, v12;
	v1 =	vmax.f32 v1, v10;
	v14 =	vld [tilespmem:s24+$0xB7E0];
	v0 =	vmax.f32 v0, v9  }
0x13b: {  	v2 =	vmax.f32 v2, v7;
	v1 =	vmax.f32 v1, v5;
	v21 =	vld [tilespmem:s24+$0xB780];
	v0 =	vmax.f32 v0, v3  }
0x13c: {  	v2 =	vmax.f32 v2, v6;
	v1 =	vmax.f32 v1, v4;
	v7 =	vld [tilespmem:s24+$0xB790];
	v0 =	vmax.f32 v0, v8  }
0x13d: {  	v5 =	vld [tilespmem:s24+$0xB7A0]  }
0x13e: {  	v24 =	vld [tilespmem:s24+$0xB740];
	v6 =	vmov v11  }
0x13f: {  	v12 =	vld [tilespmem:s24+$0xB750];
	v4 =	vmov v14  }
0x140: {  	v10 =	vld [tilespmem:s24+$0xB760]  }
0x141: {  	v29 =	vld [tilespmem:s24+$0xB700]  }
0x142: {  	v17 =	vld [tilespmem:s24+$0xB710]  }
0x143: {  	v16 =	vld [tilespmem:s24+$0xB720]  }
0x144: {  	v23 =	vld [tilespmem:s24+$0xB6C0]  }
0x145: {  	v18 =	vld [tilespmem:s24+$0xB6D0]  }
0x146: {  	v11 =	vld [tilespmem:s24+$0xB6E0]  }
0x147: {  	v22 =	vld [tilespmem:s24+$0xB680]  }
0x148: {  	v3 =	vld [tilespmem:s24+$0xB600]  }
0x149: {  	v9 =	vld [tilespmem:s24+$0xB640]  }
0x14a: {  	v19 =	vld [tilespmem:s24+$0xB690]  }
.Ltmp3:
0x14b: {  	v14 =	vld [tilespmem:s24+$0xB6A0];
	(pc) =	sbr.rel @p0 .LBB2_9-.Ltmp3, $4  }
0x14c: {  	v8 =	vld [tilespmem:s24+$0xB650]  }
0x14d: {  	v20 =	vmax.f32 v20, v3;
	v3 =	vld [tilespmem:s24+$0xB660]  }
0x14e: {  	v15 =	vld [tilespmem:s24+$0xB610];
	v20 =	vmax.f32 v20, v9  }
0x14f: {  	s25 =	sadd.s32 $0x800, s25;
	v9 =	vld [tilespmem:s24+$0xB620];
	v20 =	vmax.f32 v20, v22  }
0x150: {  	v20 =	vmax.f32 v20, v23  }
0x151: {  	v20 =	vmax.f32 v20, v29  }
0x152: {  	v20 =	vmax.f32 v20, v24  }
0x153: {  	v20 =	vmax.f32 v20, v21  }
0x154: {  	v13 =	vmax.f32 v20, v13  }
0x155: {  	v13 =	vadd.f32 v13, v13;
	_ =	sdelay $0x1  }
0x156: {  	v13 =	vmul.f32 $1.442695020e+00, v13;
	_ =	sdelay $0x1  }
0x157: {  	(erf) = vpow2.f32 v13  }
0x158: {  	v2 =	vmax.f32 v2, v15  }
0x159: {  	v2 =	vmax.f32 v2, v8  }
0x15a: {  	v2 =	vmax.f32 v2, v19  }
0x15b: {  	v2 =	vmax.f32 v2, v18  }
0x15c: {  	v2 =	vmax.f32 v2, v17  }
0x15d: {  	v2 =	vmax.f32 v2, v12  }
0x15e: {  	v2 =	vmax.f32 v2, v7  }
0x15f: {  	v2 =	vmax.f32 v2, v6  }
0x160: {  	v2 =	vadd.f32 v2, v2;
	v48 =	vpop (erf)  }
0x161: {  	v6 =	vadd.f32 $1.000000000e+00, v48  }
0x162: {  	v2 =	vmul.f32 $1.442695020e+00, v2  }
0x163: {  	(erf) = vrcp.f32 v6  }
0x164: {  	(erf) = vpow2.f32 v2  }
0x165: {  	v1 =	vmax.f32 v1, v9  }
0x166: {  	v1 =	vmax.f32 v1, v3  }
0x167: {  	v1 =	vmax.f32 v1, v14  }
0x168: {  	v1 =	vmax.f32 v1, v11  }
0x169: {  	v1 =	vmax.f32 v1, v16  }
0x16a: {  	v1 =	vmax.f32 v1, v10  }
0x16b: {  	v1 =	vmax.f32 v1, v5  }
0x16c: {  	v1 =	vmax.f32 v1, v4;
	v49 =	vpop (erf)  }
0x16d: {  	v50 =	vld [tilespmem:s24+$0xB630];
	v1 =	vadd.f32 v1, v1;
	v51 =	vpop (erf)  }
0x16e: {  	v52 =	vld [tilespmem:s24+$0xB670];
	v4 =	vadd.f32 $1.000000000e+00, v51  }
0x16f: {  	v53 =	vld [tilespmem:s24+$0xB6B0];
	v1 =	vmul.f32 $1.442695020e+00, v1  }
0x170: {  	v54 =	vld [tilespmem:s24+$0xB6F0];
	(erf) = vrcp.f32 v4  }
0x171: {  	v55 =	vld [tilespmem:s24+$0xB730];
	(erf) = vpow2.f32 v1  }
0x172: {  	v56 =	vld [tilespmem:s24+$0xB770];
	v0 =	vmax.f32 v0, v50  }
0x173: {  	v57 =	vld [tilespmem:s24+$0xB7B0];
	v0 =	vmax.f32 v0, v52  }
0x174: {  	v58 =	vld [tilespmem:s24+$0xB7F0];
	v0 =	vmax.f32 v0, v53  }
0x175: {  	v0 =	vmax.f32 v0, v54  }
0x176: {  	v0 =	vmax.f32 v0, v55  }
0x177: {  	v0 =	vmax.f32 v0, v56  }
0x178: {  	v0 =	vmax.f32 v0, v57  }
0x179: {  	v0 =	vmax.f32 v0, v58;
	v59 =	vpop (erf)  }
0x17a: {  	v0 =	vadd.f32 v0, v0;
	v60 =	vpop (erf)  }
0x17b: {  	v3 =	vadd.f32 $1.000000000e+00, v60  }
0x17c: {  	v0 =	vmul.f32 $1.442695020e+00, v0  }
0x17d: {  	(erf) = vrcp.f32 v3  }
0x17e: {  	(erf) = vpow2.f32 v0;
	_ =	sdelay $0x7  }
0x17f: {  	v61 =	vpop (erf)  }
0x180: {  	v62 =	vpop (erf)  }
0x181: {  	v3 =	vadd.f32 $1.000000000e+00, v62;
	_ =	sdelay $0x1  }
0x182: {  	(erf) = vrcp.f32 v3;
	_ =	sdelay $0x6  }
0x183: {  	v2 =	vadd.f32 v49, v49  }
0x184: {  	v1 =	vadd.f32 v59, v59  }
0x185: {  	s21 =	sadd.s32 $0x1, s21;
	v2 =	vsub.f32 $1.000000000e+00, v2;
	v0 =	vadd.f32 v61, v61;
	v3 =	vpop (erf)  }
0x186: {  	p0 =	sne.s32 s21, $0x3F;
	v1 =	vsub.f32 $1.000000000e+00, v1;
	v3 =	vadd.f32 v3, v3  }
.Ltmp4:
0x187: {  	[tilespmem:s23+$0xD040] =	vst v2;
	v0 =	vsub.f32 $1.000000000e+00, v0;
	(pc) =	sbr.rel @p0 .LBB2_2-.Ltmp4, $4  }
0x188: {  	[tilespmem:s23+$0xD050] =	vst v1;
	v63 =	vsub.f32 $1.000000000e+00, v3  }
0x189: {  	[tilespmem:s23+$0xD060] =	vst v0  }
0x18a: {  	s22 =	sadd.s32 $0x2D8, s22;
	[tilespmem:s23+$0xD070] =	vst v63  }
0x18b: {  	[tilespmem:s14], [sflag:$0x4] =	stream.indirect.gather [hbm4b:s3+s8], $0x40, s22, s8, $0xb8;
	[tilespmem:$0xF000] =	vst v63  }
0x18c: {  	_ =	swait.ge [sflag:s15], $0x1A00  }
0x18d: {  	[sflag:s15] =	ssyncset.done $0x0  }
0x18e: {  	s21 =	simm.s32 $0x0;
	[sflag:s15] =	ssyncadd.s32 $0xFFFFE600  }
0x18f: {  	v12 =	vld [tilespmem:s21+$0x69C0]  }
0x190: {  	v0 =	vld [tilespmem:s21+$0x69D0]  }
0x191: {  	v1 =	vld [tilespmem:s21+$0x69E0]  }
0x192: {  	v19 =	vld [tilespmem:s21+$0x6980]  }
0x193: {  	v2 =	vld [tilespmem:s21+$0x6990]  }
0x194: {  	v4 =	vld [tilespmem:s21+$0x69A0]  }
0x195: {  	v24 =	vld [tilespmem:s21+$0x6940]  }
0x196: {  	v8 =	vld [tilespmem:s21+$0x6950]  }
0x197: {  	v9 =	vld [tilespmem:s21+$0x6960]  }
0x198: {  	v15 =	vld [tilespmem:s21+$0x6900]  }
0x199: {  	v14 =	vld [tilespmem:s21+$0x6910]  }
0x19a: {  	v16 =	vld [tilespmem:s21+$0x6920]  }
0x19b: {  	v17 =	vld [tilespmem:s21+$0x68C0]  }
0x19c: {  	v20 =	vld [tilespmem:s21+$0x68D0]  }
0x19d: {  	v21 =	vld [tilespmem:s21+$0x68E0]  }
0x19e: {  	v3 =	vld [tilespmem:s21+$0x6880]  }
0x19f: {  	v5 =	vld [tilespmem:s21+$0x6800]  }
0x1a0: {  	v6 =	vld [tilespmem:s21+$0x6840]  }
0x1a1: {  	v27 =	vld [tilespmem:s21+$0x6890]  }
0x1a2: {  	v28 =	vld [tilespmem:s21+$0x68A0]  }
0x1a3: {  	v22 =	vimm.f32 $-Inf;
	v30 =	vld [tilespmem:s21+$0x6850]  }
0x1a4: {  	v31 =	vld [tilespmem:s21+$0x6860];
	v5 =	vmax.f32 v22, v5  }
0x1a5: {  	v32 =	vld [tilespmem:s21+$0x6810];
	v5 =	vmax.f32 v5, v6  }
0x1a6: {  	s22 =	simm.s32 $0x800;
	v25 =	vimm.f32 $-Inf;
	v26 =	vimm.f32 $-Inf;
	v33 =	vld [tilespmem:s21+$0x6820];
	v34 =	vmax.f32 v5, v3  }
.LBB2_12:
0x1a7: {  	p0 =	sne.s32 s22, $0x6000;
	v3 =	vld [tilespmem:s21+$0x6830];
	v5 =	vmax.f32 v34, v17  }
0x1a8: {  	v6 =	vld [tilespmem:s21+$0x6870];
	v5 =	vmax.f32 v5, v15  }
0x1a9: {  	v7 =	vld [tilespmem:s21+$0x68B0];
	v5 =	vmax.f32 v5, v24  }
0x1aa: {  	v10 =	vld [tilespmem:s21+$0x68F0];
	v5 =	vmax.f32 v5, v19  }
0x1ab: {  	v11 =	vld [tilespmem:s21+$0x6930];
	v5 =	vmax.f32 v5, v12  }
0x1ac: {  	v12 =	vmax.f32 v22, v32;
	v13 =	vmax.f32 v25, v33;
	v3 =	vmax.f32 v26, v3;
	v15 =	vld [tilespmem:s21+$0x6970]  }
0x1ad: {  	v12 =	vmax.f32 v12, v30;
	v13 =	vmax.f32 v13, v31;
	v3 =	vmax.f32 v3, v6;
	v6 =	vld [tilespmem:s21+$0x69B0]  }
0x1ae: {  	v17 =	vmax.f32 v12, v27;
	v13 =	vmax.f32 v13, v28;
	v3 =	vmax.f32 v3, v7;
	v7 =	vld [tilespmem:s21+$0x69F0];
	s21 =	sshra.s32 s22, $0x2  }
0x1af: {  	v17 =	vmax.f32 v17, v20;
	v13 =	vmax.f32 v13, v21;
	v12 =	vld [tilespmem:s21+$0x69C0];
	v3 =	vmax.f32 v3, v10  }
0x1b0: {  	v14 =	vmax.f32 v17, v14;
	v13 =	vmax.f32 v13, v16;
	v10 =	vld [tilespmem:s21+$0x69D0];
	v3 =	vmax.f32 v3, v11  }
0x1b1: {  	v8 =	vmax.f32 v14, v8;
	v9 =	vmax.f32 v13, v9;
	v11 =	vld [tilespmem:s21+$0x69E0];
	v3 =	vmax.f32 v3, v15  }
0x1b2: {  	v8 =	vmax.f32 v8, v2;
	v4 =	vmax.f32 v9, v4;
	v19 =	vld [tilespmem:s21+$0x6980];
	v3 =	vmax.f32 v3, v6  }
0x1b3: {  	v22 =	vmax.f32 v8, v0;
	v25 =	vmax.f32 v4, v1;
	v2 =	vld [tilespmem:s21+$0x6990];
	v26 =	vmax.f32 v3, v7  }
0x1b4: {  	v4 =	vld [tilespmem:s21+$0x69A0]  }
0x1b5: {  	v24 =	vld [tilespmem:s21+$0x6940];
	v0 =	vmov v10  }
0x1b6: {  	v8 =	vld [tilespmem:s21+$0x6950];
	v1 =	vmov v11  }
0x1b7: {  	v9 =	vld [tilespmem:s21+$0x6960]  }
0x1b8: {  	v15 =	vld [tilespmem:s21+$0x6900]  }
0x1b9: {  	v14 =	vld [tilespmem:s21+$0x6910]  }
0x1ba: {  	v16 =	vld [tilespmem:s21+$0x6920]  }
0x1bb: {  	v17 =	vld [tilespmem:s21+$0x68C0]  }
0x1bc: {  	v20 =	vld [tilespmem:s21+$0x68D0]  }
0x1bd: {  	v21 =	vld [tilespmem:s21+$0x68E0]  }
0x1be: {  	v3 =	vld [tilespmem:s21+$0x6880]  }
0x1bf: {  	v6 =	vld [tilespmem:s21+$0x6800]  }
0x1c0: {  	v7 =	vld [tilespmem:s21+$0x6840]  }
0x1c1: {  	v27 =	vld [tilespmem:s21+$0x6890]  }
.Ltmp5:
0x1c2: {  	v28 =	vld [tilespmem:s21+$0x68A0];
	(pc) =	sbr.rel @p0 .LBB2_12-.Ltmp5, $4  }
0x1c3: {  	v30 =	vld [tilespmem:s21+$0x6850]  }
0x1c4: {  	v5 =	vmax.f32 v5, v6;
	v31 =	vld [tilespmem:s21+$0x6860]  }
0x1c5: {  	v32 =	vld [tilespmem:s21+$0x6810];
	v5 =	vmax.f32 v5, v7  }
0x1c6: {  	s22 =	sadd.s32 $0x800, s22;
	v33 =	vld [tilespmem:s21+$0x6820];
	v34 =	vmax.f32 v5, v3  }
0x1c7: {  	v35 =	vld [tilespmem:s21+$0x6830]  }
0x1c8: {  	v36 =	vld [tilespmem:s21+$0x6870]  }
0x1c9: {  	v37 =	vld [tilespmem:s21+$0x68B0]  }
0x1ca: {  	v38 =	vld [tilespmem:s21+$0x68F0]  }
0x1cb: {  	v39 =	vld [tilespmem:s21+$0x6930]  }
0x1cc: {  	v40 =	vld [tilespmem:s21+$0x6970]  }
0x1cd: {  	v41 =	vld [tilespmem:s21+$0x69B0]  }
0x1ce: {  	v42 =	vld [tilespmem:s21+$0x69F0];
	_ =	swait.ge [sflag:s16], $0x1A00  }
0x1cf: {  	[sflag:s16] =	ssyncset.done $0x0  }
0x1d0: {  	s21 =	simm.s32 $0x0;
	[sflag:s16] =	ssyncadd.s32 $0xFFFFE600  }
0x1d1: {  	v13 =	vld [tilespmem:s21+$0x83C0]  }
0x1d2: {  	v6 =	vld [tilespmem:s21+$0x83D0]  }
0x1d3: {  	v3 =	vld [tilespmem:s21+$0x83E0]  }
0x1d4: {  	v18 =	vld [tilespmem:s21+$0x8380]  }
0x1d5: {  	v7 =	vld [tilespmem:s21+$0x8390]  }
0x1d6: {  	v5 =	vld [tilespmem:s21+$0x83A0]  }
0x1d7: {  	v23 =	vld [tilespmem:s21+$0x8340]  }
0x1d8: {  	v11 =	vld [tilespmem:s21+$0x8350]  }
0x1d9: {  	v10 =	vld [tilespmem:s21+$0x8360]  }
0x1da: {  	v29 =	vld [tilespmem:s21+$0x8300]  }
0x1db: {  	v34 =	vmax.f32 v34, v17;
	v17 =	vld [tilespmem:s21+$0x8310]  }
0x1dc: {  	v34 =	vmax.f32 v34, v15;
	v15 =	vld [tilespmem:s21+$0x8320]  }
0x1dd: {  	v34 =	vmax.f32 v34, v24;
	v24 =	vld [tilespmem:s21+$0x82C0]  }
0x1de: {  	v34 =	vmax.f32 v34, v19;
	v19 =	vld [tilespmem:s21+$0x82D0]  }
0x1df: {  	v22 =	vmax.f32 v22, v32;
	v63 =	vld [tilespmem:s21+$0x8280]  }
0x1e0: {  	v34 =	vmax.f32 v34, v12;
	v12 =	vld [tilespmem:s21+$0x82E0];
	v25 =	vmax.f32 v25, v33;
	v22 =	vmax.f32 v22, v30  }
0x1e1: {  	v30 =	vld [tilespmem:s21+$0x8200];
	v26 =	vmax.f32 v26, v35;
	v25 =	vmax.f32 v25, v31;
	v22 =	vmax.f32 v22, v27  }
0x1e2: {  	v27 =	vld [tilespmem:s21+$0x8240];
	v26 =	vmax.f32 v26, v36;
	v25 =	vmax.f32 v25, v28;
	v22 =	vmax.f32 v22, v20  }
0x1e3: {  	v20 =	vld [tilespmem:s21+$0x8290];
	v26 =	vmax.f32 v26, v37;
	v21 =	vmax.f32 v25, v21;
	v22 =	vmax.f32 v22, v14  }
0x1e4: {  	v14 =	vld [tilespmem:s21+$0x82A0];
	v25 =	vmax.f32 v26, v38;
	v16 =	vmax.f32 v21, v16;
	v22 =	vmax.f32 v22, v8  }
0x1e5: {  	v8 =	vld [tilespmem:s21+$0x8250];
	v21 =	vmax.f32 v25, v39;
	v9 =	vmax.f32 v16, v9;
	v2 =	vmax.f32 v22, v2  }
0x1e6: {  	v16 =	vmax.f32 v21, v40;
	v9 =	vmax.f32 v9, v4;
	v21 =	vmax.f32 v34, v30;
	v4 =	vld [tilespmem:s21+$0x8260]  }
0x1e7: {  	v2 =	vmax.f32 v2, v0;
	v22 =	vmax.f32 v16, v41;
	v21 =	vmax.f32 v21, v27;
	v16 =	vld [tilespmem:s21+$0x8210]  }
0x1e8: {  	s22 =	simm.s32 $0x800;
	v1 =	vmax.f32 v9, v1;
	v9 =	vld [tilespmem:s21+$0x8220];
	v0 =	vmax.f32 v22, v42;
	v21 =	vmax.f32 v21, v63  }
.LBB2_14:
0x1e9: {  	p0 =	sne.s32 s22, $0x6000;
	v22 =	vld [tilespmem:s21+$0x8230];
	v21 =	vmax.f32 v21, v24  }
0x1ea: {  	v24 =	vld [tilespmem:s21+$0x8270];
	v21 =	vmax.f32 v21, v29  }
0x1eb: {  	v25 =	vld [tilespmem:s21+$0x82B0];
	v21 =	vmax.f32 v21, v23  }
0x1ec: {  	v23 =	vld [tilespmem:s21+$0x82F0];
	v18 =	vmax.f32 v21, v18  }
0x1ed: {  	v21 =	vld [tilespmem:s21+$0x8330];
	v26 =	vmax.f32 v18, v13  }
0x1ee: {  	v2 =	vmax.f32 v2, v16;
	v1 =	vmax.f32 v1, v9;
	v0 =	vmax.f32 v0, v22;
	v9 =	vld [tilespmem:s21+$0x8370]  }
0x1ef: {  	v2 =	vmax.f32 v2, v8;
	v1 =	vmax.f32 v1, v4;
	v0 =	vmax.f32 v0, v24;
	v4 =	vld [tilespmem:s21+$0x83B0]  }
0x1f0: {  	v2 =	vmax.f32 v2, v20;
	v1 =	vmax.f32 v1, v14;
	v0 =	vmax.f32 v0, v25;
	v8 =	vld [tilespmem:s21+$0x83F0];
	s21 =	sshra.s32 s22, $0x2  }
0x1f1: {  	v2 =	vmax.f32 v2, v19;
	v1 =	vmax.f32 v1, v12;
	v13 =	vld [tilespmem:s21+$0x83C0];
	v0 =	vmax.f32 v0, v23  }
0x1f2: {  	v2 =	vmax.f32 v2, v17;
	v1 =	vmax.f32 v1, v15;
	v12 =	vld [tilespmem:s21+$0x83D0];
	v0 =	vmax.f32 v0, v21  }
0x1f3: {  	v2 =	vmax.f32 v2, v11;
	v1 =	vmax.f32 v1, v10;
	v14 =	vld [tilespmem:s21+$0x83E0];
	v0 =	vmax.f32 v0, v9  }
0x1f4: {  	v2 =	vmax.f32 v2, v7;
	v1 =	vmax.f32 v1, v5;
	v18 =	vld [tilespmem:s21+$0x8380];
	v0 =	vmax.f32 v0, v4  }
0x1f5: {  	v2 =	vmax.f32 v2, v6;
	v1 =	vmax.f32 v1, v3;
	v7 =	vld [tilespmem:s21+$0x8390];
	v0 =	vmax.f32 v0, v8  }
0x1f6: {  	v5 =	vld [tilespmem:s21+$0x83A0]  }
0x1f7: {  	v23 =	vld [tilespmem:s21+$0x8340];
	v6 =	vmov v12  }
0x1f8: {  	v11 =	vld [tilespmem:s21+$0x8350];
	v3 =	vmov v14  }
0x1f9: {  	v10 =	vld [tilespmem:s21+$0x8360]  }
0x1fa: {  	v29 =	vld [tilespmem:s21+$0x8300]  }
0x1fb: {  	v17 =	vld [tilespmem:s21+$0x8310]  }
0x1fc: {  	v15 =	vld [tilespmem:s21+$0x8320]  }
0x1fd: {  	v24 =	vld [tilespmem:s21+$0x82C0]  }
0x1fe: {  	v19 =	vld [tilespmem:s21+$0x82D0]  }
0x1ff: {  	v12 =	vld [tilespmem:s21+$0x82E0]  }
0x200: {  	v21 =	vld [tilespmem:s21+$0x8280]  }
0x201: {  	v4 =	vld [tilespmem:s21+$0x8200]  }
0x202: {  	v9 =	vld [tilespmem:s21+$0x8240]  }
0x203: {  	v20 =	vld [tilespmem:s21+$0x8290]  }
.Ltmp6:
0x204: {  	v14 =	vld [tilespmem:s21+$0x82A0];
	(pc) =	sbr.rel @p0 .LBB2_14-.Ltmp6, $4  }
0x205: {  	v8 =	vld [tilespmem:s21+$0x8250]  }
0x206: {  	v22 =	vmax.f32 v26, v4;
	v4 =	vld [tilespmem:s21+$0x8260]  }
0x207: {  	v16 =	vld [tilespmem:s21+$0x8210];
	v22 =	vmax.f32 v22, v9  }
0x208: {  	s22 =	sadd.s32 $0x800, s22;
	v9 =	vld [tilespmem:s21+$0x8220];
	v21 =	vmax.f32 v22, v21  }
0x209: {  	v21 =	vmax.f32 v21, v24  }
0x20a: {  	v21 =	vmax.f32 v21, v29  }
0x20b: {  	v21 =	vmax.f32 v21, v23  }
0x20c: {  	v18 =	vmax.f32 v21, v18  }
0x20d: {  	v13 =	vmax.f32 v18, v13  }
0x20e: {  	v13 =	vadd.f32 v13, v13;
	_ =	sdelay $0x1  }
0x20f: {  	v13 =	vmul.f32 $1.442695020e+00, v13;
	_ =	sdelay $0x1  }
0x210: {  	(erf) = vpow2.f32 v13  }
0x211: {  	v2 =	vmax.f32 v2, v16  }
0x212: {  	v2 =	vmax.f32 v2, v8  }
0x213: {  	v2 =	vmax.f32 v2, v20  }
0x214: {  	v2 =	vmax.f32 v2, v19  }
0x215: {  	v2 =	vmax.f32 v2, v17  }
0x216: {  	v2 =	vmax.f32 v2, v11  }
0x217: {  	v2 =	vmax.f32 v2, v7  }
0x218: {  	v2 =	vmax.f32 v2, v6  }
0x219: {  	v2 =	vadd.f32 v2, v2;
	v6 =	vpop (erf)  }
0x21a: {  	v6 =	vadd.f32 $1.000000000e+00, v6  }
0x21b: {  	v2 =	vmul.f32 $1.442695020e+00, v2  }
0x21c: {  	(erf) = vrcp.f32 v6  }
0x21d: {  	(erf) = vpow2.f32 v2  }
0x21e: {  	v1 =	vmax.f32 v1, v9  }
0x21f: {  	v1 =	vmax.f32 v1, v4  }
0x220: {  	v1 =	vmax.f32 v1, v14  }
0x221: {  	v1 =	vmax.f32 v1, v12  }
0x222: {  	v1 =	vmax.f32 v1, v15  }
0x223: {  	v1 =	vmax.f32 v1, v10  }
0x224: {  	v1 =	vmax.f32 v1, v5  }
0x225: {  	v1 =	vmax.f32 v1, v3;
	v2 =	vpop (erf)  }
0x226: {  	v3 =	vld [tilespmem:s21+$0x8230];
	v1 =	vadd.f32 v1, v1;
	v4 =	vpop (erf)  }
0x227: {  	v5 =	vld [tilespmem:s21+$0x8270];
	v4 =	vadd.f32 $1.000000000e+00, v4  }
0x228: {  	v1 =	vmul.f32 $1.442695020e+00, v1;
	v6 =	vld [tilespmem:s21+$0x82B0]  }
0x229: {  	v7 =	vld [tilespmem:s21+$0x82F0];
	(erf) = vrcp.f32 v4  }
0x22a: {  	v4 =	vld [tilespmem:s21+$0x8330];
	(erf) = vpow2.f32 v1  }
0x22b: {  	v0 =	vmax.f32 v0, v3;
	v1 =	vld [tilespmem:s21+$0x8370]  }
0x22c: {  	v3 =	vld [tilespmem:s21+$0x83B0];
	v0 =	vmax.f32 v0, v5  }
0x22d: {  	v5 =	vld [tilespmem:s21+$0x83F0];
	v0 =	vmax.f32 v0, v6  }
0x22e: {  	v0 =	vmax.f32 v0, v7  }
0x22f: {  	v0 =	vmax.f32 v0, v4  }
0x230: {  	v0 =	vmax.f32 v0, v1  }
0x231: {  	v0 =	vmax.f32 v0, v3  }
0x232: {  	v0 =	vmax.f32 v0, v5;
	v1 =	vpop (erf)  }
0x233: {  	v0 =	vadd.f32 v0, v0;
	v3 =	vpop (erf)  }
0x234: {  	v3 =	vadd.f32 $1.000000000e+00, v3  }
0x235: {  	v0 =	vmul.f32 $1.442695020e+00, v0  }
0x236: {  	(erf) = vrcp.f32 v3  }
0x237: {  	(erf) = vpow2.f32 v0;
	_ =	sdelay $0x7  }
0x238: {  	v0 =	vpop (erf)  }
0x239: {  	v3 =	vpop (erf)  }
0x23a: {  	v3 =	vadd.f32 $1.000000000e+00, v3;
	_ =	sdelay $0x1  }
0x23b: {  	(erf) = vrcp.f32 v3;
	_ =	sdelay $0x6  }
0x23c: {  	v2 =	vadd.f32 v2, v2  }
0x23d: {  	v1 =	vadd.f32 v1, v1  }
0x23e: {  	v2 =	vsub.f32 $1.000000000e+00, v2;
	v0 =	vadd.f32 v0, v0;
	v3 =	vpop (erf)  }
0x23f: {  	v1 =	vsub.f32 $1.000000000e+00, v1;
	v3 =	vadd.f32 v3, v3  }
0x240: {  	[tilespmem:$0xEF80] =	vst v2;
	v0 =	vsub.f32 $1.000000000e+00, v0  }
0x241: {  	[tilespmem:$0xEF90] =	vst v1;
	v1 =	vsub.f32 $1.000000000e+00, v3  }
0x242: {  	[tilespmem:$0xEFA0] =	vst v0  }
0x243: {  	[tilespmem:$0xEFB0] =	vst v1  }
0x244: {  	_ =	swait.ge [sflag:s17], $0x1A00  }
0x245: {  	[sflag:s17] =	ssyncset.done $0x0  }
0x246: {  	s21 =	simm.s32 $0x0;
	[sflag:s17] =	ssyncadd.s32 $0xFFFFE600  }
0x247: {  	v12 =	vld [tilespmem:s21+$0x9DC0]  }
0x248: {  	v0 =	vld [tilespmem:s21+$0x9DD0]  }
0x249: {  	v1 =	vld [tilespmem:s21+$0x9DE0]  }
0x24a: {  	v19 =	vld [tilespmem:s21+$0x9D80]  }
0x24b: {  	v2 =	vld [tilespmem:s21+$0x9D90]  }
0x24c: {  	v4 =	vld [tilespmem:s21+$0x9DA0]  }
0x24d: {  	v24 =	vld [tilespmem:s21+$0x9D40]  }
0x24e: {  	v8 =	vld [tilespmem:s21+$0x9D50]  }
0x24f: {  	v9 =	vld [tilespmem:s21+$0x9D60]  }
0x250: {  	v15 =	vld [tilespmem:s21+$0x9D00]  }
0x251: {  	v14 =	vld [tilespmem:s21+$0x9D10]  }
0x252: {  	v16 =	vld [tilespmem:s21+$0x9D20]  }
0x253: {  	v17 =	vld [tilespmem:s21+$0x9CC0]  }
0x254: {  	v20 =	vld [tilespmem:s21+$0x9CD0]  }
0x255: {  	v21 =	vld [tilespmem:s21+$0x9CE0]  }
0x256: {  	v3 =	vld [tilespmem:s21+$0x9C80]  }
0x257: {  	v5 =	vld [tilespmem:s21+$0x9C00]  }
0x258: {  	v6 =	vld [tilespmem:s21+$0x9C40]  }
0x259: {  	v27 =	vld [tilespmem:s21+$0x9C90]  }
0x25a: {  	v28 =	vld [tilespmem:s21+$0x9CA0]  }
0x25b: {  	v22 =	vimm.f32 $-Inf;
	v30 =	vld [tilespmem:s21+$0x9C50]  }
0x25c: {  	v31 =	vld [tilespmem:s21+$0x9C60];
	v5 =	vmax.f32 v22, v5  }
0x25d: {  	v32 =	vld [tilespmem:s21+$0x9C10];
	v5 =	vmax.f32 v5, v6  }
0x25e: {  	s22 =	simm.s32 $0x800;
	v25 =	vimm.f32 $-Inf;
	v26 =	vimm.f32 $-Inf;
	v33 =	vld [tilespmem:s21+$0x9C20];
	v34 =	vmax.f32 v5, v3  }
.LBB2_16:
0x25f: {  	p0 =	sne.s32 s22, $0x6000;
	v3 =	vld [tilespmem:s21+$0x9C30];
	v5 =	vmax.f32 v34, v17  }
0x260: {  	v6 =	vld [tilespmem:s21+$0x9C70];
	v5 =	vmax.f32 v5, v15  }
0x261: {  	v7 =	vld [tilespmem:s21+$0x9CB0];
	v5 =	vmax.f32 v5, v24  }
0x262: {  	v10 =	vld [tilespmem:s21+$0x9CF0];
	v5 =	vmax.f32 v5, v19  }
0x263: {  	v11 =	vld [tilespmem:s21+$0x9D30];
	v5 =	vmax.f32 v5, v12  }
0x264: {  	v12 =	vmax.f32 v22, v32;
	v13 =	vmax.f32 v25, v33;
	v3 =	vmax.f32 v26, v3;
	v15 =	vld [tilespmem:s21+$0x9D70]  }
0x265: {  	v12 =	vmax.f32 v12, v30;
	v13 =	vmax.f32 v13, v31;
	v3 =	vmax.f32 v3, v6;
	v6 =	vld [tilespmem:s21+$0x9DB0]  }
0x266: {  	v17 =	vmax.f32 v12, v27;
	v13 =	vmax.f32 v13, v28;
	v3 =	vmax.f32 v3, v7;
	v7 =	vld [tilespmem:s21+$0x9DF0];
	s21 =	sshra.s32 s22, $0x2  }
0x267: {  	v17 =	vmax.f32 v17, v20;
	v13 =	vmax.f32 v13, v21;
	v12 =	vld [tilespmem:s21+$0x9DC0];
	v3 =	vmax.f32 v3, v10  }
0x268: {  	v14 =	vmax.f32 v17, v14;
	v13 =	vmax.f32 v13, v16;
	v10 =	vld [tilespmem:s21+$0x9DD0];
	v3 =	vmax.f32 v3, v11  }
0x269: {  	v8 =	vmax.f32 v14, v8;
	v9 =	vmax.f32 v13, v9;
	v11 =	vld [tilespmem:s21+$0x9DE0];
	v3 =	vmax.f32 v3, v15  }
0x26a: {  	v8 =	vmax.f32 v8, v2;
	v4 =	vmax.f32 v9, v4;
	v19 =	vld [tilespmem:s21+$0x9D80];
	v3 =	vmax.f32 v3, v6  }
0x26b: {  	v22 =	vmax.f32 v8, v0;
	v25 =	vmax.f32 v4, v1;
	v2 =	vld [tilespmem:s21+$0x9D90];
	v26 =	vmax.f32 v3, v7  }
0x26c: {  	v4 =	vld [tilespmem:s21+$0x9DA0]  }
0x26d: {  	v24 =	vld [tilespmem:s21+$0x9D40];
	v0 =	vmov v10  }
0x26e: {  	v8 =	vld [tilespmem:s21+$0x9D50];
	v1 =	vmov v11  }
0x26f: {  	v9 =	vld [tilespmem:s21+$0x9D60]  }
0x270: {  	v15 =	vld [tilespmem:s21+$0x9D00]  }
0x271: {  	v14 =	vld [tilespmem:s21+$0x9D10]  }
0x272: {  	v16 =	vld [tilespmem:s21+$0x9D20]  }
0x273: {  	v17 =	vld [tilespmem:s21+$0x9CC0]  }
0x274: {  	v20 =	vld [tilespmem:s21+$0x9CD0]  }
0x275: {  	v21 =	vld [tilespmem:s21+$0x9CE0]  }
0x276: {  	v3 =	vld [tilespmem:s21+$0x9C80]  }
0x277: {  	v6 =	vld [tilespmem:s21+$0x9C00]  }
0x278: {  	v7 =	vld [tilespmem:s21+$0x9C40]  }
0x279: {  	v27 =	vld [tilespmem:s21+$0x9C90]  }
.Ltmp7:
0x27a: {  	v28 =	vld [tilespmem:s21+$0x9CA0];
	(pc) =	sbr.rel @p0 .LBB2_16-.Ltmp7, $4  }
0x27b: {  	v30 =	vld [tilespmem:s21+$0x9C50]  }
0x27c: {  	v5 =	vmax.f32 v5, v6;
	v31 =	vld [tilespmem:s21+$0x9C60]  }
0x27d: {  	v32 =	vld [tilespmem:s21+$0x9C10];
	v5 =	vmax.f32 v5, v7  }
0x27e: {  	s22 =	sadd.s32 $0x800, s22;
	v33 =	vld [tilespmem:s21+$0x9C20];
	v34 =	vmax.f32 v5, v3  }
0x27f: {  	v35 =	vld [tilespmem:s21+$0x9C30]  }
0x280: {  	v36 =	vld [tilespmem:s21+$0x9C70]  }
0x281: {  	v37 =	vld [tilespmem:s21+$0x9CB0]  }
0x282: {  	v38 =	vld [tilespmem:s21+$0x9CF0]  }
0x283: {  	v39 =	vld [tilespmem:s21+$0x9D30]  }
0x284: {  	v40 =	vld [tilespmem:s21+$0x9D70]  }
0x285: {  	v41 =	vld [tilespmem:s21+$0x9DB0]  }
0x286: {  	v42 =	vld [tilespmem:s21+$0x9DF0];
	_ =	swait.ge [sflag:s18], $0x1A00  }
0x287: {  	[sflag:s18] =	ssyncset.done $0x0  }
0x288: {  	s21 =	simm.s32 $0x0;
	[sflag:s18] =	ssyncadd.s32 $0xFFFFE600  }
0x289: {  	v13 =	vld [tilespmem:s21+$0xB7C0]  }
0x28a: {  	v6 =	vld [tilespmem:s21+$0xB7D0]  }
0x28b: {  	v3 =	vld [tilespmem:s21+$0xB7E0]  }
0x28c: {  	v18 =	vld [tilespmem:s21+$0xB780]  }
0x28d: {  	v7 =	vld [tilespmem:s21+$0xB790]  }
0x28e: {  	v5 =	vld [tilespmem:s21+$0xB7A0]  }
0x28f: {  	v23 =	vld [tilespmem:s21+$0xB740]  }
0x290: {  	v11 =	vld [tilespmem:s21+$0xB750]  }
0x291: {  	v10 =	vld [tilespmem:s21+$0xB760]  }
0x292: {  	v29 =	vld [tilespmem:s21+$0xB700]  }
0x293: {  	v34 =	vmax.f32 v34, v17;
	v17 =	vld [tilespmem:s21+$0xB710]  }
0x294: {  	v34 =	vmax.f32 v34, v15;
	v15 =	vld [tilespmem:s21+$0xB720]  }
0x295: {  	v34 =	vmax.f32 v34, v24;
	v24 =	vld [tilespmem:s21+$0xB6C0]  }
0x296: {  	v34 =	vmax.f32 v34, v19;
	v19 =	vld [tilespmem:s21+$0xB6D0]  }
0x297: {  	v22 =	vmax.f32 v22, v32;
	v63 =	vld [tilespmem:s21+$0xB680]  }
0x298: {  	v34 =	vmax.f32 v34, v12;
	v12 =	vld [tilespmem:s21+$0xB6E0];
	v25 =	vmax.f32 v25, v33;
	v22 =	vmax.f32 v22, v30  }
0x299: {  	v30 =	vld [tilespmem:s21+$0xB600];
	v26 =	vmax.f32 v26, v35;
	v25 =	vmax.f32 v25, v31;
	v22 =	vmax.f32 v22, v27  }
0x29a: {  	v27 =	vld [tilespmem:s21+$0xB640];
	v26 =	vmax.f32 v26, v36;
	v25 =	vmax.f32 v25, v28;
	v22 =	vmax.f32 v22, v20  }
0x29b: {  	v20 =	vld [tilespmem:s21+$0xB690];
	v26 =	vmax.f32 v26, v37;
	v21 =	vmax.f32 v25, v21;
	v22 =	vmax.f32 v22, v14  }
0x29c: {  	v14 =	vld [tilespmem:s21+$0xB6A0];
	v25 =	vmax.f32 v26, v38;
	v16 =	vmax.f32 v21, v16;
	v22 =	vmax.f32 v22, v8  }
0x29d: {  	v8 =	vld [tilespmem:s21+$0xB650];
	v21 =	vmax.f32 v25, v39;
	v9 =	vmax.f32 v16, v9;
	v2 =	vmax.f32 v22, v2  }
0x29e: {  	v16 =	vmax.f32 v21, v40;
	v9 =	vmax.f32 v9, v4;
	v21 =	vmax.f32 v34, v30;
	v4 =	vld [tilespmem:s21+$0xB660]  }
0x29f: {  	v2 =	vmax.f32 v2, v0;
	v22 =	vmax.f32 v16, v41;
	v21 =	vmax.f32 v21, v27;
	v16 =	vld [tilespmem:s21+$0xB610]  }
0x2a0: {  	s22 =	simm.s32 $0x800;
	v1 =	vmax.f32 v9, v1;
	v9 =	vld [tilespmem:s21+$0xB620];
	v0 =	vmax.f32 v22, v42;
	v21 =	vmax.f32 v21, v63  }
.LBB2_18:
0x2a1: {  	p0 =	sne.s32 s22, $0x6000;
	v22 =	vld [tilespmem:s21+$0xB630];
	v21 =	vmax.f32 v21, v24  }
0x2a2: {  	v24 =	vld [tilespmem:s21+$0xB670];
	v21 =	vmax.f32 v21, v29  }
0x2a3: {  	v25 =	vld [tilespmem:s21+$0xB6B0];
	v21 =	vmax.f32 v21, v23  }
0x2a4: {  	v23 =	vld [tilespmem:s21+$0xB6F0];
	v18 =	vmax.f32 v21, v18  }
0x2a5: {  	v21 =	vld [tilespmem:s21+$0xB730];
	v26 =	vmax.f32 v18, v13  }
0x2a6: {  	v2 =	vmax.f32 v2, v16;
	v1 =	vmax.f32 v1, v9;
	v0 =	vmax.f32 v0, v22;
	v9 =	vld [tilespmem:s21+$0xB770]  }
0x2a7: {  	v2 =	vmax.f32 v2, v8;
	v1 =	vmax.f32 v1, v4;
	v0 =	vmax.f32 v0, v24;
	v4 =	vld [tilespmem:s21+$0xB7B0]  }
0x2a8: {  	v2 =	vmax.f32 v2, v20;
	v1 =	vmax.f32 v1, v14;
	v0 =	vmax.f32 v0, v25;
	v8 =	vld [tilespmem:s21+$0xB7F0];
	s21 =	sshra.s32 s22, $0x2  }
0x2a9: {  	v2 =	vmax.f32 v2, v19;
	v1 =	vmax.f32 v1, v12;
	v13 =	vld [tilespmem:s21+$0xB7C0];
	v0 =	vmax.f32 v0, v23  }
0x2aa: {  	v2 =	vmax.f32 v2, v17;
	v1 =	vmax.f32 v1, v15;
	v12 =	vld [tilespmem:s21+$0xB7D0];
	v0 =	vmax.f32 v0, v21  }
0x2ab: {  	v2 =	vmax.f32 v2, v11;
	v1 =	vmax.f32 v1, v10;
	v14 =	vld [tilespmem:s21+$0xB7E0];
	v0 =	vmax.f32 v0, v9  }
0x2ac: {  	v2 =	vmax.f32 v2, v7;
	v1 =	vmax.f32 v1, v5;
	v18 =	vld [tilespmem:s21+$0xB780];
	v0 =	vmax.f32 v0, v4  }
0x2ad: {  	v2 =	vmax.f32 v2, v6;
	v1 =	vmax.f32 v1, v3;
	v7 =	vld [tilespmem:s21+$0xB790];
	v0 =	vmax.f32 v0, v8  }
0x2ae: {  	v5 =	vld [tilespmem:s21+$0xB7A0]  }
0x2af: {  	v23 =	vld [tilespmem:s21+$0xB740];
	v6 =	vmov v12  }
0x2b0: {  	v11 =	vld [tilespmem:s21+$0xB750];
	v3 =	vmov v14  }
0x2b1: {  	v10 =	vld [tilespmem:s21+$0xB760]  }
0x2b2: {  	v29 =	vld [tilespmem:s21+$0xB700]  }
0x2b3: {  	v17 =	vld [tilespmem:s21+$0xB710]  }
0x2b4: {  	v15 =	vld [tilespmem:s21+$0xB720]  }
0x2b5: {  	v24 =	vld [tilespmem:s21+$0xB6C0]  }
0x2b6: {  	v19 =	vld [tilespmem:s21+$0xB6D0]  }
0x2b7: {  	v12 =	vld [tilespmem:s21+$0xB6E0]  }
0x2b8: {  	v21 =	vld [tilespmem:s21+$0xB680]  }
0x2b9: {  	v4 =	vld [tilespmem:s21+$0xB600]  }
0x2ba: {  	v9 =	vld [tilespmem:s21+$0xB640]  }
0x2bb: {  	v20 =	vld [tilespmem:s21+$0xB690]  }
.Ltmp8:
0x2bc: {  	v14 =	vld [tilespmem:s21+$0xB6A0];
	(pc) =	sbr.rel @p0 .LBB2_18-.Ltmp8, $4  }
0x2bd: {  	v8 =	vld [tilespmem:s21+$0xB650]  }
0x2be: {  	v22 =	vmax.f32 v26, v4;
	v4 =	vld [tilespmem:s21+$0xB660]  }
0x2bf: {  	v16 =	vld [tilespmem:s21+$0xB610];
	v22 =	vmax.f32 v22, v9  }
0x2c0: {  	s22 =	sadd.s32 $0x800, s22;
	v9 =	vld [tilespmem:s21+$0xB620];
	v21 =	vmax.f32 v22, v21  }
0x2c1: {  	v21 =	vmax.f32 v21, v24  }
0x2c2: {  	v21 =	vmax.f32 v21, v29  }
0x2c3: {  	v21 =	vmax.f32 v21, v23  }
0x2c4: {  	v18 =	vmax.f32 v21, v18  }
0x2c5: {  	v13 =	vmax.f32 v18, v13  }
0x2c6: {  	v13 =	vadd.f32 v13, v13;
	_ =	sdelay $0x1  }
0x2c7: {  	v13 =	vmul.f32 $1.442695020e+00, v13;
	_ =	sdelay $0x1  }
0x2c8: {  	(erf) = vpow2.f32 v13  }
0x2c9: {  	v2 =	vmax.f32 v2, v16  }
0x2ca: {  	v2 =	vmax.f32 v2, v8  }
0x2cb: {  	v2 =	vmax.f32 v2, v20  }
0x2cc: {  	v2 =	vmax.f32 v2, v19  }
0x2cd: {  	v2 =	vmax.f32 v2, v17  }
0x2ce: {  	v2 =	vmax.f32 v2, v11  }
0x2cf: {  	v2 =	vmax.f32 v2, v7  }
0x2d0: {  	v2 =	vmax.f32 v2, v6  }
0x2d1: {  	v2 =	vadd.f32 v2, v2;
	v48 =	vpop (erf)  }
0x2d2: {  	v6 =	vadd.f32 $1.000000000e+00, v48  }
0x2d3: {  	v2 =	vmul.f32 $1.442695020e+00, v2  }
0x2d4: {  	(erf) = vrcp.f32 v6  }
0x2d5: {  	(erf) = vpow2.f32 v2  }
0x2d6: {  	v1 =	vmax.f32 v1, v9  }
0x2d7: {  	v1 =	vmax.f32 v1, v4  }
0x2d8: {  	v1 =	vmax.f32 v1, v14  }
0x2d9: {  	v1 =	vmax.f32 v1, v12  }
0x2da: {  	v1 =	vmax.f32 v1, v15  }
0x2db: {  	v1 =	vmax.f32 v1, v10  }
0x2dc: {  	v1 =	vmax.f32 v1, v5  }
0x2dd: {  	v1 =	vmax.f32 v1, v3;
	v49 =	vpop (erf)  }
0x2de: {  	v50 =	vld [tilespmem:s21+$0xB630];
	v1 =	vadd.f32 v1, v1;
	v51 =	vpop (erf)  }
0x2df: {  	v52 =	vld [tilespmem:s21+$0xB670];
	v4 =	vadd.f32 $1.000000000e+00, v51  }
0x2e0: {  	v53 =	vld [tilespmem:s21+$0xB6B0];
	v1 =	vmul.f32 $1.442695020e+00, v1  }
0x2e1: {  	v54 =	vld [tilespmem:s21+$0xB6F0];
	(erf) = vrcp.f32 v4  }
0x2e2: {  	v55 =	vld [tilespmem:s21+$0xB730];
	(erf) = vpow2.f32 v1  }
0x2e3: {  	v56 =	vld [tilespmem:s21+$0xB770];
	v0 =	vmax.f32 v0, v50  }
0x2e4: {  	v57 =	vld [tilespmem:s21+$0xB7B0];
	v0 =	vmax.f32 v0, v52  }
0x2e5: {  	v58 =	vld [tilespmem:s21+$0xB7F0];
	v0 =	vmax.f32 v0, v53  }
0x2e6: {  	v0 =	vmax.f32 v0, v54  }
0x2e7: {  	v0 =	vmax.f32 v0, v55  }
0x2e8: {  	v0 =	vmax.f32 v0, v56  }
0x2e9: {  	v0 =	vmax.f32 v0, v57  }
0x2ea: {  	v0 =	vmax.f32 v0, v58;
	v59 =	vpop (erf)  }
0x2eb: {  	v0 =	vadd.f32 v0, v0;
	v60 =	vpop (erf)  }
0x2ec: {  	v3 =	vadd.f32 $1.000000000e+00, v60  }
0x2ed: {  	v0 =	vmul.f32 $1.442695020e+00, v0  }
0x2ee: {  	(erf) = vrcp.f32 v3  }
0x2ef: {  	(erf) = vpow2.f32 v0;
	_ =	sdelay $0x7  }
0x2f0: {  	v61 =	vpop (erf)  }
0x2f1: {  	v62 =	vpop (erf)  }
0x2f2: {  	v3 =	vadd.f32 $1.000000000e+00, v62;
	_ =	sdelay $0x1  }
0x2f3: {  	(erf) = vrcp.f32 v3;
	_ =	sdelay $0x6  }
0x2f4: {  	v2 =	vadd.f32 v49, v49  }
0x2f5: {  	v1 =	vadd.f32 v59, v59  }
0x2f6: {  	v2 =	vsub.f32 $1.000000000e+00, v2;
	v0 =	vadd.f32 v61, v61;
	v3 =	vpop (erf)  }
0x2f7: {  	v1 =	vsub.f32 $1.000000000e+00, v1;
	v3 =	vadd.f32 v3, v3  }
0x2f8: {  	[tilespmem:$0xEFC0] =	vst v2;
	v0 =	vsub.f32 $1.000000000e+00, v0  }
0x2f9: {  	s20 =	sadd.s32 $0x1, s20;
	[tilespmem:$0xEFD0] =	vst v1;
	v63 =	vsub.f32 $1.000000000e+00, v3  }
0x2fa: {  	p0 =	sne.s32 s20, s6;
	[tilespmem:$0xEFE0] =	vst v0  }
.Ltmp9:
0x2fb: {  	[tilespmem:$0xEFF0] =	vst v63;
	(pc) =	sbr.rel @p0 .LBB2_1-.Ltmp9, $4  }
0x2fc: {  	[hbm4b:s5+s2] =	stream.linear.scatter [tilespmem:s19], [sflag:$0x5], $0x2000, $0x38;
	[tilespmem:$0xF000] =	vst v63  }
0x2fd: {  	_ =	swait.ge [sflag:s7], $0x2000  }
0x2fe: {  	[sflag:s7] =	ssyncset.done $0x0  }
0x2ff: {  	[sflag:s7] =	ssyncadd.s32 $0xFFFFE000  }
0x300: {  	_ =	sfence.sel $0x180000  }
0x301: {  	[bflag:$0x0] =	sbarrier.arrive $0xFFFF  }
0x302: {  	p0 =	sne.s32 s0, $0x0;
	_ =	strace $0x90000047  }
0x303: {  	s0 =	sadd.s32 @!p0 $0x100000, s1;
	[bflag:$0x2] =	sbarrier.arrive $0xFFFF  }
0x304: {  	[sflag:s0] =	ssyncadd.tile.s32 @!p0 $0x1;
	_ =	shalt  }
.Lfunc_end2:
_tile_overlayer_lowered:
.L_overlay_start_2:
0x305: {  	(tag) =	ssettag $0x2  }
0x306: {  	s0 =	rddreg [dreg:$0x0];
	s2 =	stileid.u32  }
0x307: {  	s1 =	rddreg [dreg:$0x1];
	p0 =	sne.s32 s2, $0x0  }
0x308: {  	s3 =	rddreg [dreg:$0x2];
	[bflag:$0x3] =	sbarrier.arrive $0xFFFF;
	s2 =	simm.s32 @!p0 $0x1C05  }
0x309: {  	[timem:s3], [sflag:s2] =	dma.local @!p0 [hbm:s0], s1  }
0x30a: {  	s0 =	simm.s32 @!p0 $0x5  }
0x30b: {  	_ =	swait.ge @!p0 [sflag:s0], s1  }
0x30c: {  	s1 =	ssub.s32 @!p0 $0x0, s1;
	[sflag:s0] =	ssyncset.done @!p0 $0x0  }
0x30d: {  	[sflag:s0] =	ssyncadd.s32 @!p0 s1  }
0x30e: {  	[bflag:$0x3] =	sbarrier.arrive $0xFFFF  }
0x30f: {  	_ =	shalt  }

</sc_bundles>
